<compile_context>
chip_gen: v7x
topology: tpu7x:2x2x1
jax: 0.10.2.dev20260603
libtpu: 0.0.44.dev20260713+nightly
codegen_flags: <defaults>
</compile_context>

<pallas_src>
import functools

import jax
import jax.numpy as jnp
from jax import lax
from jax.experimental import pallas as pl
from jax.experimental.pallas import tpu as pltpu
from jax.experimental.pallas import tpu_sc as plsc

NC = 2
NS = 16
NW = NC * NS

DEG_W = 32


def _make_deg_kernel(np_, f, e, ch):
    epw = e // NW
    nch = epw // ch
    rpt = np_ // NS
    lanes = 16
    mesh = plsc.VectorSubcoreMesh(core_axis_name="c", subcore_axis_name="s")

    @functools.partial(
        pl.kernel,
        mesh=mesh,
        out_type=jax.ShapeDtypeStruct((NC, np_, f), jnp.float32),
        scratch_types=[
            pltpu.VMEM((ch,), jnp.int32),
            pltpu.VMEM((ch, f), jnp.float32),
            pltpu.VMEM_SHARED((np_, f), jnp.float32),
        ],
    )
    def deg_kernel(dst_hbm, z_hbm, out_hbm, didx, ones_v, acc):
        c = lax.axis_index("c")
        s = lax.axis_index("s")
        wid = s * NC + c
        r0 = s * rpt

        def fill(j, carry):
            r = j // (f // lanes)
            col = (j % (f // lanes)) * lanes
            ones_v[r, pl.ds(col, lanes)] = jnp.full((lanes,), 1.0, jnp.float32)
            return carry

        lax.fori_loop(0, ch * (f // lanes), fill, 0)
        pltpu.sync_copy(z_hbm.at[pl.ds(r0, rpt)], acc.at[pl.ds(r0, rpt)])
        plsc.subcore_barrier()
        base = wid * epw

        def body(j, carry):
            off = pl.multiple_of(base + j * ch, 8)
            pltpu.sync_copy(dst_hbm.at[pl.ds(off, ch)], didx)
            pltpu.sync_copy(ones_v, acc.at[didx], add=True)
            return carry

        lax.fori_loop(0, nch, body, 0)
        plsc.subcore_barrier()
        pltpu.sync_copy(acc.at[pl.ds(r0, rpt)], out_hbm.at[c, pl.ds(r0, rpt)])

    return deg_kernel


def _make_agg_kernel(np_, f, e, ch):
    epw = e // NW
    nch = epw // ch
    rpt = np_ // NS
    mesh = plsc.VectorSubcoreMesh(core_axis_name="c", subcore_axis_name="s")

    nb = 1
    nblk = nch // nb
    assert nch % nb == 0 and nblk >= 3 and nblk % 2 == 1

    @functools.partial(
        pl.kernel,
        mesh=mesh,
        out_type=jax.ShapeDtypeStruct((NC, np_, f), jnp.float32),
        scratch_types=[
            pltpu.VMEM((epw,), jnp.int32),
            pltpu.VMEM((nch, ch), jnp.int32),
            pltpu.VMEM((2, nb, ch, f), jnp.float32),
            pltpu.VMEM_SHARED((np_, f), jnp.float32),
            pltpu.SemaphoreType.DMA,
            pltpu.SemaphoreType.DMA,
            pltpu.SemaphoreType.DMA,
            pltpu.SemaphoreType.DMA,
            pltpu.SemaphoreType.DMA,
            pltpu.SemaphoreType.DMA,
        ],
    )
    def agg_kernel(src_hbm, dst_hbm, g_hbm, z_hbm, out_hbm, sidx_all, didx_all,
                   rows, acc, si0, si1, sg0, sg1, ss0, ss1):
        c = lax.axis_index("c")
        s = lax.axis_index("s")
        wid = s * NC + c
        r0 = s * rpt
        base = wid * epw
        sem_i = (si0, si1)
        sem_g = (sg0, sg1)
        sem_s = (ss0, ss1)

        sidx_cp = pltpu.async_copy(
            src_hbm.at[pl.ds(pl.multiple_of(base, 8), epw)], sidx_all, si0)
        pltpu.sync_copy(z_hbm.at[pl.ds(r0, rpt)], acc.at[pl.ds(r0, rpt)])
        plsc.subcore_barrier()
        sidx_cp.wait()

        def fire(t, st, drain_s):
            if drain_s:
                for b in range(nb):
                    pltpu.make_async_copy(
                        g_hbm.at[pl.ds(0, ch)], rows.at[st, b], sem_s[st]).wait()
            for b in range(nb):
                j = t * nb + b
                off = pl.multiple_of(base + j * ch, 8)
                pltpu.async_copy(dst_hbm.at[pl.ds(off, ch)], didx_all.at[j],
                                 sem_i[st])
                goff = pl.multiple_of(j * ch, 8)
                pltpu.async_copy(g_hbm.at[sidx_all.at[pl.ds(goff, ch)]],
                                 rows.at[st, b], sem_g[st])

        def drain(t, st):
            for b in range(nb):
                pltpu.make_async_copy(
                    g_hbm.at[pl.ds(0, ch)], rows.at[st, b], sem_g[st]).wait()
            for b in range(nb):
                j = t * nb + b
                pltpu.make_async_copy(
                    dst_hbm.at[pl.ds(0, ch)], didx_all.at[j], sem_i[st]).wait()
                pltpu.async_copy(rows.at[st, b], acc.at[didx_all.at[j]],
                                 sem_s[st], add=True)

        fire(0, 0, False)
        fire(1, 1, False)

        def body(i, carry):
            t = 2 * i
            drain(t, 0)
            fire(t + 2, 0, True)
            drain(t + 1, 1)
            fire(t + 3, 1, True)
            return carry

        lax.fori_loop(0, (nblk - 3) // 2, body, 0)
        drain(nblk - 3, 0)
        fire(nblk - 1, 0, True)
        drain(nblk - 2, 1)
        drain(nblk - 1, 0)
        for b in range(nb):
            pltpu.make_async_copy(
                g_hbm.at[pl.ds(0, ch)], rows.at[1, b], sem_s[1]).wait()
        for b in range(nb):
            pltpu.make_async_copy(
                g_hbm.at[pl.ds(0, ch)], rows.at[0, b], sem_s[0]).wait()
        plsc.subcore_barrier()
        pltpu.sync_copy(acc.at[pl.ds(r0, rpt)], out_hbm.at[c, pl.ds(r0, rpt)])

    return agg_kernel


def _tca_body(x_ref, degp_ref, w_ref, out_ref, dinv_ref):
    deg = degp_ref[0, :, 0:1] + degp_ref[1, :, 0:1] + 1.0
    dinv = lax.rsqrt(deg)
    dinv_ref[...] = dinv
    out_ref[...] = dinv * jnp.dot(
        x_ref[...], w_ref[...], preferred_element_type=jnp.float32
    )


def _tcb_body(sp_ref, g_ref, dinv_ref, b_ref, w_ref, out_ref):
    dinv = dinv_ref[...]
    g = g_ref[...]
    pre = dinv * (sp_ref[0] + sp_ref[1] + g) + b_ref[...]
    a = jnp.where(pre > 0, pre, jnp.exp(pre) - 1.0)
    out_ref[...] = dinv * jnp.dot(
        a, w_ref[...], preferred_element_type=jnp.float32
    )


def _tcc_body(sp_ref, g_ref, dinv_ref, b_ref, wfc_ref, bfc_ref, out_ref):
    dinv = dinv_ref[...]
    g = g_ref[...]
    pre = dinv * (sp_ref[0] + sp_ref[1] + g) + b_ref[...]
    a = jnp.where(pre > 0, pre, jnp.exp(pre) - 1.0)
    logits = jnp.dot(a, wfc_ref[...], preferred_element_type=jnp.float32)
    logits = logits + bfc_ref[...]
    m = jnp.max(logits, axis=-1, keepdims=True)
    lse = jnp.log(jnp.sum(jnp.exp(logits - m), axis=-1, keepdims=True))
    out_ref[...] = logits - m - lse


def kernel(x, edge_index, W1, b1, W2, b2, W3, b3, Wfc, bfc):
    n, f_in = x.shape
    h = W1.shape[1]
    c_out = Wfc.shape[1]
    e = edge_index.shape[1]
    ch = 80

    src = edge_index[0]
    dst = edge_index[1]
    np_ = ((n + NS * 8 - 1) // (NS * 8)) * (NS * 8)
    zeros_h = jnp.zeros((np_, h), jnp.float32)
    zeros_d = jnp.zeros((np_, DEG_W), jnp.float32)

    deg_k = _make_deg_kernel(np_, DEG_W, e, ch)
    agg_k = _make_agg_kernel(np_, h, e, ch)

    rb = 1000
    grid = (n // rb,)
    full = lambda shape: pl.BlockSpec(shape, lambda i: (0,) * len(shape))
    rows128 = pl.BlockSpec((rb, h), lambda i: (i, 0))
    degp_spec = pl.BlockSpec((NC, rb, DEG_W), lambda i: (0, i, 0))
    sp_spec = pl.BlockSpec((NC, rb, h), lambda i: (0, i, 0))
    dinv_spec = pl.BlockSpec((rb, 1), lambda i: (i, 0))

    degp = deg_k(dst, zeros_d)

    tca = pl.pallas_call(
        _tca_body,
        grid=grid,
        in_specs=[
            pl.BlockSpec((rb, f_in), lambda i: (i, 0)),
            degp_spec,
            full((f_in, h)),
        ],
        out_specs=[rows128, dinv_spec],
        out_shape=[
            jax.ShapeDtypeStruct((n, h), jnp.float32),
            jax.ShapeDtypeStruct((n, 1), jnp.float32),
        ],
    )
    g1, dinv = tca(x, degp, W1)

    tcb = pl.pallas_call(
        _tcb_body,
        grid=grid,
        in_specs=[sp_spec, rows128, dinv_spec, full((1, h)), full((h, h))],
        out_specs=rows128,
        out_shape=jax.ShapeDtypeStruct((n, h), jnp.float32),
    )
    tcc = pl.pallas_call(
        _tcc_body,
        grid=grid,
        in_specs=[
            sp_spec,
            rows128,
            dinv_spec,
            full((1, h)),
            full((h, c_out)),
            full((1, c_out)),
        ],
        out_specs=pl.BlockSpec((rb, c_out), lambda i: (i, 0)),
        out_shape=jax.ShapeDtypeStruct((n, c_out), jnp.float32),
    )

    sp1 = agg_k(src, dst, g1, zeros_h)
    g2 = tcb(sp1, g1, dinv, b1.reshape(1, h), W2)
    sp2 = agg_k(src, dst, g2, zeros_h)
    g3 = tcb(sp2, g2, dinv, b2.reshape(1, h), W3)
    sp3 = agg_k(src, dst, g3, zeros_h)
    return tcc(sp3, g3, dinv, b3.reshape(1, h), Wfc, bfc.reshape(1, c_out))

# --- scband reference (transcript-rebuilt; emitter-appended) ---
"""Pipeline reference for scband-gcn-30794915512600 (READ-ONLY COPY).

The authoritative reference and input builder live on the scoring server;
editing this copy changes nothing except your own understanding.
"""

import jax, jax.numpy as jnp
import numpy as np

N = 10000
E = 320000
F_IN = 128
H = 128
C = 16


def gcn_conv(x, edge_index, W, b):
    n = x.shape[0]
    loops = jnp.arange(n, dtype=edge_index.dtype)
    src = jnp.concatenate([edge_index[0], loops])
    dst = jnp.concatenate([edge_index[1], loops])
    deg = jax.ops.segment_sum(jnp.ones_like(src, dtype=x.dtype), dst, num_segments=n)
    dinv = jnp.where(deg > 0, jax.lax.rsqrt(jnp.maximum(deg, 1e-12)), 0.0)
    norm = dinv[src] * dinv[dst]
    h = x @ W
    msg = h[src] * norm[:, None]
    out = jax.ops.segment_sum(msg, dst, num_segments=n)
    return out + b


def setup_inputs(seed: int = 0) -> dict:
    key = jax.random.key(seed)
    ks = jax.random.split(key, 12)
    x = jax.random.normal(ks[0], (N, F_IN), dtype=jnp.float32)
    edge_index = jax.random.randint(ks[1], (2, E), 0, N, dtype=jnp.int32)
    W1 = jax.random.normal(ks[2], (F_IN, H), dtype=jnp.float32) * (1.0 / np.sqrt(F_IN))
    b1 = jnp.zeros((H,), dtype=jnp.float32)
    W2 = jax.random.normal(ks[3], (H, H), dtype=jnp.float32) * (1.0 / np.sqrt(H))
    b2 = jnp.zeros((H,), dtype=jnp.float32)
    W3 = jax.random.normal(ks[4], (H, H), dtype=jnp.float32) * (1.0 / np.sqrt(H))
    b3 = jnp.zeros((H,), dtype=jnp.float32)
    Wfc = jax.random.normal(ks[5], (H, C), dtype=jnp.float32) * (1.0 / np.sqrt(H))
    bfc = jnp.zeros((C,), dtype=jnp.float32)
    return {"x": x, "edge_index": edge_index, "W1": W1, "b1": b1, "W2": W2, "b2": b2, "W3": W3, "b3": b3, "Wfc": Wfc, "bfc": bfc}


def reference(x, edge_index, W1, b1, W2, b2, W3, b3, Wfc, bfc):
    h = gcn_conv(x, edge_index, W1, b1)
    h = jax.nn.elu(h)
    # dropout is identity in eval mode
    h = gcn_conv(h, edge_index, W2, b2)
    h = jax.nn.elu(h)
    h = gcn_conv(h, edge_index, W3, b3)
    h = jax.nn.elu(h)
    logits = h @ Wfc + bfc
    return jax.nn.log_softmax(logits, axis=-1)

if __name__ == "__main__":
    import jax
    _d = setup_inputs()
    print(jax.jit(kernel)(*tuple(_d.values())))

</pallas_src>

<mosaic_0001>
#map = affine_map<(d0, d1) -> (0)>
#map1 = affine_map<(d0, d1) -> (0, 0)>
#map2 = affine_map<(d0, d1) -> (0, 0, 0)>
module attributes {stable_mosaic.version = 14 : i64} {
  func.func @agg_kernel(%arg0: i32, %arg1: i32, %arg2: memref<320000xi32, #tpu.memory_space<hbm>>, %arg3: memref<320000xi32, #tpu.memory_space<hbm>>, %arg4: memref<10000x128xf32, #tpu.memory_space<hbm>>, %arg5: memref<10112x128xf32, #tpu.memory_space<hbm>>, %arg6: memref<2x10112x128xf32, #tpu.memory_space<hbm>>, %arg7: memref<10000xi32, #tpu.memory_space<vmem>>, %arg8: memref<125x80xi32, #tpu.memory_space<vmem>>, %arg9: memref<2x1x80x128xf32, #tpu.memory_space<vmem>>, %arg10: memref<10112x128xf32, #tpu.memory_space<vmem_shared>>, %arg11: memref<!tpu.dma_semaphore, #tpu.memory_space<semaphore_mem>>, %arg12: memref<!tpu.dma_semaphore, #tpu.memory_space<semaphore_mem>>, %arg13: memref<!tpu.dma_semaphore, #tpu.memory_space<semaphore_mem>>, %arg14: memref<!tpu.dma_semaphore, #tpu.memory_space<semaphore_mem>>, %arg15: memref<!tpu.dma_semaphore, #tpu.memory_space<semaphore_mem>>, %arg16: memref<!tpu.dma_semaphore, #tpu.memory_space<semaphore_mem>>) attributes {dimension_semantics = [#tpu.dimension_semantics<core_parallel>, #tpu.dimension_semantics<subcore_parallel>], iteration_bounds = array<i64: 2, 16>, scalar_prefetch = 0 : i64, scratch_operands = 10 : i64, tpu.core_type = #tpu.core_type<sc_vector_subcore>, window_params = [{transform_indices = #map}, {transform_indices = #map}, {transform_indices = #map1}, {transform_indices = #map1}, {transform_indices = #map2}]} {
    %mul3A = arith.constant 2 : i32
    %mul3A_0 = arith.muli %arg1, %mul3A : i32
    %add3A = arith.addi %mul3A_0, %arg0 : i32
    %mul3A_1 = arith.constant 632 : i32
    %mul3A_2 = arith.muli %arg1, %mul3A_1 : i32
    %mul3A_3 = arith.constant 10000 : i32
    %mul3A_4 = arith.muli %add3A, %mul3A_3 : i32
    %multiple_of3A = tpu.assume_multiple %mul3A_4, 8 : i32
    %dma_start3A = tpu.memref_slice %arg2[%multiple_of3A] : memref<320000xi32, #tpu.memory_space<hbm>> -> memref<10000xi32, #tpu.memory_space<hbm>>
    %dma_start3A_5 = tpu.memref_slice %arg2[%multiple_of3A] : memref<320000xi32, #tpu.memory_space<hbm>> -> memref<10000xi32, #tpu.memory_space<hbm>>
    tpu.enqueue_dma source(%dma_start3A_5 : memref<10000xi32, #tpu.memory_space<hbm>>) target(%arg7 : memref<10000xi32, #tpu.memory_space<vmem>>) target_semaphore(%arg11 : memref<!tpu.dma_semaphore, #tpu.memory_space<semaphore_mem>>)
    "tpu.region"() ({
      %run_scoped3A = tpu.sem_alloc : memref<!tpu.dma_semaphore, #tpu.memory_space<semaphore_mem>>
      %dma_start3A_253 = arith.constant 0 : i32
      %dma_start3A_254 = tpu.memref_slice %arg10[%mul3A_2, %dma_start3A_253] : memref<10112x128xf32, #tpu.memory_space<vmem_shared>> -> memref<632x128xf32, #tpu.memory_space<vmem_shared>>
      %dma_start3A_255 = arith.constant 0 : i32
      %dma_start3A_256 = tpu.memref_slice %arg5[%mul3A_2, %dma_start3A_255] : memref<10112x128xf32, #tpu.memory_space<hbm>> -> memref<632x128xf32, #tpu.memory_space<hbm>>
      tpu.enqueue_dma source(%dma_start3A_256 : memref<632x128xf32, #tpu.memory_space<hbm>>) target(%dma_start3A_254 : memref<632x128xf32, #tpu.memory_space<vmem_shared>>) target_semaphore(%run_scoped3A : memref<!tpu.dma_semaphore, #tpu.memory_space<semaphore_mem>>)
      %dma_wait3A_257 = arith.constant 0 : i32
      %dma_wait3A_258 = tpu.memref_slice %arg10[%mul3A_2, %dma_wait3A_257] : memref<10112x128xf32, #tpu.memory_space<vmem_shared>> -> memref<632x128xf32, #tpu.memory_space<vmem_shared>>
      %dma_wait3A_259 = arith.constant 0 : i32
      %dma_wait3A_260 = tpu.memref_slice %arg5[%mul3A_2, %dma_wait3A_259] : memref<10112x128xf32, #tpu.memory_space<hbm>> -> memref<632x128xf32, #tpu.memory_space<hbm>>
      tpu.wait_dma2 semaphore(%run_scoped3A : memref<!tpu.dma_semaphore, #tpu.memory_space<semaphore_mem>>) src(%dma_wait3A_260 : memref<632x128xf32, #tpu.memory_space<hbm>>) dst(%dma_wait3A_258 : memref<632x128xf32, #tpu.memory_space<vmem_shared>>)
      tpu.yield
    }) : () -> ()
    %barrier3A = arith.constant 0 : index
    tpu.barrier barrier_id(%barrier3A)
    %dma_wait3A = tpu.memref_slice %arg2[%multiple_of3A] : memref<320000xi32, #tpu.memory_space<hbm>> -> memref<10000xi32, #tpu.memory_space<hbm>>
    %dma_wait3A_6 = tpu.memref_slice %arg2[%multiple_of3A] : memref<320000xi32, #tpu.memory_space<hbm>> -> memref<10000xi32, #tpu.memory_space<hbm>>
    tpu.wait_dma2 semaphore(%arg11 : memref<!tpu.dma_semaphore, #tpu.memory_space<semaphore_mem>>) src(%dma_wait3A_6 : memref<10000xi32, #tpu.memory_space<hbm>>) dst(%arg7 : memref<10000xi32, #tpu.memory_space<vmem>>)
    %add3A_7 = arith.constant 0 : i32
    %add3A_8 = arith.addi %mul3A_4, %add3A_7 : i32
    %multiple_of3A_9 = tpu.assume_multiple %add3A_8, 8 : i32
    %dma_start3A_10 = arith.constant 0 : i32
    %dma_start3A_11 = arith.constant 0 : i32
    %dma_start3A_12 = tpu.memref_slice %arg8[%dma_start3A_10, %dma_start3A_11] : memref<125x80xi32, #tpu.memory_space<vmem>> -> memref<1x80xi32, #tpu.memory_space<vmem>>
    %dma_start3A_13 = tpu.memref_squeeze %dma_start3A_12 : memref<1x80xi32, #tpu.memory_space<vmem>> -> memref<80xi32, #tpu.memory_space<vmem>>
    %dma_start3A_14 = tpu.memref_slice %arg3[%multiple_of3A_9] : memref<320000xi32, #tpu.memory_space<hbm>> -> memref<80xi32, #tpu.memory_space<hbm>>
    %dma_start3A_15 = arith.constant 0 : i32
    %dma_start3A_16 = tpu.memref_slice %arg8[%dma_start3A_10, %dma_start3A_15] : memref<125x80xi32, #tpu.memory_space<vmem>> -> memref<1x80xi32, #tpu.memory_space<vmem>>
    %dma_start3A_17 = tpu.memref_squeeze %dma_start3A_16 : memref<1x80xi32, #tpu.memory_space<vmem>> -> memref<80xi32, #tpu.memory_space<vmem>>
    %dma_start3A_18 = tpu.memref_slice %arg3[%multiple_of3A_9] : memref<320000xi32, #tpu.memory_space<hbm>> -> memref<80xi32, #tpu.memory_space<hbm>>
    tpu.enqueue_dma source(%dma_start3A_18 : memref<80xi32, #tpu.memory_space<hbm>>) target(%dma_start3A_17 : memref<80xi32, #tpu.memory_space<vmem>>) target_semaphore(%arg11 : memref<!tpu.dma_semaphore, #tpu.memory_space<semaphore_mem>>)
    %multiple_of3A_19 = arith.constant 0 : i32
    %multiple_of3A_20 = tpu.assume_multiple %multiple_of3A_19, 8 : i32
    %dma_start3A_21 = arith.constant 0 : i32
    %dma_start3A_22 = arith.constant 0 : i32
    %dma_start3A_23 = arith.constant 0 : i32
    %dma_start3A_24 = arith.constant 0 : i32
    %dma_start3A_25 = tpu.memref_slice %arg9[%dma_start3A_21, %dma_start3A_22, %dma_start3A_23, %dma_start3A_24] : memref<2x1x80x128xf32, #tpu.memory_space<vmem>> -> memref<1x1x80x128xf32, #tpu.memory_space<vmem>>
    %dma_start3A_26 = tpu.memref_squeeze %dma_start3A_25 : memref<1x1x80x128xf32, #tpu.memory_space<vmem>> -> memref<80x128xf32, #tpu.memory_space<vmem>>
    %dma_start3A_27 = tpu.memref_slice %arg7[%multiple_of3A_20] : memref<10000xi32, #tpu.memory_space<vmem>> -> memref<80xi32, #tpu.memory_space<vmem>>
    %dma_start3A_28 = arith.constant 0 : i32
    %dma_start3A_29 = arith.constant 0 : i32
    %dma_start3A_30 = tpu.memref_slice %arg4[%dma_start3A_28, %dma_start3A_29] : memref<10000x128xf32, #tpu.memory_space<hbm>> -> memref<10000x128xf32, #tpu.memory_space<hbm>>
    tpu.enqueue_indirect_dma source(%dma_start3A_30 : memref<10000x128xf32, #tpu.memory_space<hbm>>) target(%dma_start3A_26 : memref<80x128xf32, #tpu.memory_space<vmem>>) offsets(%dma_start3A_27 : memref<80xi32, #tpu.memory_space<vmem>>) semaphore(%arg13 : memref<!tpu.dma_semaphore, #tpu.memory_space<semaphore_mem>>)
    %add3A_31 = arith.constant 80 : i32
    %add3A_32 = arith.addi %mul3A_4, %add3A_31 : i32
    %multiple_of3A_33 = tpu.assume_multiple %add3A_32, 8 : i32
    %dma_start3A_34 = arith.constant 1 : i32
    %dma_start3A_35 = arith.constant 0 : i32
    %dma_start3A_36 = tpu.memref_slice %arg8[%dma_start3A_34, %dma_start3A_35] : memref<125x80xi32, #tpu.memory_space<vmem>> -> memref<1x80xi32, #tpu.memory_space<vmem>>
    %dma_start3A_37 = tpu.memref_squeeze %dma_start3A_36 : memref<1x80xi32, #tpu.memory_space<vmem>> -> memref<80xi32, #tpu.memory_space<vmem>>
    %dma_start3A_38 = tpu.memref_slice %arg3[%multiple_of3A_33] : memref<320000xi32, #tpu.memory_space<hbm>> -> memref<80xi32, #tpu.memory_space<hbm>>
    %dma_start3A_39 = arith.constant 0 : i32
    %dma_start3A_40 = tpu.memref_slice %arg8[%dma_start3A_34, %dma_start3A_39] : memref<125x80xi32, #tpu.memory_space<vmem>> -> memref<1x80xi32, #tpu.memory_space<vmem>>
    %dma_start3A_41 = tpu.memref_squeeze %dma_start3A_40 : memref<1x80xi32, #tpu.memory_space<vmem>> -> memref<80xi32, #tpu.memory_space<vmem>>
    %dma_start3A_42 = tpu.memref_slice %arg3[%multiple_of3A_33] : memref<320000xi32, #tpu.memory_space<hbm>> -> memref<80xi32, #tpu.memory_space<hbm>>
    tpu.enqueue_dma source(%dma_start3A_42 : memref<80xi32, #tpu.memory_space<hbm>>) target(%dma_start3A_41 : memref<80xi32, #tpu.memory_space<vmem>>) target_semaphore(%arg12 : memref<!tpu.dma_semaphore, #tpu.memory_space<semaphore_mem>>)
    %multiple_of3A_43 = arith.constant 80 : i32
    %multiple_of3A_44 = tpu.assume_multiple %multiple_of3A_43, 8 : i32
    %dma_start3A_45 = arith.constant 1 : i32
    %dma_start3A_46 = arith.constant 0 : i32
    %dma_start3A_47 = arith.constant 0 : i32
    %dma_start3A_48 = arith.constant 0 : i32
    %dma_start3A_49 = tpu.memref_slice %arg9[%dma_start3A_45, %dma_start3A_46, %dma_start3A_47, %dma_start3A_48] : memref<2x1x80x128xf32, #tpu.memory_space<vmem>> -> memref<1x1x80x128xf32, #tpu.memory_space<vmem>>
    %dma_start3A_50 = tpu.memref_squeeze %dma_start3A_49 : memref<1x1x80x128xf32, #tpu.memory_space<vmem>> -> memref<80x128xf32, #tpu.memory_space<vmem>>
    %dma_start3A_51 = tpu.memref_slice %arg7[%multiple_of3A_44] : memref<10000xi32, #tpu.memory_space<vmem>> -> memref<80xi32, #tpu.memory_space<vmem>>
    %dma_start3A_52 = arith.constant 0 : i32
    %dma_start3A_53 = arith.constant 0 : i32
    %dma_start3A_54 = tpu.memref_slice %arg4[%dma_start3A_52, %dma_start3A_53] : memref<10000x128xf32, #tpu.memory_space<hbm>> -> memref<10000x128xf32, #tpu.memory_space<hbm>>
    tpu.enqueue_indirect_dma source(%dma_start3A_54 : memref<10000x128xf32, #tpu.memory_space<hbm>>) target(%dma_start3A_50 : memref<80x128xf32, #tpu.memory_space<vmem>>) offsets(%dma_start3A_51 : memref<80xi32, #tpu.memory_space<vmem>>) semaphore(%arg14 : memref<!tpu.dma_semaphore, #tpu.memory_space<semaphore_mem>>)
    %scan3A = arith.constant 0 : i32
    %scan3A_55 = arith.constant 0 : i32
    %scan3A_56 = arith.constant 61 : i32
    %scan3A_57 = arith.addi %scan3A_55, %scan3A_56 : i32
    %scan3A_58 = arith.constant 1 : i32
    scf.for %scan3A_253 = %scan3A_55 to %scan3A_57 step %scan3A_58  : i32 {
      %mul3A_254 = arith.constant 2 : i32
      %mul3A_255 = arith.muli %mul3A_254, %scan3A_253 : i32
      %dma_wait3A_256 = arith.constant 0 : i32
      %dma_wait3A_257 = arith.constant 0 : i32
      %dma_wait3A_258 = arith.constant 0 : i32
      %dma_wait3A_259 = arith.constant 0 : i32
      %dma_wait3A_260 = tpu.memref_slice %arg9[%dma_wait3A_256, %dma_wait3A_257, %dma_wait3A_258, %dma_wait3A_259] : memref<2x1x80x128xf32, #tpu.memory_space<vmem>> -> memref<1x1x80x128xf32, #tpu.memory_space<vmem>>
      %dma_wait3A_261 = tpu.memref_squeeze %dma_wait3A_260 : memref<1x1x80x128xf32, #tpu.memory_space<vmem>> -> memref<80x128xf32, #tpu.memory_space<vmem>>
      %dma_wait3A_262 = arith.constant 0 : i32
      %dma_wait3A_263 = arith.constant 0 : i32
      %dma_wait3A_264 = tpu.memref_slice %arg4[%dma_wait3A_262, %dma_wait3A_263] : memref<10000x128xf32, #tpu.memory_space<hbm>> -> memref<80x128xf32, #tpu.memory_space<hbm>>
      %dma_wait3A_265 = arith.constant 0 : i32
      %dma_wait3A_266 = arith.constant 0 : i32
      %dma_wait3A_267 = tpu.memref_slice %arg9[%dma_wait3A_256, %dma_wait3A_257, %dma_wait3A_265, %dma_wait3A_266] : memref<2x1x80x128xf32, #tpu.memory_space<vmem>> -> memref<1x1x80x128xf32, #tpu.memory_space<vmem>>
      %dma_wait3A_268 = tpu.memref_squeeze %dma_wait3A_267 : memref<1x1x80x128xf32, #tpu.memory_space<vmem>> -> memref<80x128xf32, #tpu.memory_space<vmem>>
      %dma_wait3A_269 = arith.constant 0 : i32
      %dma_wait3A_270 = arith.constant 0 : i32
      %dma_wait3A_271 = tpu.memref_slice %arg4[%dma_wait3A_269, %dma_wait3A_270] : memref<10000x128xf32, #tpu.memory_space<hbm>> -> memref<80x128xf32, #tpu.memory_space<hbm>>
      tpu.wait_dma2 semaphore(%arg13 : memref<!tpu.dma_semaphore, #tpu.memory_space<semaphore_mem>>) src(%dma_wait3A_271 : memref<80x128xf32, #tpu.memory_space<hbm>>) dst(%dma_wait3A_268 : memref<80x128xf32, #tpu.memory_space<vmem>>)
      %mul3A_272 = arith.constant 1 : i32
      %mul3A_273 = arith.muli %mul3A_255, %mul3A_272 : i32
      %add3A_274 = arith.constant 0 : i32
      %add3A_275 = arith.addi %mul3A_273, %add3A_274 : i32
      %dma_wait3A_276 = arith.constant 0 : i32
      %dma_wait3A_277 = tpu.memref_slice %arg8[%add3A_275, %dma_wait3A_276] : memref<125x80xi32, #tpu.memory_space<vmem>> -> memref<1x80xi32, #tpu.memory_space<vmem>>
      %dma_wait3A_278 = tpu.memref_squeeze %dma_wait3A_277 : memref<1x80xi32, #tpu.memory_space<vmem>> -> memref<80xi32, #tpu.memory_space<vmem>>
      %dma_wait3A_279 = arith.constant 0 : i32
      %dma_wait3A_280 = tpu.memref_slice %arg3[%dma_wait3A_279] : memref<320000xi32, #tpu.memory_space<hbm>> -> memref<80xi32, #tpu.memory_space<hbm>>
      %dma_wait3A_281 = arith.constant 0 : i32
      %dma_wait3A_282 = tpu.memref_slice %arg8[%add3A_275, %dma_wait3A_281] : memref<125x80xi32, #tpu.memory_space<vmem>> -> memref<1x80xi32, #tpu.memory_space<vmem>>
      %dma_wait3A_283 = tpu.memref_squeeze %dma_wait3A_282 : memref<1x80xi32, #tpu.memory_space<vmem>> -> memref<80xi32, #tpu.memory_space<vmem>>
      %dma_wait3A_284 = arith.constant 0 : i32
      %dma_wait3A_285 = tpu.memref_slice %arg3[%dma_wait3A_284] : memref<320000xi32, #tpu.memory_space<hbm>> -> memref<80xi32, #tpu.memory_space<hbm>>
      tpu.wait_dma2 semaphore(%arg11 : memref<!tpu.dma_semaphore, #tpu.memory_space<semaphore_mem>>) src(%dma_wait3A_285 : memref<80xi32, #tpu.memory_space<hbm>>) dst(%dma_wait3A_283 : memref<80xi32, #tpu.memory_space<vmem>>)
      %dma_start3A_286 = arith.constant 0 : i32
      %dma_start3A_287 = arith.constant 0 : i32
      %dma_start3A_288 = arith.constant 0 : i32
      %dma_start3A_289 = arith.constant 0 : i32
      %dma_start3A_290 = tpu.memref_slice %arg9[%dma_start3A_286, %dma_start3A_287, %dma_start3A_288, %dma_start3A_289] : memref<2x1x80x128xf32, #tpu.memory_space<vmem>> -> memref<1x1x80x128xf32, #tpu.memory_space<vmem>>
      %dma_start3A_291 = tpu.memref_squeeze %dma_start3A_290 : memref<1x1x80x128xf32, #tpu.memory_space<vmem>> -> memref<80x128xf32, #tpu.memory_space<vmem>>
      %dma_start3A_292 = arith.constant 0 : i32
      %dma_start3A_293 = tpu.memref_slice %arg8[%add3A_275, %dma_start3A_292] : memref<125x80xi32, #tpu.memory_space<vmem>> -> memref<1x80xi32, #tpu.memory_space<vmem>>
      %dma_start3A_294 = tpu.memref_squeeze %dma_start3A_293 : memref<1x80xi32, #tpu.memory_space<vmem>> -> memref<80xi32, #tpu.memory_space<vmem>>
      %dma_start3A_295 = arith.constant 0 : i32
      %dma_start3A_296 = arith.constant 0 : i32
      %dma_start3A_297 = tpu.memref_slice %arg10[%dma_start3A_295, %dma_start3A_296] : memref<10112x128xf32, #tpu.memory_space<vmem_shared>> -> memref<10112x128xf32, #tpu.memory_space<vmem_shared>>
      tpu.enqueue_indirect_dma source(%dma_start3A_291 : memref<80x128xf32, #tpu.memory_space<vmem>>) target(%dma_start3A_297 : memref<10112x128xf32, #tpu.memory_space<vmem_shared>>) offsets(%dma_start3A_294 : memref<80xi32, #tpu.memory_space<vmem>>) semaphore(%arg15 : memref<!tpu.dma_semaphore, #tpu.memory_space<semaphore_mem>>) {add = true}
      %add3A_298 = arith.constant 2 : i32
      %add3A_299 = arith.addi %mul3A_255, %add3A_298 : i32
      %dma_wait3A_300 = arith.constant 0 : i32
      %dma_wait3A_301 = arith.constant 0 : i32
      %dma_wait3A_302 = arith.constant 0 : i32
      %dma_wait3A_303 = arith.constant 0 : i32
      %dma_wait3A_304 = tpu.memref_slice %arg9[%dma_wait3A_300, %dma_wait3A_301, %dma_wait3A_302, %dma_wait3A_303] : memref<2x1x80x128xf32, #tpu.memory_space<vmem>> -> memref<1x1x80x128xf32, #tpu.memory_space<vmem>>
      %dma_wait3A_305 = tpu.memref_squeeze %dma_wait3A_304 : memref<1x1x80x128xf32, #tpu.memory_space<vmem>> -> memref<80x128xf32, #tpu.memory_space<vmem>>
      %dma_wait3A_306 = arith.constant 0 : i32
      %dma_wait3A_307 = arith.constant 0 : i32
      %dma_wait3A_308 = tpu.memref_slice %arg4[%dma_wait3A_306, %dma_wait3A_307] : memref<10000x128xf32, #tpu.memory_space<hbm>> -> memref<80x128xf32, #tpu.memory_space<hbm>>
      %dma_wait3A_309 = arith.constant 0 : i32
      %dma_wait3A_310 = arith.constant 0 : i32
      %dma_wait3A_311 = tpu.memref_slice %arg9[%dma_wait3A_300, %dma_wait3A_301, %dma_wait3A_309, %dma_wait3A_310] : memref<2x1x80x128xf32, #tpu.memory_space<vmem>> -> memref<1x1x80x128xf32, #tpu.memory_space<vmem>>
      %dma_wait3A_312 = tpu.memref_squeeze %dma_wait3A_311 : memref<1x1x80x128xf32, #tpu.memory_space<vmem>> -> memref<80x128xf32, #tpu.memory_space<vmem>>
      %dma_wait3A_313 = arith.constant 0 : i32
      %dma_wait3A_314 = arith.constant 0 : i32
      %dma_wait3A_315 = tpu.memref_slice %arg4[%dma_wait3A_313, %dma_wait3A_314] : memref<10000x128xf32, #tpu.memory_space<hbm>> -> memref<80x128xf32, #tpu.memory_space<hbm>>
      tpu.wait_dma2 semaphore(%arg15 : memref<!tpu.dma_semaphore, #tpu.memory_space<semaphore_mem>>) src(%dma_wait3A_315 : memref<80x128xf32, #tpu.memory_space<hbm>>) dst(%dma_wait3A_312 : memref<80x128xf32, #tpu.memory_space<vmem>>)
      %mul3A_316 = arith.constant 1 : i32
      %mul3A_317 = arith.muli %add3A_299, %mul3A_316 : i32
      %add3A_318 = arith.constant 0 : i32
      %add3A_319 = arith.addi %mul3A_317, %add3A_318 : i32
      %mul3A_320 = arith.constant 80 : i32
      %mul3A_321 = arith.muli %add3A_319, %mul3A_320 : i32
      %add3A_322 = arith.addi %mul3A_4, %mul3A_321 : i32
      %multiple_of3A_323 = tpu.assume_multiple %add3A_322, 8 : i32
      %dma_start3A_324 = arith.constant 0 : i32
      %dma_start3A_325 = tpu.memref_slice %arg8[%add3A_319, %dma_start3A_324] : memref<125x80xi32, #tpu.memory_space<vmem>> -> memref<1x80xi32, #tpu.memory_space<vmem>>
      %dma_start3A_326 = tpu.memref_squeeze %dma_start3A_325 : memref<1x80xi32, #tpu.memory_space<vmem>> -> memref<80xi32, #tpu.memory_space<vmem>>
      %dma_start3A_327 = tpu.memref_slice %arg3[%multiple_of3A_323] : memref<320000xi32, #tpu.memory_space<hbm>> -> memref<80xi32, #tpu.memory_space<hbm>>
      %dma_start3A_328 = arith.constant 0 : i32
      %dma_start3A_329 = tpu.memref_slice %arg8[%add3A_319, %dma_start3A_328] : memref<125x80xi32, #tpu.memory_space<vmem>> -> memref<1x80xi32, #tpu.memory_space<vmem>>
      %dma_start3A_330 = tpu.memref_squeeze %dma_start3A_329 : memref<1x80xi32, #tpu.memory_space<vmem>> -> memref<80xi32, #tpu.memory_space<vmem>>
      %dma_start3A_331 = tpu.memref_slice %arg3[%multiple_of3A_323] : memref<320000xi32, #tpu.memory_space<hbm>> -> memref<80xi32, #tpu.memory_space<hbm>>
      tpu.enqueue_dma source(%dma_start3A_331 : memref<80xi32, #tpu.memory_space<hbm>>) target(%dma_start3A_330 : memref<80xi32, #tpu.memory_space<vmem>>) target_semaphore(%arg11 : memref<!tpu.dma_semaphore, #tpu.memory_space<semaphore_mem>>)
      %mul3A_332 = arith.constant 80 : i32
      %mul3A_333 = arith.muli %add3A_319, %mul3A_332 : i32
      %multiple_of3A_334 = tpu.assume_multiple %mul3A_333, 8 : i32
      %dma_start3A_335 = arith.constant 0 : i32
      %dma_start3A_336 = arith.constant 0 : i32
      %dma_start3A_337 = arith.constant 0 : i32
      %dma_start3A_338 = arith.constant 0 : i32
      %dma_start3A_339 = tpu.memref_slice %arg9[%dma_start3A_335, %dma_start3A_336, %dma_start3A_337, %dma_start3A_338] : memref<2x1x80x128xf32, #tpu.memory_space<vmem>> -> memref<1x1x80x128xf32, #tpu.memory_space<vmem>>
      %dma_start3A_340 = tpu.memref_squeeze %dma_start3A_339 : memref<1x1x80x128xf32, #tpu.memory_space<vmem>> -> memref<80x128xf32, #tpu.memory_space<vmem>>
      %dma_start3A_341 = tpu.memref_slice %arg7[%multiple_of3A_334] : memref<10000xi32, #tpu.memory_space<vmem>> -> memref<80xi32, #tpu.memory_space<vmem>>
      %dma_start3A_342 = arith.constant 0 : i32
      %dma_start3A_343 = arith.constant 0 : i32
      %dma_start3A_344 = tpu.memref_slice %arg4[%dma_start3A_342, %dma_start3A_343] : memref<10000x128xf32, #tpu.memory_space<hbm>> -> memref<10000x128xf32, #tpu.memory_space<hbm>>
      tpu.enqueue_indirect_dma source(%dma_start3A_344 : memref<10000x128xf32, #tpu.memory_space<hbm>>) target(%dma_start3A_340 : memref<80x128xf32, #tpu.memory_space<vmem>>) offsets(%dma_start3A_341 : memref<80xi32, #tpu.memory_space<vmem>>) semaphore(%arg13 : memref<!tpu.dma_semaphore, #tpu.memory_space<semaphore_mem>>)
      %add3A_345 = arith.constant 1 : i32
      %add3A_346 = arith.addi %mul3A_255, %add3A_345 : i32
      %dma_wait3A_347 = arith.constant 1 : i32
      %dma_wait3A_348 = arith.constant 0 : i32
      %dma_wait3A_349 = arith.constant 0 : i32
      %dma_wait3A_350 = arith.constant 0 : i32
      %dma_wait3A_351 = tpu.memref_slice %arg9[%dma_wait3A_347, %dma_wait3A_348, %dma_wait3A_349, %dma_wait3A_350] : memref<2x1x80x128xf32, #tpu.memory_space<vmem>> -> memref<1x1x80x128xf32, #tpu.memory_space<vmem>>
      %dma_wait3A_352 = tpu.memref_squeeze %dma_wait3A_351 : memref<1x1x80x128xf32, #tpu.memory_space<vmem>> -> memref<80x128xf32, #tpu.memory_space<vmem>>
      %dma_wait3A_353 = arith.constant 0 : i32
      %dma_wait3A_354 = arith.constant 0 : i32
      %dma_wait3A_355 = tpu.memref_slice %arg4[%dma_wait3A_353, %dma_wait3A_354] : memref<10000x128xf32, #tpu.memory_space<hbm>> -> memref<80x128xf32, #tpu.memory_space<hbm>>
      %dma_wait3A_356 = arith.constant 0 : i32
      %dma_wait3A_357 = arith.constant 0 : i32
      %dma_wait3A_358 = tpu.memref_slice %arg9[%dma_wait3A_347, %dma_wait3A_348, %dma_wait3A_356, %dma_wait3A_357] : memref<2x1x80x128xf32, #tpu.memory_space<vmem>> -> memref<1x1x80x128xf32, #tpu.memory_space<vmem>>
      %dma_wait3A_359 = tpu.memref_squeeze %dma_wait3A_358 : memref<1x1x80x128xf32, #tpu.memory_space<vmem>> -> memref<80x128xf32, #tpu.memory_space<vmem>>
      %dma_wait3A_360 = arith.constant 0 : i32
      %dma_wait3A_361 = arith.constant 0 : i32
      %dma_wait3A_362 = tpu.memref_slice %arg4[%dma_wait3A_360, %dma_wait3A_361] : memref<10000x128xf32, #tpu.memory_space<hbm>> -> memref<80x128xf32, #tpu.memory_space<hbm>>
      tpu.wait_dma2 semaphore(%arg14 : memref<!tpu.dma_semaphore, #tpu.memory_space<semaphore_mem>>) src(%dma_wait3A_362 : memref<80x128xf32, #tpu.memory_space<hbm>>) dst(%dma_wait3A_359 : memref<80x128xf32, #tpu.memory_space<vmem>>)
      %mul3A_363 = arith.constant 1 : i32
      %mul3A_364 = arith.muli %add3A_346, %mul3A_363 : i32
      %add3A_365 = arith.constant 0 : i32
      %add3A_366 = arith.addi %mul3A_364, %add3A_365 : i32
      %dma_wait3A_367 = arith.constant 0 : i32
      %dma_wait3A_368 = tpu.memref_slice %arg8[%add3A_366, %dma_wait3A_367] : memref<125x80xi32, #tpu.memory_space<vmem>> -> memref<1x80xi32, #tpu.memory_space<vmem>>
      %dma_wait3A_369 = tpu.memref_squeeze %dma_wait3A_368 : memref<1x80xi32, #tpu.memory_space<vmem>> -> memref<80xi32, #tpu.memory_space<vmem>>
      %dma_wait3A_370 = arith.constant 0 : i32
      %dma_wait3A_371 = tpu.memref_slice %arg3[%dma_wait3A_370] : memref<320000xi32, #tpu.memory_space<hbm>> -> memref<80xi32, #tpu.memory_space<hbm>>
      %dma_wait3A_372 = arith.constant 0 : i32
      %dma_wait3A_373 = tpu.memref_slice %arg8[%add3A_366, %dma_wait3A_372] : memref<125x80xi32, #tpu.memory_space<vmem>> -> memref<1x80xi32, #tpu.memory_space<vmem>>
      %dma_wait3A_374 = tpu.memref_squeeze %dma_wait3A_373 : memref<1x80xi32, #tpu.memory_space<vmem>> -> memref<80xi32, #tpu.memory_space<vmem>>
      %dma_wait3A_375 = arith.constant 0 : i32
      %dma_wait3A_376 = tpu.memref_slice %arg3[%dma_wait3A_375] : memref<320000xi32, #tpu.memory_space<hbm>> -> memref<80xi32, #tpu.memory_space<hbm>>
      tpu.wait_dma2 semaphore(%arg12 : memref<!tpu.dma_semaphore, #tpu.memory_space<semaphore_mem>>) src(%dma_wait3A_376 : memref<80xi32, #tpu.memory_space<hbm>>) dst(%dma_wait3A_374 : memref<80xi32, #tpu.memory_space<vmem>>)
      %dma_start3A_377 = arith.constant 1 : i32
      %dma_start3A_378 = arith.constant 0 : i32
      %dma_start3A_379 = arith.constant 0 : i32
      %dma_start3A_380 = arith.constant 0 : i32
      %dma_start3A_381 = tpu.memref_slice %arg9[%dma_start3A_377, %dma_start3A_378, %dma_start3A_379, %dma_start3A_380] : memref<2x1x80x128xf32, #tpu.memory_space<vmem>> -> memref<1x1x80x128xf32, #tpu.memory_space<vmem>>
      %dma_start3A_382 = tpu.memref_squeeze %dma_start3A_381 : memref<1x1x80x128xf32, #tpu.memory_space<vmem>> -> memref<80x128xf32, #tpu.memory_space<vmem>>
      %dma_start3A_383 = arith.constant 0 : i32
      %dma_start3A_384 = tpu.memref_slice %arg8[%add3A_366, %dma_start3A_383] : memref<125x80xi32, #tpu.memory_space<vmem>> -> memref<1x80xi32, #tpu.memory_space<vmem>>
      %dma_start3A_385 = tpu.memref_squeeze %dma_start3A_384 : memref<1x80xi32, #tpu.memory_space<vmem>> -> memref<80xi32, #tpu.memory_space<vmem>>
      %dma_start3A_386 = arith.constant 0 : i32
      %dma_start3A_387 = arith.constant 0 : i32
      %dma_start3A_388 = tpu.memref_slice %arg10[%dma_start3A_386, %dma_start3A_387] : memref<10112x128xf32, #tpu.memory_space<vmem_shared>> -> memref<10112x128xf32, #tpu.memory_space<vmem_shared>>
      tpu.enqueue_indirect_dma source(%dma_start3A_382 : memref<80x128xf32, #tpu.memory_space<vmem>>) target(%dma_start3A_388 : memref<10112x128xf32, #tpu.memory_space<vmem_shared>>) offsets(%dma_start3A_385 : memref<80xi32, #tpu.memory_space<vmem>>) semaphore(%arg16 : memref<!tpu.dma_semaphore, #tpu.memory_space<semaphore_mem>>) {add = true}
      %add3A_389 = arith.constant 3 : i32
      %add3A_390 = arith.addi %mul3A_255, %add3A_389 : i32
      %dma_wait3A_391 = arith.constant 1 : i32
      %dma_wait3A_392 = arith.constant 0 : i32
      %dma_wait3A_393 = arith.constant 0 : i32
      %dma_wait3A_394 = arith.constant 0 : i32
      %dma_wait3A_395 = tpu.memref_slice %arg9[%dma_wait3A_391, %dma_wait3A_392, %dma_wait3A_393, %dma_wait3A_394] : memref<2x1x80x128xf32, #tpu.memory_space<vmem>> -> memref<1x1x80x128xf32, #tpu.memory_space<vmem>>
      %dma_wait3A_396 = tpu.memref_squeeze %dma_wait3A_395 : memref<1x1x80x128xf32, #tpu.memory_space<vmem>> -> memref<80x128xf32, #tpu.memory_space<vmem>>
      %dma_wait3A_397 = arith.constant 0 : i32
      %dma_wait3A_398 = arith.constant 0 : i32
      %dma_wait3A_399 = tpu.memref_slice %arg4[%dma_wait3A_397, %dma_wait3A_398] : memref<10000x128xf32, #tpu.memory_space<hbm>> -> memref<80x128xf32, #tpu.memory_space<hbm>>
      %dma_wait3A_400 = arith.constant 0 : i32
      %dma_wait3A_401 = arith.constant 0 : i32
      %dma_wait3A_402 = tpu.memref_slice %arg9[%dma_wait3A_391, %dma_wait3A_392, %dma_wait3A_400, %dma_wait3A_401] : memref<2x1x80x128xf32, #tpu.memory_space<vmem>> -> memref<1x1x80x128xf32, #tpu.memory_space<vmem>>
      %dma_wait3A_403 = tpu.memref_squeeze %dma_wait3A_402 : memref<1x1x80x128xf32, #tpu.memory_space<vmem>> -> memref<80x128xf32, #tpu.memory_space<vmem>>
      %dma_wait3A_404 = arith.constant 0 : i32
      %dma_wait3A_405 = arith.constant 0 : i32
      %dma_wait3A_406 = tpu.memref_slice %arg4[%dma_wait3A_404, %dma_wait3A_405] : memref<10000x128xf32, #tpu.memory_space<hbm>> -> memref<80x128xf32, #tpu.memory_space<hbm>>
      tpu.wait_dma2 semaphore(%arg16 : memref<!tpu.dma_semaphore, #tpu.memory_space<semaphore_mem>>) src(%dma_wait3A_406 : memref<80x128xf32, #tpu.memory_space<hbm>>) dst(%dma_wait3A_403 : memref<80x128xf32, #tpu.memory_space<vmem>>)
      %mul3A_407 = arith.constant 1 : i32
      %mul3A_408 = arith.muli %add3A_390, %mul3A_407 : i32
      %add3A_409 = arith.constant 0 : i32
      %add3A_410 = arith.addi %mul3A_408, %add3A_409 : i32
      %mul3A_411 = arith.constant 80 : i32
      %mul3A_412 = arith.muli %add3A_410, %mul3A_411 : i32
      %add3A_413 = arith.addi %mul3A_4, %mul3A_412 : i32
      %multiple_of3A_414 = tpu.assume_multiple %add3A_413, 8 : i32
      %dma_start3A_415 = arith.constant 0 : i32
      %dma_start3A_416 = tpu.memref_slice %arg8[%add3A_410, %dma_start3A_415] : memref<125x80xi32, #tpu.memory_space<vmem>> -> memref<1x80xi32, #tpu.memory_space<vmem>>
      %dma_start3A_417 = tpu.memref_squeeze %dma_start3A_416 : memref<1x80xi32, #tpu.memory_space<vmem>> -> memref<80xi32, #tpu.memory_space<vmem>>
      %dma_start3A_418 = tpu.memref_slice %arg3[%multiple_of3A_414] : memref<320000xi32, #tpu.memory_space<hbm>> -> memref<80xi32, #tpu.memory_space<hbm>>
      %dma_start3A_419 = arith.constant 0 : i32
      %dma_start3A_420 = tpu.memref_slice %arg8[%add3A_410, %dma_start3A_419] : memref<125x80xi32, #tpu.memory_space<vmem>> -> memref<1x80xi32, #tpu.memory_space<vmem>>
      %dma_start3A_421 = tpu.memref_squeeze %dma_start3A_420 : memref<1x80xi32, #tpu.memory_space<vmem>> -> memref<80xi32, #tpu.memory_space<vmem>>
      %dma_start3A_422 = tpu.memref_slice %arg3[%multiple_of3A_414] : memref<320000xi32, #tpu.memory_space<hbm>> -> memref<80xi32, #tpu.memory_space<hbm>>
      tpu.enqueue_dma source(%dma_start3A_422 : memref<80xi32, #tpu.memory_space<hbm>>) target(%dma_start3A_421 : memref<80xi32, #tpu.memory_space<vmem>>) target_semaphore(%arg12 : memref<!tpu.dma_semaphore, #tpu.memory_space<semaphore_mem>>)
      %mul3A_423 = arith.constant 80 : i32
      %mul3A_424 = arith.muli %add3A_410, %mul3A_423 : i32
      %multiple_of3A_425 = tpu.assume_multiple %mul3A_424, 8 : i32
      %dma_start3A_426 = arith.constant 1 : i32
      %dma_start3A_427 = arith.constant 0 : i32
      %dma_start3A_428 = arith.constant 0 : i32
      %dma_start3A_429 = arith.constant 0 : i32
      %dma_start3A_430 = tpu.memref_slice %arg9[%dma_start3A_426, %dma_start3A_427, %dma_start3A_428, %dma_start3A_429] : memref<2x1x80x128xf32, #tpu.memory_space<vmem>> -> memref<1x1x80x128xf32, #tpu.memory_space<vmem>>
      %dma_start3A_431 = tpu.memref_squeeze %dma_start3A_430 : memref<1x1x80x128xf32, #tpu.memory_space<vmem>> -> memref<80x128xf32, #tpu.memory_space<vmem>>
      %dma_start3A_432 = tpu.memref_slice %arg7[%multiple_of3A_425] : memref<10000xi32, #tpu.memory_space<vmem>> -> memref<80xi32, #tpu.memory_space<vmem>>
      %dma_start3A_433 = arith.constant 0 : i32
      %dma_start3A_434 = arith.constant 0 : i32
      %dma_start3A_435 = tpu.memref_slice %arg4[%dma_start3A_433, %dma_start3A_434] : memref<10000x128xf32, #tpu.memory_space<hbm>> -> memref<10000x128xf32, #tpu.memory_space<hbm>>
      tpu.enqueue_indirect_dma source(%dma_start3A_435 : memref<10000x128xf32, #tpu.memory_space<hbm>>) target(%dma_start3A_431 : memref<80x128xf32, #tpu.memory_space<vmem>>) offsets(%dma_start3A_432 : memref<80xi32, #tpu.memory_space<vmem>>) semaphore(%arg14 : memref<!tpu.dma_semaphore, #tpu.memory_space<semaphore_mem>>)
    }
    %scan3A_59 = arith.constant 61 : i32
    %dma_wait3A_60 = arith.constant 0 : i32
    %dma_wait3A_61 = arith.constant 0 : i32
    %dma_wait3A_62 = arith.constant 0 : i32
    %dma_wait3A_63 = arith.constant 0 : i32
    %dma_wait3A_64 = tpu.memref_slice %arg9[%dma_wait3A_60, %dma_wait3A_61, %dma_wait3A_62, %dma_wait3A_63] : memref<2x1x80x128xf32, #tpu.memory_space<vmem>> -> memref<1x1x80x128xf32, #tpu.memory_space<vmem>>
    %dma_wait3A_65 = tpu.memref_squeeze %dma_wait3A_64 : memref<1x1x80x128xf32, #tpu.memory_space<vmem>> -> memref<80x128xf32, #tpu.memory_space<vmem>>
    %dma_wait3A_66 = arith.constant 0 : i32
    %dma_wait3A_67 = arith.constant 0 : i32
    %dma_wait3A_68 = tpu.memref_slice %arg4[%dma_wait3A_66, %dma_wait3A_67] : memref<10000x128xf32, #tpu.memory_space<hbm>> -> memref<80x128xf32, #tpu.memory_space<hbm>>
    %dma_wait3A_69 = arith.constant 0 : i32
    %dma_wait3A_70 = arith.constant 0 : i32
    %dma_wait3A_71 = tpu.memref_slice %arg9[%dma_wait3A_60, %dma_wait3A_61, %dma_wait3A_69, %dma_wait3A_70] : memref<2x1x80x128xf32, #tpu.memory_space<vmem>> -> memref<1x1x80x128xf32, #tpu.memory_space<vmem>>
    %dma_wait3A_72 = tpu.memref_squeeze %dma_wait3A_71 : memref<1x1x80x128xf32, #tpu.memory_space<vmem>> -> memref<80x128xf32, #tpu.memory_space<vmem>>
    %dma_wait3A_73 = arith.constant 0 : i32
    %dma_wait3A_74 = arith.constant 0 : i32
    %dma_wait3A_75 = tpu.memref_slice %arg4[%dma_wait3A_73, %dma_wait3A_74] : memref<10000x128xf32, #tpu.memory_space<hbm>> -> memref<80x128xf32, #tpu.memory_space<hbm>>
    tpu.wait_dma2 semaphore(%arg13 : memref<!tpu.dma_semaphore, #tpu.memory_space<semaphore_mem>>) src(%dma_wait3A_75 : memref<80x128xf32, #tpu.memory_space<hbm>>) dst(%dma_wait3A_72 : memref<80x128xf32, #tpu.memory_space<vmem>>)
    %dma_wait3A_76 = arith.constant 122 : i32
    %dma_wait3A_77 = arith.constant 0 : i32
    %dma_wait3A_78 = tpu.memref_slice %arg8[%dma_wait3A_76, %dma_wait3A_77] : memref<125x80xi32, #tpu.memory_space<vmem>> -> memref<1x80xi32, #tpu.memory_space<vmem>>
    %dma_wait3A_79 = tpu.memref_squeeze %dma_wait3A_78 : memref<1x80xi32, #tpu.memory_space<vmem>> -> memref<80xi32, #tpu.memory_space<vmem>>
    %dma_wait3A_80 = arith.constant 0 : i32
    %dma_wait3A_81 = tpu.memref_slice %arg3[%dma_wait3A_80] : memref<320000xi32, #tpu.memory_space<hbm>> -> memref<80xi32, #tpu.memory_space<hbm>>
    %dma_wait3A_82 = arith.constant 0 : i32
    %dma_wait3A_83 = tpu.memref_slice %arg8[%dma_wait3A_76, %dma_wait3A_82] : memref<125x80xi32, #tpu.memory_space<vmem>> -> memref<1x80xi32, #tpu.memory_space<vmem>>
    %dma_wait3A_84 = tpu.memref_squeeze %dma_wait3A_83 : memref<1x80xi32, #tpu.memory_space<vmem>> -> memref<80xi32, #tpu.memory_space<vmem>>
    %dma_wait3A_85 = arith.constant 0 : i32
    %dma_wait3A_86 = tpu.memref_slice %arg3[%dma_wait3A_85] : memref<320000xi32, #tpu.memory_space<hbm>> -> memref<80xi32, #tpu.memory_space<hbm>>
    tpu.wait_dma2 semaphore(%arg11 : memref<!tpu.dma_semaphore, #tpu.memory_space<semaphore_mem>>) src(%dma_wait3A_86 : memref<80xi32, #tpu.memory_space<hbm>>) dst(%dma_wait3A_84 : memref<80xi32, #tpu.memory_space<vmem>>)
    %dma_start3A_87 = arith.constant 0 : i32
    %dma_start3A_88 = arith.constant 0 : i32
    %dma_start3A_89 = arith.constant 122 : i32
    %dma_start3A_90 = arith.constant 0 : i32
    %dma_start3A_91 = arith.constant 0 : i32
    %dma_start3A_92 = tpu.memref_slice %arg9[%dma_start3A_87, %dma_start3A_88, %dma_start3A_90, %dma_start3A_91] : memref<2x1x80x128xf32, #tpu.memory_space<vmem>> -> memref<1x1x80x128xf32, #tpu.memory_space<vmem>>
    %dma_start3A_93 = tpu.memref_squeeze %dma_start3A_92 : memref<1x1x80x128xf32, #tpu.memory_space<vmem>> -> memref<80x128xf32, #tpu.memory_space<vmem>>
    %dma_start3A_94 = arith.constant 0 : i32
    %dma_start3A_95 = tpu.memref_slice %arg8[%dma_start3A_89, %dma_start3A_94] : memref<125x80xi32, #tpu.memory_space<vmem>> -> memref<1x80xi32, #tpu.memory_space<vmem>>
    %dma_start3A_96 = tpu.memref_squeeze %dma_start3A_95 : memref<1x80xi32, #tpu.memory_space<vmem>> -> memref<80xi32, #tpu.memory_space<vmem>>
    %dma_start3A_97 = arith.constant 0 : i32
    %dma_start3A_98 = arith.constant 0 : i32
    %dma_start3A_99 = tpu.memref_slice %arg10[%dma_start3A_97, %dma_start3A_98] : memref<10112x128xf32, #tpu.memory_space<vmem_shared>> -> memref<10112x128xf32, #tpu.memory_space<vmem_shared>>
    tpu.enqueue_indirect_dma source(%dma_start3A_93 : memref<80x128xf32, #tpu.memory_space<vmem>>) target(%dma_start3A_99 : memref<10112x128xf32, #tpu.memory_space<vmem_shared>>) offsets(%dma_start3A_96 : memref<80xi32, #tpu.memory_space<vmem>>) semaphore(%arg15 : memref<!tpu.dma_semaphore, #tpu.memory_space<semaphore_mem>>) {add = true}
    %dma_wait3A_100 = arith.constant 0 : i32
    %dma_wait3A_101 = arith.constant 0 : i32
    %dma_wait3A_102 = arith.constant 0 : i32
    %dma_wait3A_103 = arith.constant 0 : i32
    %dma_wait3A_104 = tpu.memref_slice %arg9[%dma_wait3A_100, %dma_wait3A_101, %dma_wait3A_102, %dma_wait3A_103] : memref<2x1x80x128xf32, #tpu.memory_space<vmem>> -> memref<1x1x80x128xf32, #tpu.memory_space<vmem>>
    %dma_wait3A_105 = tpu.memref_squeeze %dma_wait3A_104 : memref<1x1x80x128xf32, #tpu.memory_space<vmem>> -> memref<80x128xf32, #tpu.memory_space<vmem>>
    %dma_wait3A_106 = arith.constant 0 : i32
    %dma_wait3A_107 = arith.constant 0 : i32
    %dma_wait3A_108 = tpu.memref_slice %arg4[%dma_wait3A_106, %dma_wait3A_107] : memref<10000x128xf32, #tpu.memory_space<hbm>> -> memref<80x128xf32, #tpu.memory_space<hbm>>
    %dma_wait3A_109 = arith.constant 0 : i32
    %dma_wait3A_110 = arith.constant 0 : i32
    %dma_wait3A_111 = tpu.memref_slice %arg9[%dma_wait3A_100, %dma_wait3A_101, %dma_wait3A_109, %dma_wait3A_110] : memref<2x1x80x128xf32, #tpu.memory_space<vmem>> -> memref<1x1x80x128xf32, #tpu.memory_space<vmem>>
    %dma_wait3A_112 = tpu.memref_squeeze %dma_wait3A_111 : memref<1x1x80x128xf32, #tpu.memory_space<vmem>> -> memref<80x128xf32, #tpu.memory_space<vmem>>
    %dma_wait3A_113 = arith.constant 0 : i32
    %dma_wait3A_114 = arith.constant 0 : i32
    %dma_wait3A_115 = tpu.memref_slice %arg4[%dma_wait3A_113, %dma_wait3A_114] : memref<10000x128xf32, #tpu.memory_space<hbm>> -> memref<80x128xf32, #tpu.memory_space<hbm>>
    tpu.wait_dma2 semaphore(%arg15 : memref<!tpu.dma_semaphore, #tpu.memory_space<semaphore_mem>>) src(%dma_wait3A_115 : memref<80x128xf32, #tpu.memory_space<hbm>>) dst(%dma_wait3A_112 : memref<80x128xf32, #tpu.memory_space<vmem>>)
    %add3A_116 = arith.constant 9920 : i32
    %add3A_117 = arith.addi %mul3A_4, %add3A_116 : i32
    %multiple_of3A_118 = tpu.assume_multiple %add3A_117, 8 : i32
    %dma_start3A_119 = arith.constant 124 : i32
    %dma_start3A_120 = arith.constant 0 : i32
    %dma_start3A_121 = tpu.memref_slice %arg8[%dma_start3A_119, %dma_start3A_120] : memref<125x80xi32, #tpu.memory_space<vmem>> -> memref<1x80xi32, #tpu.memory_space<vmem>>
    %dma_start3A_122 = tpu.memref_squeeze %dma_start3A_121 : memref<1x80xi32, #tpu.memory_space<vmem>> -> memref<80xi32, #tpu.memory_space<vmem>>
    %dma_start3A_123 = tpu.memref_slice %arg3[%multiple_of3A_118] : memref<320000xi32, #tpu.memory_space<hbm>> -> memref<80xi32, #tpu.memory_space<hbm>>
    %dma_start3A_124 = arith.constant 0 : i32
    %dma_start3A_125 = tpu.memref_slice %arg8[%dma_start3A_119, %dma_start3A_124] : memref<125x80xi32, #tpu.memory_space<vmem>> -> memref<1x80xi32, #tpu.memory_space<vmem>>
    %dma_start3A_126 = tpu.memref_squeeze %dma_start3A_125 : memref<1x80xi32, #tpu.memory_space<vmem>> -> memref<80xi32, #tpu.memory_space<vmem>>
    %dma_start3A_127 = tpu.memref_slice %arg3[%multiple_of3A_118] : memref<320000xi32, #tpu.memory_space<hbm>> -> memref<80xi32, #tpu.memory_space<hbm>>
    tpu.enqueue_dma source(%dma_start3A_127 : memref<80xi32, #tpu.memory_space<hbm>>) target(%dma_start3A_126 : memref<80xi32, #tpu.memory_space<vmem>>) target_semaphore(%arg11 : memref<!tpu.dma_semaphore, #tpu.memory_space<semaphore_mem>>)
    %multiple_of3A_128 = arith.constant 9920 : i32
    %multiple_of3A_129 = tpu.assume_multiple %multiple_of3A_128, 8 : i32
    %dma_start3A_130 = arith.constant 0 : i32
    %dma_start3A_131 = arith.constant 0 : i32
    %dma_start3A_132 = arith.constant 0 : i32
    %dma_start3A_133 = arith.constant 0 : i32
    %dma_start3A_134 = tpu.memref_slice %arg9[%dma_start3A_130, %dma_start3A_131, %dma_start3A_132, %dma_start3A_133] : memref<2x1x80x128xf32, #tpu.memory_space<vmem>> -> memref<1x1x80x128xf32, #tpu.memory_space<vmem>>
    %dma_start3A_135 = tpu.memref_squeeze %dma_start3A_134 : memref<1x1x80x128xf32, #tpu.memory_space<vmem>> -> memref<80x128xf32, #tpu.memory_space<vmem>>
    %dma_start3A_136 = tpu.memref_slice %arg7[%multiple_of3A_129] : memref<10000xi32, #tpu.memory_space<vmem>> -> memref<80xi32, #tpu.memory_space<vmem>>
    %dma_start3A_137 = arith.constant 0 : i32
    %dma_start3A_138 = arith.constant 0 : i32
    %dma_start3A_139 = tpu.memref_slice %arg4[%dma_start3A_137, %dma_start3A_138] : memref<10000x128xf32, #tpu.memory_space<hbm>> -> memref<10000x128xf32, #tpu.memory_space<hbm>>
    tpu.enqueue_indirect_dma source(%dma_start3A_139 : memref<10000x128xf32, #tpu.memory_space<hbm>>) target(%dma_start3A_135 : memref<80x128xf32, #tpu.memory_space<vmem>>) offsets(%dma_start3A_136 : memref<80xi32, #tpu.memory_space<vmem>>) semaphore(%arg13 : memref<!tpu.dma_semaphore, #tpu.memory_space<semaphore_mem>>)
    %dma_wait3A_140 = arith.constant 1 : i32
    %dma_wait3A_141 = arith.constant 0 : i32
    %dma_wait3A_142 = arith.constant 0 : i32
    %dma_wait3A_143 = arith.constant 0 : i32
    %dma_wait3A_144 = tpu.memref_slice %arg9[%dma_wait3A_140, %dma_wait3A_141, %dma_wait3A_142, %dma_wait3A_143] : memref<2x1x80x128xf32, #tpu.memory_space<vmem>> -> memref<1x1x80x128xf32, #tpu.memory_space<vmem>>
    %dma_wait3A_145 = tpu.memref_squeeze %dma_wait3A_144 : memref<1x1x80x128xf32, #tpu.memory_space<vmem>> -> memref<80x128xf32, #tpu.memory_space<vmem>>
    %dma_wait3A_146 = arith.constant 0 : i32
    %dma_wait3A_147 = arith.constant 0 : i32
    %dma_wait3A_148 = tpu.memref_slice %arg4[%dma_wait3A_146, %dma_wait3A_147] : memref<10000x128xf32, #tpu.memory_space<hbm>> -> memref<80x128xf32, #tpu.memory_space<hbm>>
    %dma_wait3A_149 = arith.constant 0 : i32
    %dma_wait3A_150 = arith.constant 0 : i32
    %dma_wait3A_151 = tpu.memref_slice %arg9[%dma_wait3A_140, %dma_wait3A_141, %dma_wait3A_149, %dma_wait3A_150] : memref<2x1x80x128xf32, #tpu.memory_space<vmem>> -> memref<1x1x80x128xf32, #tpu.memory_space<vmem>>
    %dma_wait3A_152 = tpu.memref_squeeze %dma_wait3A_151 : memref<1x1x80x128xf32, #tpu.memory_space<vmem>> -> memref<80x128xf32, #tpu.memory_space<vmem>>
    %dma_wait3A_153 = arith.constant 0 : i32
    %dma_wait3A_154 = arith.constant 0 : i32
    %dma_wait3A_155 = tpu.memref_slice %arg4[%dma_wait3A_153, %dma_wait3A_154] : memref<10000x128xf32, #tpu.memory_space<hbm>> -> memref<80x128xf32, #tpu.memory_space<hbm>>
    tpu.wait_dma2 semaphore(%arg14 : memref<!tpu.dma_semaphore, #tpu.memory_space<semaphore_mem>>) src(%dma_wait3A_155 : memref<80x128xf32, #tpu.memory_space<hbm>>) dst(%dma_wait3A_152 : memref<80x128xf32, #tpu.memory_space<vmem>>)
    %dma_wait3A_156 = arith.constant 123 : i32
    %dma_wait3A_157 = arith.constant 0 : i32
    %dma_wait3A_158 = tpu.memref_slice %arg8[%dma_wait3A_156, %dma_wait3A_157] : memref<125x80xi32, #tpu.memory_space<vmem>> -> memref<1x80xi32, #tpu.memory_space<vmem>>
    %dma_wait3A_159 = tpu.memref_squeeze %dma_wait3A_158 : memref<1x80xi32, #tpu.memory_space<vmem>> -> memref<80xi32, #tpu.memory_space<vmem>>
    %dma_wait3A_160 = arith.constant 0 : i32
    %dma_wait3A_161 = tpu.memref_slice %arg3[%dma_wait3A_160] : memref<320000xi32, #tpu.memory_space<hbm>> -> memref<80xi32, #tpu.memory_space<hbm>>
    %dma_wait3A_162 = arith.constant 0 : i32
    %dma_wait3A_163 = tpu.memref_slice %arg8[%dma_wait3A_156, %dma_wait3A_162] : memref<125x80xi32, #tpu.memory_space<vmem>> -> memref<1x80xi32, #tpu.memory_space<vmem>>
    %dma_wait3A_164 = tpu.memref_squeeze %dma_wait3A_163 : memref<1x80xi32, #tpu.memory_space<vmem>> -> memref<80xi32, #tpu.memory_space<vmem>>
    %dma_wait3A_165 = arith.constant 0 : i32
    %dma_wait3A_166 = tpu.memref_slice %arg3[%dma_wait3A_165] : memref<320000xi32, #tpu.memory_space<hbm>> -> memref<80xi32, #tpu.memory_space<hbm>>
    tpu.wait_dma2 semaphore(%arg12 : memref<!tpu.dma_semaphore, #tpu.memory_space<semaphore_mem>>) src(%dma_wait3A_166 : memref<80xi32, #tpu.memory_space<hbm>>) dst(%dma_wait3A_164 : memref<80xi32, #tpu.memory_space<vmem>>)
    %dma_start3A_167 = arith.constant 1 : i32
    %dma_start3A_168 = arith.constant 0 : i32
    %dma_start3A_169 = arith.constant 123 : i32
    %dma_start3A_170 = arith.constant 0 : i32
    %dma_start3A_171 = arith.constant 0 : i32
    %dma_start3A_172 = tpu.memref_slice %arg9[%dma_start3A_167, %dma_start3A_168, %dma_start3A_170, %dma_start3A_171] : memref<2x1x80x128xf32, #tpu.memory_space<vmem>> -> memref<1x1x80x128xf32, #tpu.memory_space<vmem>>
    %dma_start3A_173 = tpu.memref_squeeze %dma_start3A_172 : memref<1x1x80x128xf32, #tpu.memory_space<vmem>> -> memref<80x128xf32, #tpu.memory_space<vmem>>
    %dma_start3A_174 = arith.constant 0 : i32
    %dma_start3A_175 = tpu.memref_slice %arg8[%dma_start3A_169, %dma_start3A_174] : memref<125x80xi32, #tpu.memory_space<vmem>> -> memref<1x80xi32, #tpu.memory_space<vmem>>
    %dma_start3A_176 = tpu.memref_squeeze %dma_start3A_175 : memref<1x80xi32, #tpu.memory_space<vmem>> -> memref<80xi32, #tpu.memory_space<vmem>>
    %dma_start3A_177 = arith.constant 0 : i32
    %dma_start3A_178 = arith.constant 0 : i32
    %dma_start3A_179 = tpu.memref_slice %arg10[%dma_start3A_177, %dma_start3A_178] : memref<10112x128xf32, #tpu.memory_space<vmem_shared>> -> memref<10112x128xf32, #tpu.memory_space<vmem_shared>>
    tpu.enqueue_indirect_dma source(%dma_start3A_173 : memref<80x128xf32, #tpu.memory_space<vmem>>) target(%dma_start3A_179 : memref<10112x128xf32, #tpu.memory_space<vmem_shared>>) offsets(%dma_start3A_176 : memref<80xi32, #tpu.memory_space<vmem>>) semaphore(%arg16 : memref<!tpu.dma_semaphore, #tpu.memory_space<semaphore_mem>>) {add = true}
    %dma_wait3A_180 = arith.constant 0 : i32
    %dma_wait3A_181 = arith.constant 0 : i32
    %dma_wait3A_182 = arith.constant 0 : i32
    %dma_wait3A_183 = arith.constant 0 : i32
    %dma_wait3A_184 = tpu.memref_slice %arg9[%dma_wait3A_180, %dma_wait3A_181, %dma_wait3A_182, %dma_wait3A_183] : memref<2x1x80x128xf32, #tpu.memory_space<vmem>> -> memref<1x1x80x128xf32, #tpu.memory_space<vmem>>
    %dma_wait3A_185 = tpu.memref_squeeze %dma_wait3A_184 : memref<1x1x80x128xf32, #tpu.memory_space<vmem>> -> memref<80x128xf32, #tpu.memory_space<vmem>>
    %dma_wait3A_186 = arith.constant 0 : i32
    %dma_wait3A_187 = arith.constant 0 : i32
    %dma_wait3A_188 = tpu.memref_slice %arg4[%dma_wait3A_186, %dma_wait3A_187] : memref<10000x128xf32, #tpu.memory_space<hbm>> -> memref<80x128xf32, #tpu.memory_space<hbm>>
    %dma_wait3A_189 = arith.constant 0 : i32
    %dma_wait3A_190 = arith.constant 0 : i32
    %dma_wait3A_191 = tpu.memref_slice %arg9[%dma_wait3A_180, %dma_wait3A_181, %dma_wait3A_189, %dma_wait3A_190] : memref<2x1x80x128xf32, #tpu.memory_space<vmem>> -> memref<1x1x80x128xf32, #tpu.memory_space<vmem>>
    %dma_wait3A_192 = tpu.memref_squeeze %dma_wait3A_191 : memref<1x1x80x128xf32, #tpu.memory_space<vmem>> -> memref<80x128xf32, #tpu.memory_space<vmem>>
    %dma_wait3A_193 = arith.constant 0 : i32
    %dma_wait3A_194 = arith.constant 0 : i32
    %dma_wait3A_195 = tpu.memref_slice %arg4[%dma_wait3A_193, %dma_wait3A_194] : memref<10000x128xf32, #tpu.memory_space<hbm>> -> memref<80x128xf32, #tpu.memory_space<hbm>>
    tpu.wait_dma2 semaphore(%arg13 : memref<!tpu.dma_semaphore, #tpu.memory_space<semaphore_mem>>) src(%dma_wait3A_195 : memref<80x128xf32, #tpu.memory_space<hbm>>) dst(%dma_wait3A_192 : memref<80x128xf32, #tpu.memory_space<vmem>>)
    %dma_wait3A_196 = arith.constant 124 : i32
    %dma_wait3A_197 = arith.constant 0 : i32
    %dma_wait3A_198 = tpu.memref_slice %arg8[%dma_wait3A_196, %dma_wait3A_197] : memref<125x80xi32, #tpu.memory_space<vmem>> -> memref<1x80xi32, #tpu.memory_space<vmem>>
    %dma_wait3A_199 = tpu.memref_squeeze %dma_wait3A_198 : memref<1x80xi32, #tpu.memory_space<vmem>> -> memref<80xi32, #tpu.memory_space<vmem>>
    %dma_wait3A_200 = arith.constant 0 : i32
    %dma_wait3A_201 = tpu.memref_slice %arg3[%dma_wait3A_200] : memref<320000xi32, #tpu.memory_space<hbm>> -> memref<80xi32, #tpu.memory_space<hbm>>
    %dma_wait3A_202 = arith.constant 0 : i32
    %dma_wait3A_203 = tpu.memref_slice %arg8[%dma_wait3A_196, %dma_wait3A_202] : memref<125x80xi32, #tpu.memory_space<vmem>> -> memref<1x80xi32, #tpu.memory_space<vmem>>
    %dma_wait3A_204 = tpu.memref_squeeze %dma_wait3A_203 : memref<1x80xi32, #tpu.memory_space<vmem>> -> memref<80xi32, #tpu.memory_space<vmem>>
    %dma_wait3A_205 = arith.constant 0 : i32
    %dma_wait3A_206 = tpu.memref_slice %arg3[%dma_wait3A_205] : memref<320000xi32, #tpu.memory_space<hbm>> -> memref<80xi32, #tpu.memory_space<hbm>>
    tpu.wait_dma2 semaphore(%arg11 : memref<!tpu.dma_semaphore, #tpu.memory_space<semaphore_mem>>) src(%dma_wait3A_206 : memref<80xi32, #tpu.memory_space<hbm>>) dst(%dma_wait3A_204 : memref<80xi32, #tpu.memory_space<vmem>>)
    %dma_start3A_207 = arith.constant 0 : i32
    %dma_start3A_208 = arith.constant 0 : i32
    %dma_start3A_209 = arith.constant 124 : i32
    %dma_start3A_210 = arith.constant 0 : i32
    %dma_start3A_211 = arith.constant 0 : i32
    %dma_start3A_212 = tpu.memref_slice %arg9[%dma_start3A_207, %dma_start3A_208, %dma_start3A_210, %dma_start3A_211] : memref<2x1x80x128xf32, #tpu.memory_space<vmem>> -> memref<1x1x80x128xf32, #tpu.memory_space<vmem>>
    %dma_start3A_213 = tpu.memref_squeeze %dma_start3A_212 : memref<1x1x80x128xf32, #tpu.memory_space<vmem>> -> memref<80x128xf32, #tpu.memory_space<vmem>>
    %dma_start3A_214 = arith.constant 0 : i32
    %dma_start3A_215 = tpu.memref_slice %arg8[%dma_start3A_209, %dma_start3A_214] : memref<125x80xi32, #tpu.memory_space<vmem>> -> memref<1x80xi32, #tpu.memory_space<vmem>>
    %dma_start3A_216 = tpu.memref_squeeze %dma_start3A_215 : memref<1x80xi32, #tpu.memory_space<vmem>> -> memref<80xi32, #tpu.memory_space<vmem>>
    %dma_start3A_217 = arith.constant 0 : i32
    %dma_start3A_218 = arith.constant 0 : i32
    %dma_start3A_219 = tpu.memref_slice %arg10[%dma_start3A_217, %dma_start3A_218] : memref<10112x128xf32, #tpu.memory_space<vmem_shared>> -> memref<10112x128xf32, #tpu.memory_space<vmem_shared>>
    tpu.enqueue_indirect_dma source(%dma_start3A_213 : memref<80x128xf32, #tpu.memory_space<vmem>>) target(%dma_start3A_219 : memref<10112x128xf32, #tpu.memory_space<vmem_shared>>) offsets(%dma_start3A_216 : memref<80xi32, #tpu.memory_space<vmem>>) semaphore(%arg15 : memref<!tpu.dma_semaphore, #tpu.memory_space<semaphore_mem>>) {add = true}
    %dma_wait3A_220 = arith.constant 1 : i32
    %dma_wait3A_221 = arith.constant 0 : i32
    %dma_wait3A_222 = arith.constant 0 : i32
    %dma_wait3A_223 = arith.constant 0 : i32
    %dma_wait3A_224 = tpu.memref_slice %arg9[%dma_wait3A_220, %dma_wait3A_221, %dma_wait3A_222, %dma_wait3A_223] : memref<2x1x80x128xf32, #tpu.memory_space<vmem>> -> memref<1x1x80x128xf32, #tpu.memory_space<vmem>>
    %dma_wait3A_225 = tpu.memref_squeeze %dma_wait3A_224 : memref<1x1x80x128xf32, #tpu.memory_space<vmem>> -> memref<80x128xf32, #tpu.memory_space<vmem>>
    %dma_wait3A_226 = arith.constant 0 : i32
    %dma_wait3A_227 = arith.constant 0 : i32
    %dma_wait3A_228 = tpu.memref_slice %arg4[%dma_wait3A_226, %dma_wait3A_227] : memref<10000x128xf32, #tpu.memory_space<hbm>> -> memref<80x128xf32, #tpu.memory_space<hbm>>
    %dma_wait3A_229 = arith.constant 0 : i32
    %dma_wait3A_230 = arith.constant 0 : i32
    %dma_wait3A_231 = tpu.memref_slice %arg9[%dma_wait3A_220, %dma_wait3A_221, %dma_wait3A_229, %dma_wait3A_230] : memref<2x1x80x128xf32, #tpu.memory_space<vmem>> -> memref<1x1x80x128xf32, #tpu.memory_space<vmem>>
    %dma_wait3A_232 = tpu.memref_squeeze %dma_wait3A_231 : memref<1x1x80x128xf32, #tpu.memory_space<vmem>> -> memref<80x128xf32, #tpu.memory_space<vmem>>
    %dma_wait3A_233 = arith.constant 0 : i32
    %dma_wait3A_234 = arith.constant 0 : i32
    %dma_wait3A_235 = tpu.memref_slice %arg4[%dma_wait3A_233, %dma_wait3A_234] : memref<10000x128xf32, #tpu.memory_space<hbm>> -> memref<80x128xf32, #tpu.memory_space<hbm>>
    tpu.wait_dma2 semaphore(%arg16 : memref<!tpu.dma_semaphore, #tpu.memory_space<semaphore_mem>>) src(%dma_wait3A_235 : memref<80x128xf32, #tpu.memory_space<hbm>>) dst(%dma_wait3A_232 : memref<80x128xf32, #tpu.memory_space<vmem>>)
    %dma_wait3A_236 = arith.constant 0 : i32
    %dma_wait3A_237 = arith.constant 0 : i32
    %dma_wait3A_238 = arith.constant 0 : i32
    %dma_wait3A_239 = arith.constant 0 : i32
    %dma_wait3A_240 = tpu.memref_slice %arg9[%dma_wait3A_236, %dma_wait3A_237, %dma_wait3A_238, %dma_wait3A_239] : memref<2x1x80x128xf32, #tpu.memory_space<vmem>> -> memref<1x1x80x128xf32, #tpu.memory_space<vmem>>
    %dma_wait3A_241 = tpu.memref_squeeze %dma_wait3A_240 : memref<1x1x80x128xf32, #tpu.memory_space<vmem>> -> memref<80x128xf32, #tpu.memory_space<vmem>>
    %dma_wait3A_242 = arith.constant 0 : i32
    %dma_wait3A_243 = arith.constant 0 : i32
    %dma_wait3A_244 = tpu.memref_slice %arg4[%dma_wait3A_242, %dma_wait3A_243] : memref<10000x128xf32, #tpu.memory_space<hbm>> -> memref<80x128xf32, #tpu.memory_space<hbm>>
    %dma_wait3A_245 = arith.constant 0 : i32
    %dma_wait3A_246 = arith.constant 0 : i32
    %dma_wait3A_247 = tpu.memref_slice %arg9[%dma_wait3A_236, %dma_wait3A_237, %dma_wait3A_245, %dma_wait3A_246] : memref<2x1x80x128xf32, #tpu.memory_space<vmem>> -> memref<1x1x80x128xf32, #tpu.memory_space<vmem>>
    %dma_wait3A_248 = tpu.memref_squeeze %dma_wait3A_247 : memref<1x1x80x128xf32, #tpu.memory_space<vmem>> -> memref<80x128xf32, #tpu.memory_space<vmem>>
    %dma_wait3A_249 = arith.constant 0 : i32
    %dma_wait3A_250 = arith.constant 0 : i32
    %dma_wait3A_251 = tpu.memref_slice %arg4[%dma_wait3A_249, %dma_wait3A_250] : memref<10000x128xf32, #tpu.memory_space<hbm>> -> memref<80x128xf32, #tpu.memory_space<hbm>>
    tpu.wait_dma2 semaphore(%arg15 : memref<!tpu.dma_semaphore, #tpu.memory_space<semaphore_mem>>) src(%dma_wait3A_251 : memref<80x128xf32, #tpu.memory_space<hbm>>) dst(%dma_wait3A_248 : memref<80x128xf32, #tpu.memory_space<vmem>>)
    %barrier3A_252 = arith.constant 0 : index
    tpu.barrier barrier_id(%barrier3A_252)
    "tpu.region"() ({
      %run_scoped3A = tpu.sem_alloc : memref<!tpu.dma_semaphore, #tpu.memory_space<semaphore_mem>>
      %dma_start3A_253 = arith.constant 0 : i32
      %dma_start3A_254 = tpu.memref_slice %arg6[%arg0, %mul3A_2, %dma_start3A_253] : memref<2x10112x128xf32, #tpu.memory_space<hbm>> -> memref<1x632x128xf32, #tpu.memory_space<hbm>>
      %dma_start3A_255 = tpu.memref_squeeze %dma_start3A_254 : memref<1x632x128xf32, #tpu.memory_space<hbm>> -> memref<632x128xf32, #tpu.memory_space<hbm>>
      %dma_start3A_256 = arith.constant 0 : i32
      %dma_start3A_257 = tpu.memref_slice %arg10[%mul3A_2, %dma_start3A_256] : memref<10112x128xf32, #tpu.memory_space<vmem_shared>> -> memref<632x128xf32, #tpu.memory_space<vmem_shared>>
      tpu.enqueue_dma source(%dma_start3A_257 : memref<632x128xf32, #tpu.memory_space<vmem_shared>>) target(%dma_start3A_255 : memref<632x128xf32, #tpu.memory_space<hbm>>) target_semaphore(%run_scoped3A : memref<!tpu.dma_semaphore, #tpu.memory_space<semaphore_mem>>)
      %dma_wait3A_258 = arith.constant 0 : i32
      %dma_wait3A_259 = tpu.memref_slice %arg6[%arg0, %mul3A_2, %dma_wait3A_258] : memref<2x10112x128xf32, #tpu.memory_space<hbm>> -> memref<1x632x128xf32, #tpu.memory_space<hbm>>
      %dma_wait3A_260 = tpu.memref_squeeze %dma_wait3A_259 : memref<1x632x128xf32, #tpu.memory_space<hbm>> -> memref<632x128xf32, #tpu.memory_space<hbm>>
      %dma_wait3A_261 = arith.constant 0 : i32
      %dma_wait3A_262 = tpu.memref_slice %arg10[%mul3A_2, %dma_wait3A_261] : memref<10112x128xf32, #tpu.memory_space<vmem_shared>> -> memref<632x128xf32, #tpu.memory_space<vmem_shared>>
      tpu.wait_dma2 semaphore(%run_scoped3A : memref<!tpu.dma_semaphore, #tpu.memory_space<semaphore_mem>>) src(%dma_wait3A_262 : memref<632x128xf32, #tpu.memory_space<vmem_shared>>) dst(%dma_wait3A_260 : memref<632x128xf32, #tpu.memory_space<hbm>>)
      tpu.yield
    }) : () -> ()
    return
  }
}

#map = affine_map<(d0, d1) -> (0)>
#map1 = affine_map<(d0, d1) -> (0, 0)>
#map2 = affine_map<(d0, d1) -> (0, 0, 0)>
module attributes {stable_mosaic.version = 14 : i64} {
  func.func @deg_kernel(%arg0: i32, %arg1: i32, %arg2: memref<320000xi32, #tpu.memory_space<hbm>>, %arg3: memref<10112x32xf32, #tpu.memory_space<hbm>>, %arg4: memref<2x10112x32xf32, #tpu.memory_space<hbm>>, %arg5: memref<80xi32, #tpu.memory_space<vmem>>, %arg6: memref<80x32xf32, #tpu.memory_space<vmem>>, %arg7: memref<10112x32xf32, #tpu.memory_space<vmem_shared>>) attributes {dimension_semantics = [#tpu.dimension_semantics<core_parallel>, #tpu.dimension_semantics<subcore_parallel>], iteration_bounds = array<i64: 2, 16>, scalar_prefetch = 0 : i64, scratch_operands = 3 : i64, tpu.core_type = #tpu.core_type<sc_vector_subcore>, window_params = [{transform_indices = #map}, {transform_indices = #map1}, {transform_indices = #map2}]} {
    %mul3A = arith.constant 2 : i32
    %mul3A_0 = arith.muli %arg1, %mul3A : i32
    %add3A = arith.addi %mul3A_0, %arg0 : i32
    %mul3A_1 = arith.constant 632 : i32
    %mul3A_2 = arith.muli %arg1, %mul3A_1 : i32
    %scan3A = arith.constant 0 : i32
    %scan3A_3 = arith.constant 0 : i32
    %scan3A_4 = arith.constant 160 : i32
    %scan3A_5 = arith.addi %scan3A_3, %scan3A_4 : i32
    %scan3A_6 = arith.constant 1 : i32
    scf.for %scan3A_17 = %scan3A_3 to %scan3A_5 step %scan3A_6  : i32 {
      %jit3A = arith.constant 2 : i32
      %div3A = arith.divsi %scan3A_17, %jit3A : i32
      %sign3A = arith.constant 0 : i32
      %sign3A_18 = arith.cmpi sgt, %scan3A_17, %sign3A : i32
      %sign3A_19 = arith.extui %sign3A_18 : i1 to i32
      %sign3A_20 = arith.constant 0 : i32
      %sign3A_21 = arith.cmpi slt, %scan3A_17, %sign3A_20 : i32
      %sign3A_22 = arith.extui %sign3A_21 : i1 to i32
      %sign3A_23 = arith.subi %sign3A_19, %sign3A_22 : i32
      %sign3A_24 = arith.constant 0 : i32
      %sign3A_25 = arith.cmpi sgt, %jit3A, %sign3A_24 : i32
      %sign3A_26 = arith.extui %sign3A_25 : i1 to i32
      %sign3A_27 = arith.constant 0 : i32
      %sign3A_28 = arith.cmpi slt, %jit3A, %sign3A_27 : i32
      %sign3A_29 = arith.extui %sign3A_28 : i1 to i32
      %sign3A_30 = arith.subi %sign3A_26, %sign3A_29 : i32
      %ne3A = arith.cmpi ne, %sign3A_23, %sign3A_30 : i32
      %rem3A = arith.remsi %scan3A_17, %jit3A : i32
      %ne3A_31 = arith.constant 0 : i32
      %ne3A_32 = arith.cmpi ne, %rem3A, %ne3A_31 : i32
      %and3A = arith.andi %ne3A, %ne3A_32 : i1
      %sub3A = arith.constant 1 : i32
      %sub3A_33 = arith.subi %div3A, %sub3A : i32
      %select_n3A = arith.select %and3A, %sub3A_33, %div3A : i32
      %jit3A_34 = arith.constant 2 : i32
      %eq3A = arith.constant 0 : i32
      %eq3A_35 = arith.cmpi eq, %jit3A_34, %eq3A : i32
      %jit3A_36 = arith.constant 1 : i32
      %select_n3A_37 = arith.select %eq3A_35, %jit3A_36, %jit3A_34 : i32
      %rem3A_38 = arith.remsi %scan3A_17, %select_n3A_37 : i32
      %ne3A_39 = arith.constant 0 : i32
      %ne3A_40 = arith.cmpi ne, %rem3A_38, %ne3A_39 : i32
      %lt3A = arith.constant 0 : i32
      %lt3A_41 = arith.cmpi slt, %rem3A_38, %lt3A : i32
      %lt3A_42 = arith.constant 0 : i32
      %lt3A_43 = arith.cmpi slt, %select_n3A_37, %lt3A_42 : i32
      %ne3A_44 = arith.xori %lt3A_41, %lt3A_43 : i1
      %and3A_45 = arith.andi %ne3A_44, %ne3A_40 : i1
      %add3A_46 = arith.addi %rem3A_38, %select_n3A_37 : i32
      %select_n3A_47 = arith.select %and3A_45, %add3A_46, %rem3A_38 : i32
      %mul3A_48 = arith.constant 16 : i32
      %mul3A_49 = arith.muli %select_n3A_47, %mul3A_48 : i32
      %broadcast_in_dim3A = arith.constant 1.000000e+00 : f32
      %broadcast_in_dim3A_50 = vector.broadcast %broadcast_in_dim3A : f32 to vector<16xf32>
      %swap3A = arith.index_cast %select_n3A : i32 to index
      %swap3A_51 = arith.index_cast %mul3A_49 : i32 to index
      %swap3A_52 = tpu.vector_load %arg6[%swap3A, %swap3A_51] {strides = array<i32>} : memref<80x32xf32, #tpu.memory_space<vmem>>, vector<1x16xf32>,
      %swap3A_53 = vector.shape_cast %swap3A_52 : vector<1x16xf32> to vector<16xf32>
      %swap3A_54 = vector.shape_cast %broadcast_in_dim3A_50 : vector<16xf32> to vector<1x16xf32>
      tpu.vector_store %arg6[%swap3A, %swap3A_51], %swap3A_54 {strides = array<i32>} : memref<80x32xf32, #tpu.memory_space<vmem>>, vector<1x16xf32>,
    }
    %scan3A_7 = arith.constant 160 : i32
    "tpu.region"() ({
      %run_scoped3A = tpu.sem_alloc : memref<!tpu.dma_semaphore, #tpu.memory_space<semaphore_mem>>
      %dma_start3A = arith.constant 0 : i32
      %dma_start3A_17 = tpu.memref_slice %arg7[%mul3A_2, %dma_start3A] : memref<10112x32xf32, #tpu.memory_space<vmem_shared>> -> memref<632x32xf32, #tpu.memory_space<vmem_shared>>
      %dma_start3A_18 = arith.constant 0 : i32
      %dma_start3A_19 = tpu.memref_slice %arg3[%mul3A_2, %dma_start3A_18] : memref<10112x32xf32, #tpu.memory_space<hbm>> -> memref<632x32xf32, #tpu.memory_space<hbm>>
      tpu.enqueue_dma source(%dma_start3A_19 : memref<632x32xf32, #tpu.memory_space<hbm>>) target(%dma_start3A_17 : memref<632x32xf32, #tpu.memory_space<vmem_shared>>) target_semaphore(%run_scoped3A : memref<!tpu.dma_semaphore, #tpu.memory_space<semaphore_mem>>)
      %dma_wait3A = arith.constant 0 : i32
      %dma_wait3A_20 = tpu.memref_slice %arg7[%mul3A_2, %dma_wait3A] : memref<10112x32xf32, #tpu.memory_space<vmem_shared>> -> memref<632x32xf32, #tpu.memory_space<vmem_shared>>
      %dma_wait3A_21 = arith.constant 0 : i32
      %dma_wait3A_22 = tpu.memref_slice %arg3[%mul3A_2, %dma_wait3A_21] : memref<10112x32xf32, #tpu.memory_space<hbm>> -> memref<632x32xf32, #tpu.memory_space<hbm>>
      tpu.wait_dma2 semaphore(%run_scoped3A : memref<!tpu.dma_semaphore, #tpu.memory_space<semaphore_mem>>) src(%dma_wait3A_22 : memref<632x32xf32, #tpu.memory_space<hbm>>) dst(%dma_wait3A_20 : memref<632x32xf32, #tpu.memory_space<vmem_shared>>)
      tpu.yield
    }) : () -> ()
    %barrier3A = arith.constant 0 : index
    tpu.barrier barrier_id(%barrier3A)
    %mul3A_8 = arith.constant 10000 : i32
    %mul3A_9 = arith.muli %add3A, %mul3A_8 : i32
    %scan3A_10 = arith.constant 0 : i32
    %scan3A_11 = arith.constant 0 : i32
    %scan3A_12 = arith.constant 125 : i32
    %scan3A_13 = arith.addi %scan3A_11, %scan3A_12 : i32
    %scan3A_14 = arith.constant 1 : i32
    scf.for %scan3A_17 = %scan3A_11 to %scan3A_13 step %scan3A_14  : i32 {
      %mul3A_18 = arith.constant 80 : i32
      %mul3A_19 = arith.muli %scan3A_17, %mul3A_18 : i32
      %add3A_20 = arith.addi %mul3A_9, %mul3A_19 : i32
      %multiple_of3A = tpu.assume_multiple %add3A_20, 8 : i32
      "tpu.region"() ({
        %run_scoped3A = tpu.sem_alloc : memref<!tpu.dma_semaphore, #tpu.memory_space<semaphore_mem>>
        %dma_start3A = tpu.memref_slice %arg2[%multiple_of3A] : memref<320000xi32, #tpu.memory_space<hbm>> -> memref<80xi32, #tpu.memory_space<hbm>>
        %dma_start3A_21 = tpu.memref_slice %arg2[%multiple_of3A] : memref<320000xi32, #tpu.memory_space<hbm>> -> memref<80xi32, #tpu.memory_space<hbm>>
        tpu.enqueue_dma source(%dma_start3A_21 : memref<80xi32, #tpu.memory_space<hbm>>) target(%arg5 : memref<80xi32, #tpu.memory_space<vmem>>) target_semaphore(%run_scoped3A : memref<!tpu.dma_semaphore, #tpu.memory_space<semaphore_mem>>)
        %dma_wait3A = tpu.memref_slice %arg2[%multiple_of3A] : memref<320000xi32, #tpu.memory_space<hbm>> -> memref<80xi32, #tpu.memory_space<hbm>>
        %dma_wait3A_22 = tpu.memref_slice %arg2[%multiple_of3A] : memref<320000xi32, #tpu.memory_space<hbm>> -> memref<80xi32, #tpu.memory_space<hbm>>
        tpu.wait_dma2 semaphore(%run_scoped3A : memref<!tpu.dma_semaphore, #tpu.memory_space<semaphore_mem>>) src(%dma_wait3A_22 : memref<80xi32, #tpu.memory_space<hbm>>) dst(%arg5 : memref<80xi32, #tpu.memory_space<vmem>>)
        tpu.yield
      }) : () -> ()
      "tpu.region"() ({
        %run_scoped3A = tpu.sem_alloc : memref<!tpu.dma_semaphore, #tpu.memory_space<semaphore_mem>>
        %dma_start3A = arith.constant 0 : i32
        %dma_start3A_21 = arith.constant 0 : i32
        %dma_start3A_22 = tpu.memref_slice %arg7[%dma_start3A, %dma_start3A_21] : memref<10112x32xf32, #tpu.memory_space<vmem_shared>> -> memref<10112x32xf32, #tpu.memory_space<vmem_shared>>
        tpu.enqueue_indirect_dma source(%arg6 : memref<80x32xf32, #tpu.memory_space<vmem>>) target(%dma_start3A_22 : memref<10112x32xf32, #tpu.memory_space<vmem_shared>>) offsets(%arg5 : memref<80xi32, #tpu.memory_space<vmem>>) semaphore(%run_scoped3A : memref<!tpu.dma_semaphore, #tpu.memory_space<semaphore_mem>>) {add = true}
        %dma_wait3A = arith.constant 0 : i32
        %dma_wait3A_23 = arith.constant 0 : i32
        %dma_wait3A_24 = tpu.memref_slice %arg7[%dma_wait3A, %dma_wait3A_23] : memref<10112x32xf32, #tpu.memory_space<vmem_shared>> -> memref<10112x32xf32, #tpu.memory_space<vmem_shared>>
        tpu.wait_indirect_dma semaphore(%run_scoped3A : memref<!tpu.dma_semaphore, #tpu.memory_space<semaphore_mem>>) src(%arg6 : memref<80x32xf32, #tpu.memory_space<vmem>>) dst(%dma_wait3A_24 : memref<10112x32xf32, #tpu.memory_space<vmem_shared>>)
        tpu.yield
      }) : () -> ()
    }
    %scan3A_15 = arith.constant 125 : i32
    %barrier3A_16 = arith.constant 0 : index
    tpu.barrier barrier_id(%barrier3A_16)
    "tpu.region"() ({
      %run_scoped3A = tpu.sem_alloc : memref<!tpu.dma_semaphore, #tpu.memory_space<semaphore_mem>>
      %dma_start3A = arith.constant 0 : i32
      %dma_start3A_17 = tpu.memref_slice %arg4[%arg0, %mul3A_2, %dma_start3A] : memref<2x10112x32xf32, #tpu.memory_space<hbm>> -> memref<1x632x32xf32, #tpu.memory_space<hbm>>
      %dma_start3A_18 = tpu.memref_squeeze %dma_start3A_17 : memref<1x632x32xf32, #tpu.memory_space<hbm>> -> memref<632x32xf32, #tpu.memory_space<hbm>>
      %dma_start3A_19 = arith.constant 0 : i32
      %dma_start3A_20 = tpu.memref_slice %arg7[%mul3A_2, %dma_start3A_19] : memref<10112x32xf32, #tpu.memory_space<vmem_shared>> -> memref<632x32xf32, #tpu.memory_space<vmem_shared>>
      tpu.enqueue_dma source(%dma_start3A_20 : memref<632x32xf32, #tpu.memory_space<vmem_shared>>) target(%dma_start3A_18 : memref<632x32xf32, #tpu.memory_space<hbm>>) target_semaphore(%run_scoped3A : memref<!tpu.dma_semaphore, #tpu.memory_space<semaphore_mem>>)
      %dma_wait3A = arith.constant 0 : i32
      %dma_wait3A_21 = tpu.memref_slice %arg4[%arg0, %mul3A_2, %dma_wait3A] : memref<2x10112x32xf32, #tpu.memory_space<hbm>> -> memref<1x632x32xf32, #tpu.memory_space<hbm>>
      %dma_wait3A_22 = tpu.memref_squeeze %dma_wait3A_21 : memref<1x632x32xf32, #tpu.memory_space<hbm>> -> memref<632x32xf32, #tpu.memory_space<hbm>>
      %dma_wait3A_23 = arith.constant 0 : i32
      %dma_wait3A_24 = tpu.memref_slice %arg7[%mul3A_2, %dma_wait3A_23] : memref<10112x32xf32, #tpu.memory_space<vmem_shared>> -> memref<632x32xf32, #tpu.memory_space<vmem_shared>>
      tpu.wait_dma2 semaphore(%run_scoped3A : memref<!tpu.dma_semaphore, #tpu.memory_space<semaphore_mem>>) src(%dma_wait3A_24 : memref<632x32xf32, #tpu.memory_space<vmem_shared>>) dst(%dma_wait3A_22 : memref<632x32xf32, #tpu.memory_space<hbm>>)
      tpu.yield
    }) : () -> ()
    return
  }
}

#map = affine_map<(d0, d1) -> (0)>
#map1 = affine_map<(d0, d1) -> (0, 0)>
#map2 = affine_map<(d0, d1) -> (0, 0, 0)>
module attributes {stable_mosaic.version = 14 : i64} {
  func.func @agg_kernel(%arg0: i32, %arg1: i32, %arg2: memref<320000xi32, #tpu.memory_space<hbm>>, %arg3: memref<320000xi32, #tpu.memory_space<hbm>>, %arg4: memref<10000x128xf32, #tpu.memory_space<hbm>>, %arg5: memref<10112x128xf32, #tpu.memory_space<hbm>>, %arg6: memref<2x10112x128xf32, #tpu.memory_space<hbm>>, %arg7: memref<10000xi32, #tpu.memory_space<vmem>>, %arg8: memref<125x80xi32, #tpu.memory_space<vmem>>, %arg9: memref<2x1x80x128xf32, #tpu.memory_space<vmem>>, %arg10: memref<10112x128xf32, #tpu.memory_space<vmem_shared>>, %arg11: memref<!tpu.dma_semaphore, #tpu.memory_space<semaphore_mem>>, %arg12: memref<!tpu.dma_semaphore, #tpu.memory_space<semaphore_mem>>, %arg13: memref<!tpu.dma_semaphore, #tpu.memory_space<semaphore_mem>>, %arg14: memref<!tpu.dma_semaphore, #tpu.memory_space<semaphore_mem>>, %arg15: memref<!tpu.dma_semaphore, #tpu.memory_space<semaphore_mem>>, %arg16: memref<!tpu.dma_semaphore, #tpu.memory_space<semaphore_mem>>) attributes {dimension_semantics = [#tpu.dimension_semantics<core_parallel>, #tpu.dimension_semantics<subcore_parallel>], iteration_bounds = array<i64: 2, 16>, scalar_prefetch = 0 : i64, scratch_operands = 10 : i64, tpu.core_type = #tpu.core_type<sc_vector_subcore>, window_params = [{transform_indices = #map}, {transform_indices = #map}, {transform_indices = #map1}, {transform_indices = #map1}, {transform_indices = #map2}]} {
    %mul3A = arith.constant 2 : i32
    %mul3A_0 = arith.muli %arg1, %mul3A : i32
    %add3A = arith.addi %mul3A_0, %arg0 : i32
    %mul3A_1 = arith.constant 632 : i32
    %mul3A_2 = arith.muli %arg1, %mul3A_1 : i32
    %mul3A_3 = arith.constant 10000 : i32
    %mul3A_4 = arith.muli %add3A, %mul3A_3 : i32
    %multiple_of3A = tpu.assume_multiple %mul3A_4, 8 : i32
    %dma_start3A = tpu.memref_slice %arg2[%multiple_of3A] : memref<320000xi32, #tpu.memory_space<hbm>> -> memref<10000xi32, #tpu.memory_space<hbm>>
    %dma_start3A_5 = tpu.memref_slice %arg2[%multiple_of3A] : memref<320000xi32, #tpu.memory_space<hbm>> -> memref<10000xi32, #tpu.memory_space<hbm>>
    tpu.enqueue_dma source(%dma_start3A_5 : memref<10000xi32, #tpu.memory_space<hbm>>) target(%arg7 : memref<10000xi32, #tpu.memory_space<vmem>>) target_semaphore(%arg11 : memref<!tpu.dma_semaphore, #tpu.memory_space<semaphore_mem>>)
    "tpu.region"() ({
      %run_scoped3A = tpu.sem_alloc : memref<!tpu.dma_semaphore, #tpu.memory_space<semaphore_mem>>
      %dma_start3A_253 = arith.constant 0 : i32
      %dma_start3A_254 = tpu.memref_slice %arg10[%mul3A_2, %dma_start3A_253] : memref<10112x128xf32, #tpu.memory_space<vmem_shared>> -> memref<632x128xf32, #tpu.memory_space<vmem_shared>>
      %dma_start3A_255 = arith.constant 0 : i32
      %dma_start3A_256 = tpu.memref_slice %arg5[%mul3A_2, %dma_start3A_255] : memref<10112x128xf32, #tpu.memory_space<hbm>> -> memref<632x128xf32, #tpu.memory_space<hbm>>
      tpu.enqueue_dma source(%dma_start3A_256 : memref<632x128xf32, #tpu.memory_space<hbm>>) target(%dma_start3A_254 : memref<632x128xf32, #tpu.memory_space<vmem_shared>>) target_semaphore(%run_scoped3A : memref<!tpu.dma_semaphore, #tpu.memory_space<semaphore_mem>>)
      %dma_wait3A_257 = arith.constant 0 : i32
      %dma_wait3A_258 = tpu.memref_slice %arg10[%mul3A_2, %dma_wait3A_257] : memref<10112x128xf32, #tpu.memory_space<vmem_shared>> -> memref<632x128xf32, #tpu.memory_space<vmem_shared>>
      %dma_wait3A_259 = arith.constant 0 : i32
      %dma_wait3A_260 = tpu.memref_slice %arg5[%mul3A_2, %dma_wait3A_259] : memref<10112x128xf32, #tpu.memory_space<hbm>> -> memref<632x128xf32, #tpu.memory_space<hbm>>
      tpu.wait_dma2 semaphore(%run_scoped3A : memref<!tpu.dma_semaphore, #tpu.memory_space<semaphore_mem>>) src(%dma_wait3A_260 : memref<632x128xf32, #tpu.memory_space<hbm>>) dst(%dma_wait3A_258 : memref<632x128xf32, #tpu.memory_space<vmem_shared>>)
      tpu.yield
    }) : () -> ()
    %barrier3A = arith.constant 0 : index
    tpu.barrier barrier_id(%barrier3A)
    %dma_wait3A = tpu.memref_slice %arg2[%multiple_of3A] : memref<320000xi32, #tpu.memory_space<hbm>> -> memref<10000xi32, #tpu.memory_space<hbm>>
    %dma_wait3A_6 = tpu.memref_slice %arg2[%multiple_of3A] : memref<320000xi32, #tpu.memory_space<hbm>> -> memref<10000xi32, #tpu.memory_space<hbm>>
    tpu.wait_dma2 semaphore(%arg11 : memref<!tpu.dma_semaphore, #tpu.memory_space<semaphore_mem>>) src(%dma_wait3A_6 : memref<10000xi32, #tpu.memory_space<hbm>>) dst(%arg7 : memref<10000xi32, #tpu.memory_space<vmem>>)
    %add3A_7 = arith.constant 0 : i32
    %add3A_8 = arith.addi %mul3A_4, %add3A_7 : i32
    %multiple_of3A_9 = tpu.assume_multiple %add3A_8, 8 : i32
    %dma_start3A_10 = arith.constant 0 : i32
    %dma_start3A_11 = arith.constant 0 : i32
    %dma_start3A_12 = tpu.memref_slice %arg8[%dma_start3A_10, %dma_start3A_11] : memref<125x80xi32, #tpu.memory_space<vmem>> -> memref<1x80xi32, #tpu.memory_space<vmem>>
    %dma_start3A_13 = tpu.memref_squeeze %dma_start3A_12 : memref<1x80xi32, #tpu.memory_space<vmem>> -> memref<80xi32, #tpu.memory_space<vmem>>
    %dma_start3A_14 = tpu.memref_slice %arg3[%multiple_of3A_9] : memref<320000xi32, #tpu.memory_space<hbm>> -> memref<80xi32, #tpu.memory_space<hbm>>
    %dma_start3A_15 = arith.constant 0 : i32
    %dma_start3A_16 = tpu.memref_slice %arg8[%dma_start3A_10, %dma_start3A_15] : memref<125x80xi32, #tpu.memory_space<vmem>> -> memref<1x80xi32, #tpu.memory_space<vmem>>
    %dma_start3A_17 = tpu.memref_squeeze %dma_start3A_16 : memref<1x80xi32, #tpu.memory_space<vmem>> -> memref<80xi32, #tpu.memory_space<vmem>>
    %dma_start3A_18 = tpu.memref_slice %arg3[%multiple_of3A_9] : memref<320000xi32, #tpu.memory_space<hbm>> -> memref<80xi32, #tpu.memory_space<hbm>>
    tpu.enqueue_dma source(%dma_start3A_18 : memref<80xi32, #tpu.memory_space<hbm>>) target(%dma_start3A_17 : memref<80xi32, #tpu.memory_space<vmem>>) target_semaphore(%arg11 : memref<!tpu.dma_semaphore, #tpu.memory_space<semaphore_mem>>)
    %multiple_of3A_19 = arith.constant 0 : i32
    %multiple_of3A_20 = tpu.assume_multiple %multiple_of3A_19, 8 : i32
    %dma_start3A_21 = arith.constant 0 : i32
    %dma_start3A_22 = arith.constant 0 : i32
    %dma_start3A_23 = arith.constant 0 : i32
    %dma_start3A_24 = arith.constant 0 : i32
    %dma_start3A_25 = tpu.memref_slice %arg9[%dma_start3A_21, %dma_start3A_22, %dma_start3A_23, %dma_start3A_24] : memref<2x1x80x128xf32, #tpu.memory_space<vmem>> -> memref<1x1x80x128xf32, #tpu.memory_space<vmem>>
    %dma_start3A_26 = tpu.memref_squeeze %dma_start3A_25 : memref<1x1x80x128xf32, #tpu.memory_space<vmem>> -> memref<80x128xf32, #tpu.memory_space<vmem>>
    %dma_start3A_27 = tpu.memref_slice %arg7[%multiple_of3A_20] : memref<10000xi32, #tpu.memory_space<vmem>> -> memref<80xi32, #tpu.memory_space<vmem>>
    %dma_start3A_28 = arith.constant 0 : i32
    %dma_start3A_29 = arith.constant 0 : i32
    %dma_start3A_30 = tpu.memref_slice %arg4[%dma_start3A_28, %dma_start3A_29] : memref<10000x128xf32, #tpu.memory_space<hbm>> -> memref<10000x128xf32, #tpu.memory_space<hbm>>
    tpu.enqueue_indirect_dma source(%dma_start3A_30 : memref<10000x128xf32, #tpu.memory_space<hbm>>) target(%dma_start3A_26 : memref<80x128xf32, #tpu.memory_space<vmem>>) offsets(%dma_start3A_27 : memref<80xi32, #tpu.memory_space<vmem>>) semaphore(%arg13 : memref<!tpu.dma_semaphore, #tpu.memory_space<semaphore_mem>>)
    %add3A_31 = arith.constant 80 : i32
    %add3A_32 = arith.addi %mul3A_4, %add3A_31 : i32
    %multiple_of3A_33 = tpu.assume_multiple %add3A_32, 8 : i32
    %dma_start3A_34 = arith.constant 1 : i32
    %dma_start3A_35 = arith.constant 0 : i32
    %dma_start3A_36 = tpu.memref_slice %arg8[%dma_start3A_34, %dma_start3A_35] : memref<125x80xi32, #tpu.memory_space<vmem>> -> memref<1x80xi32, #tpu.memory_space<vmem>>
    %dma_start3A_37 = tpu.memref_squeeze %dma_start3A_36 : memref<1x80xi32, #tpu.memory_space<vmem>> -> memref<80xi32, #tpu.memory_space<vmem>>
    %dma_start3A_38 = tpu.memref_slice %arg3[%multiple_of3A_33] : memref<320000xi32, #tpu.memory_space<hbm>> -> memref<80xi32, #tpu.memory_space<hbm>>
    %dma_start3A_39 = arith.constant 0 : i32
    %dma_start3A_40 = tpu.memref_slice %arg8[%dma_start3A_34, %dma_start3A_39] : memref<125x80xi32, #tpu.memory_space<vmem>> -> memref<1x80xi32, #tpu.memory_space<vmem>>
    %dma_start3A_41 = tpu.memref_squeeze %dma_start3A_40 : memref<1x80xi32, #tpu.memory_space<vmem>> -> memref<80xi32, #tpu.memory_space<vmem>>
    %dma_start3A_42 = tpu.memref_slice %arg3[%multiple_of3A_33] : memref<320000xi32, #tpu.memory_space<hbm>> -> memref<80xi32, #tpu.memory_space<hbm>>
    tpu.enqueue_dma source(%dma_start3A_42 : memref<80xi32, #tpu.memory_space<hbm>>) target(%dma_start3A_41 : memref<80xi32, #tpu.memory_space<vmem>>) target_semaphore(%arg12 : memref<!tpu.dma_semaphore, #tpu.memory_space<semaphore_mem>>)
    %multiple_of3A_43 = arith.constant 80 : i32
    %multiple_of3A_44 = tpu.assume_multiple %multiple_of3A_43, 8 : i32
    %dma_start3A_45 = arith.constant 1 : i32
    %dma_start3A_46 = arith.constant 0 : i32
    %dma_start3A_47 = arith.constant 0 : i32
    %dma_start3A_48 = arith.constant 0 : i32
    %dma_start3A_49 = tpu.memref_slice %arg9[%dma_start3A_45, %dma_start3A_46, %dma_start3A_47, %dma_start3A_48] : memref<2x1x80x128xf32, #tpu.memory_space<vmem>> -> memref<1x1x80x128xf32, #tpu.memory_space<vmem>>
    %dma_start3A_50 = tpu.memref_squeeze %dma_start3A_49 : memref<1x1x80x128xf32, #tpu.memory_space<vmem>> -> memref<80x128xf32, #tpu.memory_space<vmem>>
    %dma_start3A_51 = tpu.memref_slice %arg7[%multiple_of3A_44] : memref<10000xi32, #tpu.memory_space<vmem>> -> memref<80xi32, #tpu.memory_space<vmem>>
    %dma_start3A_52 = arith.constant 0 : i32
    %dma_start3A_53 = arith.constant 0 : i32
    %dma_start3A_54 = tpu.memref_slice %arg4[%dma_start3A_52, %dma_start3A_53] : memref<10000x128xf32, #tpu.memory_space<hbm>> -> memref<10000x128xf32, #tpu.memory_space<hbm>>
    tpu.enqueue_indirect_dma source(%dma_start3A_54 : memref<10000x128xf32, #tpu.memory_space<hbm>>) target(%dma_start3A_50 : memref<80x128xf32, #tpu.memory_space<vmem>>) offsets(%dma_start3A_51 : memref<80xi32, #tpu.memory_space<vmem>>) semaphore(%arg14 : memref<!tpu.dma_semaphore, #tpu.memory_space<semaphore_mem>>)
    %scan3A = arith.constant 0 : i32
    %scan3A_55 = arith.constant 0 : i32
    %scan3A_56 = arith.constant 61 : i32
    %scan3A_57 = arith.addi %scan3A_55, %scan3A_56 : i32
    %scan3A_58 = arith.constant 1 : i32
    scf.for %scan3A_253 = %scan3A_55 to %scan3A_57 step %scan3A_58  : i32 {
      %mul3A_254 = arith.constant 2 : i32
      %mul3A_255 = arith.muli %mul3A_254, %scan3A_253 : i32
      %dma_wait3A_256 = arith.constant 0 : i32
      %dma_wait3A_257 = arith.constant 0 : i32
      %dma_wait3A_258 = arith.constant 0 : i32
      %dma_wait3A_259 = arith.constant 0 : i32
      %dma_wait3A_260 = tpu.memref_slice %arg9[%dma_wait3A_256, %dma_wait3A_257, %dma_wait3A_258, %dma_wait3A_259] : memref<2x1x80x128xf32, #tpu.memory_space<vmem>> -> memref<1x1x80x128xf32, #tpu.memory_space<vmem>>
      %dma_wait3A_261 = tpu.memref_squeeze %dma_wait3A_260 : memref<1x1x80x128xf32, #tpu.memory_space<vmem>> -> memref<80x128xf32, #tpu.memory_space<vmem>>
      %dma_wait3A_262 = arith.constant 0 : i32
      %dma_wait3A_263 = arith.constant 0 : i32
      %dma_wait3A_264 = tpu.memref_slice %arg4[%dma_wait3A_262, %dma_wait3A_263] : memref<10000x128xf32, #tpu.memory_space<hbm>> -> memref<80x128xf32, #tpu.memory_space<hbm>>
      %dma_wait3A_265 = arith.constant 0 : i32
      %dma_wait3A_266 = arith.constant 0 : i32
      %dma_wait3A_267 = tpu.memref_slice %arg9[%dma_wait3A_256, %dma_wait3A_257, %dma_wait3A_265, %dma_wait3A_266] : memref<2x1x80x128xf32, #tpu.memory_space<vmem>> -> memref<1x1x80x128xf32, #tpu.memory_space<vmem>>
      %dma_wait3A_268 = tpu.memref_squeeze %dma_wait3A_267 : memref<1x1x80x128xf32, #tpu.memory_space<vmem>> -> memref<80x128xf32, #tpu.memory_space<vmem>>
      %dma_wait3A_269 = arith.constant 0 : i32
      %dma_wait3A_270 = arith.constant 0 : i32
      %dma_wait3A_271 = tpu.memref_slice %arg4[%dma_wait3A_269, %dma_wait3A_270] : memref<10000x128xf32, #tpu.memory_space<hbm>> -> memref<80x128xf32, #tpu.memory_space<hbm>>
      tpu.wait_dma2 semaphore(%arg13 : memref<!tpu.dma_semaphore, #tpu.memory_space<semaphore_mem>>) src(%dma_wait3A_271 : memref<80x128xf32, #tpu.memory_space<hbm>>) dst(%dma_wait3A_268 : memref<80x128xf32, #tpu.memory_space<vmem>>)
      %mul3A_272 = arith.constant 1 : i32
      %mul3A_273 = arith.muli %mul3A_255, %mul3A_272 : i32
      %add3A_274 = arith.constant 0 : i32
      %add3A_275 = arith.addi %mul3A_273, %add3A_274 : i32
      %dma_wait3A_276 = arith.constant 0 : i32
      %dma_wait3A_277 = tpu.memref_slice %arg8[%add3A_275, %dma_wait3A_276] : memref<125x80xi32, #tpu.memory_space<vmem>> -> memref<1x80xi32, #tpu.memory_space<vmem>>
      %dma_wait3A_278 = tpu.memref_squeeze %dma_wait3A_277 : memref<1x80xi32, #tpu.memory_space<vmem>> -> memref<80xi32, #tpu.memory_space<vmem>>
      %dma_wait3A_279 = arith.constant 0 : i32
      %dma_wait3A_280 = tpu.memref_slice %arg3[%dma_wait3A_279] : memref<320000xi32, #tpu.memory_space<hbm>> -> memref<80xi32, #tpu.memory_space<hbm>>
      %dma_wait3A_281 = arith.constant 0 : i32
      %dma_wait3A_282 = tpu.memref_slice %arg8[%add3A_275, %dma_wait3A_281] : memref<125x80xi32, #tpu.memory_space<vmem>> -> memref<1x80xi32, #tpu.memory_space<vmem>>
      %dma_wait3A_283 = tpu.memref_squeeze %dma_wait3A_282 : memref<1x80xi32, #tpu.memory_space<vmem>> -> memref<80xi32, #tpu.memory_space<vmem>>
      %dma_wait3A_284 = arith.constant 0 : i32
      %dma_wait3A_285 = tpu.memref_slice %arg3[%dma_wait3A_284] : memref<320000xi32, #tpu.memory_space<hbm>> -> memref<80xi32, #tpu.memory_space<hbm>>
      tpu.wait_dma2 semaphore(%arg11 : memref<!tpu.dma_semaphore, #tpu.memory_space<semaphore_mem>>) src(%dma_wait3A_285 : memref<80xi32, #tpu.memory_space<hbm>>) dst(%dma_wait3A_283 : memref<80xi32, #tpu.memory_space<vmem>>)
      %dma_start3A_286 = arith.constant 0 : i32
      %dma_start3A_287 = arith.constant 0 : i32
      %dma_start3A_288 = arith.constant 0 : i32
      %dma_start3A_289 = arith.constant 0 : i32
      %dma_start3A_290 = tpu.memref_slice %arg9[%dma_start3A_286, %dma_start3A_287, %dma_start3A_288, %dma_start3A_289] : memref<2x1x80x128xf32, #tpu.memory_space<vmem>> -> memref<1x1x80x128xf32, #tpu.memory_space<vmem>>
      %dma_start3A_291 = tpu.memref_squeeze %dma_start3A_290 : memref<1x1x80x128xf32, #tpu.memory_space<vmem>> -> memref<80x128xf32, #tpu.memory_space<vmem>>
      %dma_start3A_292 = arith.constant 0 : i32
      %dma_start3A_293 = tpu.memref_slice %arg8[%add3A_275, %dma_start3A_292] : memref<125x80xi32, #tpu.memory_space<vmem>> -> memref<1x80xi32, #tpu.memory_space<vmem>>
      %dma_start3A_294 = tpu.memref_squeeze %dma_start3A_293 : memref<1x80xi32, #tpu.memory_space<vmem>> -> memref<80xi32, #tpu.memory_space<vmem>>
      %dma_start3A_295 = arith.constant 0 : i32
      %dma_start3A_296 = arith.constant 0 : i32
      %dma_start3A_297 = tpu.memref_slice %arg10[%dma_start3A_295, %dma_start3A_296] : memref<10112x128xf32, #tpu.memory_space<vmem_shared>> -> memref<10112x128xf32, #tpu.memory_space<vmem_shared>>
      tpu.enqueue_indirect_dma source(%dma_start3A_291 : memref<80x128xf32, #tpu.memory_space<vmem>>) target(%dma_start3A_297 : memref<10112x128xf32, #tpu.memory_space<vmem_shared>>) offsets(%dma_start3A_294 : memref<80xi32, #tpu.memory_space<vmem>>) semaphore(%arg15 : memref<!tpu.dma_semaphore, #tpu.memory_space<semaphore_mem>>) {add = true}
      %add3A_298 = arith.constant 2 : i32
      %add3A_299 = arith.addi %mul3A_255, %add3A_298 : i32
      %dma_wait3A_300 = arith.constant 0 : i32
      %dma_wait3A_301 = arith.constant 0 : i32
      %dma_wait3A_302 = arith.constant 0 : i32
      %dma_wait3A_303 = arith.constant 0 : i32
      %dma_wait3A_304 = tpu.memref_slice %arg9[%dma_wait3A_300, %dma_wait3A_301, %dma_wait3A_302, %dma_wait3A_303] : memref<2x1x80x128xf32, #tpu.memory_space<vmem>> -> memref<1x1x80x128xf32, #tpu.memory_space<vmem>>
      %dma_wait3A_305 = tpu.memref_squeeze %dma_wait3A_304 : memref<1x1x80x128xf32, #tpu.memory_space<vmem>> -> memref<80x128xf32, #tpu.memory_space<vmem>>
      %dma_wait3A_306 = arith.constant 0 : i32
      %dma_wait3A_307 = arith.constant 0 : i32
      %dma_wait3A_308 = tpu.memref_slice %arg4[%dma_wait3A_306, %dma_wait3A_307] : memref<10000x128xf32, #tpu.memory_space<hbm>> -> memref<80x128xf32, #tpu.memory_space<hbm>>
      %dma_wait3A_309 = arith.constant 0 : i32
      %dma_wait3A_310 = arith.constant 0 : i32
      %dma_wait3A_311 = tpu.memref_slice %arg9[%dma_wait3A_300, %dma_wait3A_301, %dma_wait3A_309, %dma_wait3A_310] : memref<2x1x80x128xf32, #tpu.memory_space<vmem>> -> memref<1x1x80x128xf32, #tpu.memory_space<vmem>>
      %dma_wait3A_312 = tpu.memref_squeeze %dma_wait3A_311 : memref<1x1x80x128xf32, #tpu.memory_space<vmem>> -> memref<80x128xf32, #tpu.memory_space<vmem>>
      %dma_wait3A_313 = arith.constant 0 : i32
      %dma_wait3A_314 = arith.constant 0 : i32
      %dma_wait3A_315 = tpu.memref_slice %arg4[%dma_wait3A_313, %dma_wait3A_314] : memref<10000x128xf32, #tpu.memory_space<hbm>> -> memref<80x128xf32, #tpu.memory_space<hbm>>
      tpu.wait_dma2 semaphore(%arg15 : memref<!tpu.dma_semaphore, #tpu.memory_space<semaphore_mem>>) src(%dma_wait3A_315 : memref<80x128xf32, #tpu.memory_space<hbm>>) dst(%dma_wait3A_312 : memref<80x128xf32, #tpu.memory_space<vmem>>)
      %mul3A_316 = arith.constant 1 : i32
      %mul3A_317 = arith.muli %add3A_299, %mul3A_316 : i32
      %add3A_318 = arith.constant 0 : i32
      %add3A_319 = arith.addi %mul3A_317, %add3A_318 : i32
      %mul3A_320 = arith.constant 80 : i32
      %mul3A_321 = arith.muli %add3A_319, %mul3A_320 : i32
      %add3A_322 = arith.addi %mul3A_4, %mul3A_321 : i32
      %multiple_of3A_323 = tpu.assume_multiple %add3A_322, 8 : i32
      %dma_start3A_324 = arith.constant 0 : i32
      %dma_start3A_325 = tpu.memref_slice %arg8[%add3A_319, %dma_start3A_324] : memref<125x80xi32, #tpu.memory_space<vmem>> -> memref<1x80xi32, #tpu.memory_space<vmem>>
      %dma_start3A_326 = tpu.memref_squeeze %dma_start3A_325 : memref<1x80xi32, #tpu.memory_space<vmem>> -> memref<80xi32, #tpu.memory_space<vmem>>
      %dma_start3A_327 = tpu.memref_slice %arg3[%multiple_of3A_323] : memref<320000xi32, #tpu.memory_space<hbm>> -> memref<80xi32, #tpu.memory_space<hbm>>
      %dma_start3A_328 = arith.constant 0 : i32
      %dma_start3A_329 = tpu.memref_slice %arg8[%add3A_319, %dma_start3A_328] : memref<125x80xi32, #tpu.memory_space<vmem>> -> memref<1x80xi32, #tpu.memory_space<vmem>>
      %dma_start3A_330 = tpu.memref_squeeze %dma_start3A_329 : memref<1x80xi32, #tpu.memory_space<vmem>> -> memref<80xi32, #tpu.memory_space<vmem>>
      %dma_start3A_331 = tpu.memref_slice %arg3[%multiple_of3A_323] : memref<320000xi32, #tpu.memory_space<hbm>> -> memref<80xi32, #tpu.memory_space<hbm>>
      tpu.enqueue_dma source(%dma_start3A_331 : memref<80xi32, #tpu.memory_space<hbm>>) target(%dma_start3A_330 : memref<80xi32, #tpu.memory_space<vmem>>) target_semaphore(%arg11 : memref<!tpu.dma_semaphore, #tpu.memory_space<semaphore_mem>>)
      %mul3A_332 = arith.constant 80 : i32
      %mul3A_333 = arith.muli %add3A_319, %mul3A_332 : i32
      %multiple_of3A_334 = tpu.assume_multiple %mul3A_333, 8 : i32
      %dma_start3A_335 = arith.constant 0 : i32
      %dma_start3A_336 = arith.constant 0 : i32
      %dma_start3A_337 = arith.constant 0 : i32
      %dma_start3A_338 = arith.constant 0 : i32
      %dma_start3A_339 = tpu.memref_slice %arg9[%dma_start3A_335, %dma_start3A_336, %dma_start3A_337, %dma_start3A_338] : memref<2x1x80x128xf32, #tpu.memory_space<vmem>> -> memref<1x1x80x128xf32, #tpu.memory_space<vmem>>
      %dma_start3A_340 = tpu.memref_squeeze %dma_start3A_339 : memref<1x1x80x128xf32, #tpu.memory_space<vmem>> -> memref<80x128xf32, #tpu.memory_space<vmem>>
      %dma_start3A_341 = tpu.memref_slice %arg7[%multiple_of3A_334] : memref<10000xi32, #tpu.memory_space<vmem>> -> memref<80xi32, #tpu.memory_space<vmem>>
      %dma_start3A_342 = arith.constant 0 : i32
      %dma_start3A_343 = arith.constant 0 : i32
      %dma_start3A_344 = tpu.memref_slice %arg4[%dma_start3A_342, %dma_start3A_343] : memref<10000x128xf32, #tpu.memory_space<hbm>> -> memref<10000x128xf32, #tpu.memory_space<hbm>>
      tpu.enqueue_indirect_dma source(%dma_start3A_344 : memref<10000x128xf32, #tpu.memory_space<hbm>>) target(%dma_start3A_340 : memref<80x128xf32, #tpu.memory_space<vmem>>) offsets(%dma_start3A_341 : memref<80xi32, #tpu.memory_space<vmem>>) semaphore(%arg13 : memref<!tpu.dma_semaphore, #tpu.memory_space<semaphore_mem>>)
      %add3A_345 = arith.constant 1 : i32
      %add3A_346 = arith.addi %mul3A_255, %add3A_345 : i32
      %dma_wait3A_347 = arith.constant 1 : i32
      %dma_wait3A_348 = arith.constant 0 : i32
      %dma_wait3A_349 = arith.constant 0 : i32
      %dma_wait3A_350 = arith.constant 0 : i32
      %dma_wait3A_351 = tpu.memref_slice %arg9[%dma_wait3A_347, %dma_wait3A_348, %dma_wait3A_349, %dma_wait3A_350] : memref<2x1x80x128xf32, #tpu.memory_space<vmem>> -> memref<1x1x80x128xf32, #tpu.memory_space<vmem>>
      %dma_wait3A_352 = tpu.memref_squeeze %dma_wait3A_351 : memref<1x1x80x128xf32, #tpu.memory_space<vmem>> -> memref<80x128xf32, #tpu.memory_space<vmem>>
      %dma_wait3A_353 = arith.constant 0 : i32
      %dma_wait3A_354 = arith.constant 0 : i32
      %dma_wait3A_355 = tpu.memref_slice %arg4[%dma_wait3A_353, %dma_wait3A_354] : memref<10000x128xf32, #tpu.memory_space<hbm>> -> memref<80x128xf32, #tpu.memory_space<hbm>>
      %dma_wait3A_356 = arith.constant 0 : i32
      %dma_wait3A_357 = arith.constant 0 : i32
      %dma_wait3A_358 = tpu.memref_slice %arg9[%dma_wait3A_347, %dma_wait3A_348, %dma_wait3A_356, %dma_wait3A_357] : memref<2x1x80x128xf32, #tpu.memory_space<vmem>> -> memref<1x1x80x128xf32, #tpu.memory_space<vmem>>
      %dma_wait3A_359 = tpu.memref_squeeze %dma_wait3A_358 : memref<1x1x80x128xf32, #tpu.memory_space<vmem>> -> memref<80x128xf32, #tpu.memory_space<vmem>>
      %dma_wait3A_360 = arith.constant 0 : i32
      %dma_wait3A_361 = arith.constant 0 : i32
      %dma_wait3A_362 = tpu.memref_slice %arg4[%dma_wait3A_360, %dma_wait3A_361] : memref<10000x128xf32, #tpu.memory_space<hbm>> -> memref<80x128xf32, #tpu.memory_space<hbm>>
      tpu.wait_dma2 semaphore(%arg14 : memref<!tpu.dma_semaphore, #tpu.memory_space<semaphore_mem>>) src(%dma_wait3A_362 : memref<80x128xf32, #tpu.memory_space<hbm>>) dst(%dma_wait3A_359 : memref<80x128xf32, #tpu.memory_space<vmem>>)
      %mul3A_363 = arith.constant 1 : i32
      %mul3A_364 = arith.muli %add3A_346, %mul3A_363 : i32
      %add3A_365 = arith.constant 0 : i32
      %add3A_366 = arith.addi %mul3A_364, %add3A_365 : i32
      %dma_wait3A_367 = arith.constant 0 : i32
      %dma_wait3A_368 = tpu.memref_slice %arg8[%add3A_366, %dma_wait3A_367] : memref<125x80xi32, #tpu.memory_space<vmem>> -> memref<1x80xi32, #tpu.memory_space<vmem>>
      %dma_wait3A_369 = tpu.memref_squeeze %dma_wait3A_368 : memref<1x80xi32, #tpu.memory_space<vmem>> -> memref<80xi32, #tpu.memory_space<vmem>>
      %dma_wait3A_370 = arith.constant 0 : i32
      %dma_wait3A_371 = tpu.memref_slice %arg3[%dma_wait3A_370] : memref<320000xi32, #tpu.memory_space<hbm>> -> memref<80xi32, #tpu.memory_space<hbm>>
      %dma_wait3A_372 = arith.constant 0 : i32
      %dma_wait3A_373 = tpu.memref_slice %arg8[%add3A_366, %dma_wait3A_372] : memref<125x80xi32, #tpu.memory_space<vmem>> -> memref<1x80xi32, #tpu.memory_space<vmem>>
      %dma_wait3A_374 = tpu.memref_squeeze %dma_wait3A_373 : memref<1x80xi32, #tpu.memory_space<vmem>> -> memref<80xi32, #tpu.memory_space<vmem>>
      %dma_wait3A_375 = arith.constant 0 : i32
      %dma_wait3A_376 = tpu.memref_slice %arg3[%dma_wait3A_375] : memref<320000xi32, #tpu.memory_space<hbm>> -> memref<80xi32, #tpu.memory_space<hbm>>
      tpu.wait_dma2 semaphore(%arg12 : memref<!tpu.dma_semaphore, #tpu.memory_space<semaphore_mem>>) src(%dma_wait3A_376 : memref<80xi32, #tpu.memory_space<hbm>>) dst(%dma_wait3A_374 : memref<80xi32, #tpu.memory_space<vmem>>)
      %dma_start3A_377 = arith.constant 1 : i32
      %dma_start3A_378 = arith.constant 0 : i32
      %dma_start3A_379 = arith.constant 0 : i32
      %dma_start3A_380 = arith.constant 0 : i32
      %dma_start3A_381 = tpu.memref_slice %arg9[%dma_start3A_377, %dma_start3A_378, %dma_start3A_379, %dma_start3A_380] : memref<2x1x80x128xf32, #tpu.memory_space<vmem>> -> memref<1x1x80x128xf32, #tpu.memory_space<vmem>>
      %dma_start3A_382 = tpu.memref_squeeze %dma_start3A_381 : memref<1x1x80x128xf32, #tpu.memory_space<vmem>> -> memref<80x128xf32, #tpu.memory_space<vmem>>
      %dma_start3A_383 = arith.constant 0 : i32
      %dma_start3A_384 = tpu.memref_slice %arg8[%add3A_366, %dma_start3A_383] : memref<125x80xi32, #tpu.memory_space<vmem>> -> memref<1x80xi32, #tpu.memory_space<vmem>>
      %dma_start3A_385 = tpu.memref_squeeze %dma_start3A_384 : memref<1x80xi32, #tpu.memory_space<vmem>> -> memref<80xi32, #tpu.memory_space<vmem>>
      %dma_start3A_386 = arith.constant 0 : i32
      %dma_start3A_387 = arith.constant 0 : i32
      %dma_start3A_388 = tpu.memref_slice %arg10[%dma_start3A_386, %dma_start3A_387] : memref<10112x128xf32, #tpu.memory_space<vmem_shared>> -> memref<10112x128xf32, #tpu.memory_space<vmem_shared>>
      tpu.enqueue_indirect_dma source(%dma_start3A_382 : memref<80x128xf32, #tpu.memory_space<vmem>>) target(%dma_start3A_388 : memref<10112x128xf32, #tpu.memory_space<vmem_shared>>) offsets(%dma_start3A_385 : memref<80xi32, #tpu.memory_space<vmem>>) semaphore(%arg16 : memref<!tpu.dma_semaphore, #tpu.memory_space<semaphore_mem>>) {add = true}
      %add3A_389 = arith.constant 3 : i32
      %add3A_390 = arith.addi %mul3A_255, %add3A_389 : i32
      %dma_wait3A_391 = arith.constant 1 : i32
      %dma_wait3A_392 = arith.constant 0 : i32
      %dma_wait3A_393 = arith.constant 0 : i32
      %dma_wait3A_394 = arith.constant 0 : i32
      %dma_wait3A_395 = tpu.memref_slice %arg9[%dma_wait3A_391, %dma_wait3A_392, %dma_wait3A_393, %dma_wait3A_394] : memref<2x1x80x128xf32, #tpu.memory_space<vmem>> -> memref<1x1x80x128xf32, #tpu.memory_space<vmem>>
      %dma_wait3A_396 = tpu.memref_squeeze %dma_wait3A_395 : memref<1x1x80x128xf32, #tpu.memory_space<vmem>> -> memref<80x128xf32, #tpu.memory_space<vmem>>
      %dma_wait3A_397 = arith.constant 0 : i32
      %dma_wait3A_398 = arith.constant 0 : i32
      %dma_wait3A_399 = tpu.memref_slice %arg4[%dma_wait3A_397, %dma_wait3A_398] : memref<10000x128xf32, #tpu.memory_space<hbm>> -> memref<80x128xf32, #tpu.memory_space<hbm>>
      %dma_wait3A_400 = arith.constant 0 : i32
      %dma_wait3A_401 = arith.constant 0 : i32
      %dma_wait3A_402 = tpu.memref_slice %arg9[%dma_wait3A_391, %dma_wait3A_392, %dma_wait3A_400, %dma_wait3A_401] : memref<2x1x80x128xf32, #tpu.memory_space<vmem>> -> memref<1x1x80x128xf32, #tpu.memory_space<vmem>>
      %dma_wait3A_403 = tpu.memref_squeeze %dma_wait3A_402 : memref<1x1x80x128xf32, #tpu.memory_space<vmem>> -> memref<80x128xf32, #tpu.memory_space<vmem>>
      %dma_wait3A_404 = arith.constant 0 : i32
      %dma_wait3A_405 = arith.constant 0 : i32
      %dma_wait3A_406 = tpu.memref_slice %arg4[%dma_wait3A_404, %dma_wait3A_405] : memref<10000x128xf32, #tpu.memory_space<hbm>> -> memref<80x128xf32, #tpu.memory_space<hbm>>
      tpu.wait_dma2 semaphore(%arg16 : memref<!tpu.dma_semaphore, #tpu.memory_space<semaphore_mem>>) src(%dma_wait3A_406 : memref<80x128xf32, #tpu.memory_space<hbm>>) dst(%dma_wait3A_403 : memref<80x128xf32, #tpu.memory_space<vmem>>)
      %mul3A_407 = arith.constant 1 : i32
      %mul3A_408 = arith.muli %add3A_390, %mul3A_407 : i32
      %add3A_409 = arith.constant 0 : i32
      %add3A_410 = arith.addi %mul3A_408, %add3A_409 : i32
      %mul3A_411 = arith.constant 80 : i32
      %mul3A_412 = arith.muli %add3A_410, %mul3A_411 : i32
      %add3A_413 = arith.addi %mul3A_4, %mul3A_412 : i32
      %multiple_of3A_414 = tpu.assume_multiple %add3A_413, 8 : i32
      %dma_start3A_415 = arith.constant 0 : i32
      %dma_start3A_416 = tpu.memref_slice %arg8[%add3A_410, %dma_start3A_415] : memref<125x80xi32, #tpu.memory_space<vmem>> -> memref<1x80xi32, #tpu.memory_space<vmem>>
      %dma_start3A_417 = tpu.memref_squeeze %dma_start3A_416 : memref<1x80xi32, #tpu.memory_space<vmem>> -> memref<80xi32, #tpu.memory_space<vmem>>
      %dma_start3A_418 = tpu.memref_slice %arg3[%multiple_of3A_414] : memref<320000xi32, #tpu.memory_space<hbm>> -> memref<80xi32, #tpu.memory_space<hbm>>
      %dma_start3A_419 = arith.constant 0 : i32
      %dma_start3A_420 = tpu.memref_slice %arg8[%add3A_410, %dma_start3A_419] : memref<125x80xi32, #tpu.memory_space<vmem>> -> memref<1x80xi32, #tpu.memory_space<vmem>>
      %dma_start3A_421 = tpu.memref_squeeze %dma_start3A_420 : memref<1x80xi32, #tpu.memory_space<vmem>> -> memref<80xi32, #tpu.memory_space<vmem>>
      %dma_start3A_422 = tpu.memref_slice %arg3[%multiple_of3A_414] : memref<320000xi32, #tpu.memory_space<hbm>> -> memref<80xi32, #tpu.memory_space<hbm>>
      tpu.enqueue_dma source(%dma_start3A_422 : memref<80xi32, #tpu.memory_space<hbm>>) target(%dma_start3A_421 : memref<80xi32, #tpu.memory_space<vmem>>) target_semaphore(%arg12 : memref<!tpu.dma_semaphore, #tpu.memory_space<semaphore_mem>>)
      %mul3A_423 = arith.constant 80 : i32
      %mul3A_424 = arith.muli %add3A_410, %mul3A_423 : i32
      %multiple_of3A_425 = tpu.assume_multiple %mul3A_424, 8 : i32
      %dma_start3A_426 = arith.constant 1 : i32
      %dma_start3A_427 = arith.constant 0 : i32
      %dma_start3A_428 = arith.constant 0 : i32
      %dma_start3A_429 = arith.constant 0 : i32
      %dma_start3A_430 = tpu.memref_slice %arg9[%dma_start3A_426, %dma_start3A_427, %dma_start3A_428, %dma_start3A_429] : memref<2x1x80x128xf32, #tpu.memory_space<vmem>> -> memref<1x1x80x128xf32, #tpu.memory_space<vmem>>
      %dma_start3A_431 = tpu.memref_squeeze %dma_start3A_430 : memref<1x1x80x128xf32, #tpu.memory_space<vmem>> -> memref<80x128xf32, #tpu.memory_space<vmem>>
      %dma_start3A_432 = tpu.memref_slice %arg7[%multiple_of3A_425] : memref<10000xi32, #tpu.memory_space<vmem>> -> memref<80xi32, #tpu.memory_space<vmem>>
      %dma_start3A_433 = arith.constant 0 : i32
      %dma_start3A_434 = arith.constant 0 : i32
      %dma_start3A_435 = tpu.memref_slice %arg4[%dma_start3A_433, %dma_start3A_434] : memref<10000x128xf32, #tpu.memory_space<hbm>> -> memref<10000x128xf32, #tpu.memory_space<hbm>>
      tpu.enqueue_indirect_dma source(%dma_start3A_435 : memref<10000x128xf32, #tpu.memory_space<hbm>>) target(%dma_start3A_431 : memref<80x128xf32, #tpu.memory_space<vmem>>) offsets(%dma_start3A_432 : memref<80xi32, #tpu.memory_space<vmem>>) semaphore(%arg14 : memref<!tpu.dma_semaphore, #tpu.memory_space<semaphore_mem>>)
    }
    %scan3A_59 = arith.constant 61 : i32
    %dma_wait3A_60 = arith.constant 0 : i32
    %dma_wait3A_61 = arith.constant 0 : i32
    %dma_wait3A_62 = arith.constant 0 : i32
    %dma_wait3A_63 = arith.constant 0 : i32
    %dma_wait3A_64 = tpu.memref_slice %arg9[%dma_wait3A_60, %dma_wait3A_61, %dma_wait3A_62, %dma_wait3A_63] : memref<2x1x80x128xf32, #tpu.memory_space<vmem>> -> memref<1x1x80x128xf32, #tpu.memory_space<vmem>>
    %dma_wait3A_65 = tpu.memref_squeeze %dma_wait3A_64 : memref<1x1x80x128xf32, #tpu.memory_space<vmem>> -> memref<80x128xf32, #tpu.memory_space<vmem>>
    %dma_wait3A_66 = arith.constant 0 : i32
    %dma_wait3A_67 = arith.constant 0 : i32
    %dma_wait3A_68 = tpu.memref_slice %arg4[%dma_wait3A_66, %dma_wait3A_67] : memref<10000x128xf32, #tpu.memory_space<hbm>> -> memref<80x128xf32, #tpu.memory_space<hbm>>
    %dma_wait3A_69 = arith.constant 0 : i32
    %dma_wait3A_70 = arith.constant 0 : i32
    %dma_wait3A_71 = tpu.memref_slice %arg9[%dma_wait3A_60, %dma_wait3A_61, %dma_wait3A_69, %dma_wait3A_70] : memref<2x1x80x128xf32, #tpu.memory_space<vmem>> -> memref<1x1x80x128xf32, #tpu.memory_space<vmem>>
    %dma_wait3A_72 = tpu.memref_squeeze %dma_wait3A_71 : memref<1x1x80x128xf32, #tpu.memory_space<vmem>> -> memref<80x128xf32, #tpu.memory_space<vmem>>
    %dma_wait3A_73 = arith.constant 0 : i32
    %dma_wait3A_74 = arith.constant 0 : i32
    %dma_wait3A_75 = tpu.memref_slice %arg4[%dma_wait3A_73, %dma_wait3A_74] : memref<10000x128xf32, #tpu.memory_space<hbm>> -> memref<80x128xf32, #tpu.memory_space<hbm>>
    tpu.wait_dma2 semaphore(%arg13 : memref<!tpu.dma_semaphore, #tpu.memory_space<semaphore_mem>>) src(%dma_wait3A_75 : memref<80x128xf32, #tpu.memory_space<hbm>>) dst(%dma_wait3A_72 : memref<80x128xf32, #tpu.memory_space<vmem>>)
    %dma_wait3A_76 = arith.constant 122 : i32
    %dma_wait3A_77 = arith.constant 0 : i32
    %dma_wait3A_78 = tpu.memref_slice %arg8[%dma_wait3A_76, %dma_wait3A_77] : memref<125x80xi32, #tpu.memory_space<vmem>> -> memref<1x80xi32, #tpu.memory_space<vmem>>
    %dma_wait3A_79 = tpu.memref_squeeze %dma_wait3A_78 : memref<1x80xi32, #tpu.memory_space<vmem>> -> memref<80xi32, #tpu.memory_space<vmem>>
    %dma_wait3A_80 = arith.constant 0 : i32
    %dma_wait3A_81 = tpu.memref_slice %arg3[%dma_wait3A_80] : memref<320000xi32, #tpu.memory_space<hbm>> -> memref<80xi32, #tpu.memory_space<hbm>>
    %dma_wait3A_82 = arith.constant 0 : i32
    %dma_wait3A_83 = tpu.memref_slice %arg8[%dma_wait3A_76, %dma_wait3A_82] : memref<125x80xi32, #tpu.memory_space<vmem>> -> memref<1x80xi32, #tpu.memory_space<vmem>>
    %dma_wait3A_84 = tpu.memref_squeeze %dma_wait3A_83 : memref<1x80xi32, #tpu.memory_space<vmem>> -> memref<80xi32, #tpu.memory_space<vmem>>
    %dma_wait3A_85 = arith.constant 0 : i32
    %dma_wait3A_86 = tpu.memref_slice %arg3[%dma_wait3A_85] : memref<320000xi32, #tpu.memory_space<hbm>> -> memref<80xi32, #tpu.memory_space<hbm>>
    tpu.wait_dma2 semaphore(%arg11 : memref<!tpu.dma_semaphore, #tpu.memory_space<semaphore_mem>>) src(%dma_wait3A_86 : memref<80xi32, #tpu.memory_space<hbm>>) dst(%dma_wait3A_84 : memref<80xi32, #tpu.memory_space<vmem>>)
    %dma_start3A_87 = arith.constant 0 : i32
    %dma_start3A_88 = arith.constant 0 : i32
    %dma_start3A_89 = arith.constant 122 : i32
    %dma_start3A_90 = arith.constant 0 : i32
    %dma_start3A_91 = arith.constant 0 : i32
    %dma_start3A_92 = tpu.memref_slice %arg9[%dma_start3A_87, %dma_start3A_88, %dma_start3A_90, %dma_start3A_91] : memref<2x1x80x128xf32, #tpu.memory_space<vmem>> -> memref<1x1x80x128xf32, #tpu.memory_space<vmem>>
    %dma_start3A_93 = tpu.memref_squeeze %dma_start3A_92 : memref<1x1x80x128xf32, #tpu.memory_space<vmem>> -> memref<80x128xf32, #tpu.memory_space<vmem>>
    %dma_start3A_94 = arith.constant 0 : i32
    %dma_start3A_95 = tpu.memref_slice %arg8[%dma_start3A_89, %dma_start3A_94] : memref<125x80xi32, #tpu.memory_space<vmem>> -> memref<1x80xi32, #tpu.memory_space<vmem>>
    %dma_start3A_96 = tpu.memref_squeeze %dma_start3A_95 : memref<1x80xi32, #tpu.memory_space<vmem>> -> memref<80xi32, #tpu.memory_space<vmem>>
    %dma_start3A_97 = arith.constant 0 : i32
    %dma_start3A_98 = arith.constant 0 : i32
    %dma_start3A_99 = tpu.memref_slice %arg10[%dma_start3A_97, %dma_start3A_98] : memref<10112x128xf32, #tpu.memory_space<vmem_shared>> -> memref<10112x128xf32, #tpu.memory_space<vmem_shared>>
    tpu.enqueue_indirect_dma source(%dma_start3A_93 : memref<80x128xf32, #tpu.memory_space<vmem>>) target(%dma_start3A_99 : memref<10112x128xf32, #tpu.memory_space<vmem_shared>>) offsets(%dma_start3A_96 : memref<80xi32, #tpu.memory_space<vmem>>) semaphore(%arg15 : memref<!tpu.dma_semaphore, #tpu.memory_space<semaphore_mem>>) {add = true}
    %dma_wait3A_100 = arith.constant 0 : i32
    %dma_wait3A_101 = arith.constant 0 : i32
    %dma_wait3A_102 = arith.constant 0 : i32
    %dma_wait3A_103 = arith.constant 0 : i32
    %dma_wait3A_104 = tpu.memref_slice %arg9[%dma_wait3A_100, %dma_wait3A_101, %dma_wait3A_102, %dma_wait3A_103] : memref<2x1x80x128xf32, #tpu.memory_space<vmem>> -> memref<1x1x80x128xf32, #tpu.memory_space<vmem>>
    %dma_wait3A_105 = tpu.memref_squeeze %dma_wait3A_104 : memref<1x1x80x128xf32, #tpu.memory_space<vmem>> -> memref<80x128xf32, #tpu.memory_space<vmem>>
    %dma_wait3A_106 = arith.constant 0 : i32
    %dma_wait3A_107 = arith.constant 0 : i32
    %dma_wait3A_108 = tpu.memref_slice %arg4[%dma_wait3A_106, %dma_wait3A_107] : memref<10000x128xf32, #tpu.memory_space<hbm>> -> memref<80x128xf32, #tpu.memory_space<hbm>>
    %dma_wait3A_109 = arith.constant 0 : i32
    %dma_wait3A_110 = arith.constant 0 : i32
    %dma_wait3A_111 = tpu.memref_slice %arg9[%dma_wait3A_100, %dma_wait3A_101, %dma_wait3A_109, %dma_wait3A_110] : memref<2x1x80x128xf32, #tpu.memory_space<vmem>> -> memref<1x1x80x128xf32, #tpu.memory_space<vmem>>
    %dma_wait3A_112 = tpu.memref_squeeze %dma_wait3A_111 : memref<1x1x80x128xf32, #tpu.memory_space<vmem>> -> memref<80x128xf32, #tpu.memory_space<vmem>>
    %dma_wait3A_113 = arith.constant 0 : i32
    %dma_wait3A_114 = arith.constant 0 : i32
    %dma_wait3A_115 = tpu.memref_slice %arg4[%dma_wait3A_113, %dma_wait3A_114] : memref<10000x128xf32, #tpu.memory_space<hbm>> -> memref<80x128xf32, #tpu.memory_space<hbm>>
    tpu.wait_dma2 semaphore(%arg15 : memref<!tpu.dma_semaphore, #tpu.memory_space<semaphore_mem>>) src(%dma_wait3A_115 : memref<80x128xf32, #tpu.memory_space<hbm>>) dst(%dma_wait3A_112 : memref<80x128xf32, #tpu.memory_space<vmem>>)
    %add3A_116 = arith.constant 9920 : i32
    %add3A_117 = arith.addi %mul3A_4, %add3A_116 : i32
    %multiple_of3A_118 = tpu.assume_multiple %add3A_117, 8 : i32
    %dma_start3A_119 = arith.constant 124 : i32
    %dma_start3A_120 = arith.constant 0 : i32
    %dma_start3A_121 = tpu.memref_slice %arg8[%dma_start3A_119, %dma_start3A_120] : memref<125x80xi32, #tpu.memory_space<vmem>> -> memref<1x80xi32, #tpu.memory_space<vmem>>
    %dma_start3A_122 = tpu.memref_squeeze %dma_start3A_121 : memref<1x80xi32, #tpu.memory_space<vmem>> -> memref<80xi32, #tpu.memory_space<vmem>>
    %dma_start3A_123 = tpu.memref_slice %arg3[%multiple_of3A_118] : memref<320000xi32, #tpu.memory_space<hbm>> -> memref<80xi32, #tpu.memory_space<hbm>>
    %dma_start3A_124 = arith.constant 0 : i32
    %dma_start3A_125 = tpu.memref_slice %arg8[%dma_start3A_119, %dma_start3A_124] : memref<125x80xi32, #tpu.memory_space<vmem>> -> memref<1x80xi32, #tpu.memory_space<vmem>>
    %dma_start3A_126 = tpu.memref_squeeze %dma_start3A_125 : memref<1x80xi32, #tpu.memory_space<vmem>> -> memref<80xi32, #tpu.memory_space<vmem>>
    %dma_start3A_127 = tpu.memref_slice %arg3[%multiple_of3A_118] : memref<320000xi32, #tpu.memory_space<hbm>> -> memref<80xi32, #tpu.memory_space<hbm>>
    tpu.enqueue_dma source(%dma_start3A_127 : memref<80xi32, #tpu.memory_space<hbm>>) target(%dma_start3A_126 : memref<80xi32, #tpu.memory_space<vmem>>) target_semaphore(%arg11 : memref<!tpu.dma_semaphore, #tpu.memory_space<semaphore_mem>>)
    %multiple_of3A_128 = arith.constant 9920 : i32
    %multiple_of3A_129 = tpu.assume_multiple %multiple_of3A_128, 8 : i32
    %dma_start3A_130 = arith.constant 0 : i32
    %dma_start3A_131 = arith.constant 0 : i32
    %dma_start3A_132 = arith.constant 0 : i32
    %dma_start3A_133 = arith.constant 0 : i32
    %dma_start3A_134 = tpu.memref_slice %arg9[%dma_start3A_130, %dma_start3A_131, %dma_start3A_132, %dma_start3A_133] : memref<2x1x80x128xf32, #tpu.memory_space<vmem>> -> memref<1x1x80x128xf32, #tpu.memory_space<vmem>>
    %dma_start3A_135 = tpu.memref_squeeze %dma_start3A_134 : memref<1x1x80x128xf32, #tpu.memory_space<vmem>> -> memref<80x128xf32, #tpu.memory_space<vmem>>
    %dma_start3A_136 = tpu.memref_slice %arg7[%multiple_of3A_129] : memref<10000xi32, #tpu.memory_space<vmem>> -> memref<80xi32, #tpu.memory_space<vmem>>
    %dma_start3A_137 = arith.constant 0 : i32
    %dma_start3A_138 = arith.constant 0 : i32
    %dma_start3A_139 = tpu.memref_slice %arg4[%dma_start3A_137, %dma_start3A_138] : memref<10000x128xf32, #tpu.memory_space<hbm>> -> memref<10000x128xf32, #tpu.memory_space<hbm>>
    tpu.enqueue_indirect_dma source(%dma_start3A_139 : memref<10000x128xf32, #tpu.memory_space<hbm>>) target(%dma_start3A_135 : memref<80x128xf32, #tpu.memory_space<vmem>>) offsets(%dma_start3A_136 : memref<80xi32, #tpu.memory_space<vmem>>) semaphore(%arg13 : memref<!tpu.dma_semaphore, #tpu.memory_space<semaphore_mem>>)
    %dma_wait3A_140 = arith.constant 1 : i32
    %dma_wait3A_141 = arith.constant 0 : i32
    %dma_wait3A_142 = arith.constant 0 : i32
    %dma_wait3A_143 = arith.constant 0 : i32
    %dma_wait3A_144 = tpu.memref_slice %arg9[%dma_wait3A_140, %dma_wait3A_141, %dma_wait3A_142, %dma_wait3A_143] : memref<2x1x80x128xf32, #tpu.memory_space<vmem>> -> memref<1x1x80x128xf32, #tpu.memory_space<vmem>>
    %dma_wait3A_145 = tpu.memref_squeeze %dma_wait3A_144 : memref<1x1x80x128xf32, #tpu.memory_space<vmem>> -> memref<80x128xf32, #tpu.memory_space<vmem>>
    %dma_wait3A_146 = arith.constant 0 : i32
    %dma_wait3A_147 = arith.constant 0 : i32
    %dma_wait3A_148 = tpu.memref_slice %arg4[%dma_wait3A_146, %dma_wait3A_147] : memref<10000x128xf32, #tpu.memory_space<hbm>> -> memref<80x128xf32, #tpu.memory_space<hbm>>
    %dma_wait3A_149 = arith.constant 0 : i32
    %dma_wait3A_150 = arith.constant 0 : i32
    %dma_wait3A_151 = tpu.memref_slice %arg9[%dma_wait3A_140, %dma_wait3A_141, %dma_wait3A_149, %dma_wait3A_150] : memref<2x1x80x128xf32, #tpu.memory_space<vmem>> -> memref<1x1x80x128xf32, #tpu.memory_space<vmem>>
    %dma_wait3A_152 = tpu.memref_squeeze %dma_wait3A_151 : memref<1x1x80x128xf32, #tpu.memory_space<vmem>> -> memref<80x128xf32, #tpu.memory_space<vmem>>
    %dma_wait3A_153 = arith.constant 0 : i32
    %dma_wait3A_154 = arith.constant 0 : i32
    %dma_wait3A_155 = tpu.memref_slice %arg4[%dma_wait3A_153, %dma_wait3A_154] : memref<10000x128xf32, #tpu.memory_space<hbm>> -> memref<80x128xf32, #tpu.memory_space<hbm>>
    tpu.wait_dma2 semaphore(%arg14 : memref<!tpu.dma_semaphore, #tpu.memory_space<semaphore_mem>>) src(%dma_wait3A_155 : memref<80x128xf32, #tpu.memory_space<hbm>>) dst(%dma_wait3A_152 : memref<80x128xf32, #tpu.memory_space<vmem>>)
    %dma_wait3A_156 = arith.constant 123 : i32
    %dma_wait3A_157 = arith.constant 0 : i32
    %dma_wait3A_158 = tpu.memref_slice %arg8[%dma_wait3A_156, %dma_wait3A_157] : memref<125x80xi32, #tpu.memory_space<vmem>> -> memref<1x80xi32, #tpu.memory_space<vmem>>
    %dma_wait3A_159 = tpu.memref_squeeze %dma_wait3A_158 : memref<1x80xi32, #tpu.memory_space<vmem>> -> memref<80xi32, #tpu.memory_space<vmem>>
    %dma_wait3A_160 = arith.constant 0 : i32
    %dma_wait3A_161 = tpu.memref_slice %arg3[%dma_wait3A_160] : memref<320000xi32, #tpu.memory_space<hbm>> -> memref<80xi32, #tpu.memory_space<hbm>>
    %dma_wait3A_162 = arith.constant 0 : i32
    %dma_wait3A_163 = tpu.memref_slice %arg8[%dma_wait3A_156, %dma_wait3A_162] : memref<125x80xi32, #tpu.memory_space<vmem>> -> memref<1x80xi32, #tpu.memory_space<vmem>>
    %dma_wait3A_164 = tpu.memref_squeeze %dma_wait3A_163 : memref<1x80xi32, #tpu.memory_space<vmem>> -> memref<80xi32, #tpu.memory_space<vmem>>
    %dma_wait3A_165 = arith.constant 0 : i32
    %dma_wait3A_166 = tpu.memref_slice %arg3[%dma_wait3A_165] : memref<320000xi32, #tpu.memory_space<hbm>> -> memref<80xi32, #tpu.memory_space<hbm>>
    tpu.wait_dma2 semaphore(%arg12 : memref<!tpu.dma_semaphore, #tpu.memory_space<semaphore_mem>>) src(%dma_wait3A_166 : memref<80xi32, #tpu.memory_space<hbm>>) dst(%dma_wait3A_164 : memref<80xi32, #tpu.memory_space<vmem>>)
    %dma_start3A_167 = arith.constant 1 : i32
    %dma_start3A_168 = arith.constant 0 : i32
    %dma_start3A_169 = arith.constant 123 : i32
    %dma_start3A_170 = arith.constant 0 : i32
    %dma_start3A_171 = arith.constant 0 : i32
    %dma_start3A_172 = tpu.memref_slice %arg9[%dma_start3A_167, %dma_start3A_168, %dma_start3A_170, %dma_start3A_171] : memref<2x1x80x128xf32, #tpu.memory_space<vmem>> -> memref<1x1x80x128xf32, #tpu.memory_space<vmem>>
    %dma_start3A_173 = tpu.memref_squeeze %dma_start3A_172 : memref<1x1x80x128xf32, #tpu.memory_space<vmem>> -> memref<80x128xf32, #tpu.memory_space<vmem>>
    %dma_start3A_174 = arith.constant 0 : i32
    %dma_start3A_175 = tpu.memref_slice %arg8[%dma_start3A_169, %dma_start3A_174] : memref<125x80xi32, #tpu.memory_space<vmem>> -> memref<1x80xi32, #tpu.memory_space<vmem>>
    %dma_start3A_176 = tpu.memref_squeeze %dma_start3A_175 : memref<1x80xi32, #tpu.memory_space<vmem>> -> memref<80xi32, #tpu.memory_space<vmem>>
    %dma_start3A_177 = arith.constant 0 : i32
    %dma_start3A_178 = arith.constant 0 : i32
    %dma_start3A_179 = tpu.memref_slice %arg10[%dma_start3A_177, %dma_start3A_178] : memref<10112x128xf32, #tpu.memory_space<vmem_shared>> -> memref<10112x128xf32, #tpu.memory_space<vmem_shared>>
    tpu.enqueue_indirect_dma source(%dma_start3A_173 : memref<80x128xf32, #tpu.memory_space<vmem>>) target(%dma_start3A_179 : memref<10112x128xf32, #tpu.memory_space<vmem_shared>>) offsets(%dma_start3A_176 : memref<80xi32, #tpu.memory_space<vmem>>) semaphore(%arg16 : memref<!tpu.dma_semaphore, #tpu.memory_space<semaphore_mem>>) {add = true}
    %dma_wait3A_180 = arith.constant 0 : i32
    %dma_wait3A_181 = arith.constant 0 : i32
    %dma_wait3A_182 = arith.constant 0 : i32
    %dma_wait3A_183 = arith.constant 0 : i32
    %dma_wait3A_184 = tpu.memref_slice %arg9[%dma_wait3A_180, %dma_wait3A_181, %dma_wait3A_182, %dma_wait3A_183] : memref<2x1x80x128xf32, #tpu.memory_space<vmem>> -> memref<1x1x80x128xf32, #tpu.memory_space<vmem>>
    %dma_wait3A_185 = tpu.memref_squeeze %dma_wait3A_184 : memref<1x1x80x128xf32, #tpu.memory_space<vmem>> -> memref<80x128xf32, #tpu.memory_space<vmem>>
    %dma_wait3A_186 = arith.constant 0 : i32
    %dma_wait3A_187 = arith.constant 0 : i32
    %dma_wait3A_188 = tpu.memref_slice %arg4[%dma_wait3A_186, %dma_wait3A_187] : memref<10000x128xf32, #tpu.memory_space<hbm>> -> memref<80x128xf32, #tpu.memory_space<hbm>>
    %dma_wait3A_189 = arith.constant 0 : i32
    %dma_wait3A_190 = arith.constant 0 : i32
    %dma_wait3A_191 = tpu.memref_slice %arg9[%dma_wait3A_180, %dma_wait3A_181, %dma_wait3A_189, %dma_wait3A_190] : memref<2x1x80x128xf32, #tpu.memory_space<vmem>> -> memref<1x1x80x128xf32, #tpu.memory_space<vmem>>
    %dma_wait3A_192 = tpu.memref_squeeze %dma_wait3A_191 : memref<1x1x80x128xf32, #tpu.memory_space<vmem>> -> memref<80x128xf32, #tpu.memory_space<vmem>>
    %dma_wait3A_193 = arith.constant 0 : i32
    %dma_wait3A_194 = arith.constant 0 : i32
    %dma_wait3A_195 = tpu.memref_slice %arg4[%dma_wait3A_193, %dma_wait3A_194] : memref<10000x128xf32, #tpu.memory_space<hbm>> -> memref<80x128xf32, #tpu.memory_space<hbm>>
    tpu.wait_dma2 semaphore(%arg13 : memref<!tpu.dma_semaphore, #tpu.memory_space<semaphore_mem>>) src(%dma_wait3A_195 : memref<80x128xf32, #tpu.memory_space<hbm>>) dst(%dma_wait3A_192 : memref<80x128xf32, #tpu.memory_space<vmem>>)
    %dma_wait3A_196 = arith.constant 124 : i32
    %dma_wait3A_197 = arith.constant 0 : i32
    %dma_wait3A_198 = tpu.memref_slice %arg8[%dma_wait3A_196, %dma_wait3A_197] : memref<125x80xi32, #tpu.memory_space<vmem>> -> memref<1x80xi32, #tpu.memory_space<vmem>>
    %dma_wait3A_199 = tpu.memref_squeeze %dma_wait3A_198 : memref<1x80xi32, #tpu.memory_space<vmem>> -> memref<80xi32, #tpu.memory_space<vmem>>
    %dma_wait3A_200 = arith.constant 0 : i32
    %dma_wait3A_201 = tpu.memref_slice %arg3[%dma_wait3A_200] : memref<320000xi32, #tpu.memory_space<hbm>> -> memref<80xi32, #tpu.memory_space<hbm>>
    %dma_wait3A_202 = arith.constant 0 : i32
    %dma_wait3A_203 = tpu.memref_slice %arg8[%dma_wait3A_196, %dma_wait3A_202] : memref<125x80xi32, #tpu.memory_space<vmem>> -> memref<1x80xi32, #tpu.memory_space<vmem>>
    %dma_wait3A_204 = tpu.memref_squeeze %dma_wait3A_203 : memref<1x80xi32, #tpu.memory_space<vmem>> -> memref<80xi32, #tpu.memory_space<vmem>>
    %dma_wait3A_205 = arith.constant 0 : i32
    %dma_wait3A_206 = tpu.memref_slice %arg3[%dma_wait3A_205] : memref<320000xi32, #tpu.memory_space<hbm>> -> memref<80xi32, #tpu.memory_space<hbm>>
    tpu.wait_dma2 semaphore(%arg11 : memref<!tpu.dma_semaphore, #tpu.memory_space<semaphore_mem>>) src(%dma_wait3A_206 : memref<80xi32, #tpu.memory_space<hbm>>) dst(%dma_wait3A_204 : memref<80xi32, #tpu.memory_space<vmem>>)
    %dma_start3A_207 = arith.constant 0 : i32
    %dma_start3A_208 = arith.constant 0 : i32
    %dma_start3A_209 = arith.constant 124 : i32
    %dma_start3A_210 = arith.constant 0 : i32
    %dma_start3A_211 = arith.constant 0 : i32
    %dma_start3A_212 = tpu.memref_slice %arg9[%dma_start3A_207, %dma_start3A_208, %dma_start3A_210, %dma_start3A_211] : memref<2x1x80x128xf32, #tpu.memory_space<vmem>> -> memref<1x1x80x128xf32, #tpu.memory_space<vmem>>
    %dma_start3A_213 = tpu.memref_squeeze %dma_start3A_212 : memref<1x1x80x128xf32, #tpu.memory_space<vmem>> -> memref<80x128xf32, #tpu.memory_space<vmem>>
    %dma_start3A_214 = arith.constant 0 : i32
    %dma_start3A_215 = tpu.memref_slice %arg8[%dma_start3A_209, %dma_start3A_214] : memref<125x80xi32, #tpu.memory_space<vmem>> -> memref<1x80xi32, #tpu.memory_space<vmem>>
    %dma_start3A_216 = tpu.memref_squeeze %dma_start3A_215 : memref<1x80xi32, #tpu.memory_space<vmem>> -> memref<80xi32, #tpu.memory_space<vmem>>
    %dma_start3A_217 = arith.constant 0 : i32
    %dma_start3A_218 = arith.constant 0 : i32
    %dma_start3A_219 = tpu.memref_slice %arg10[%dma_start3A_217, %dma_start3A_218] : memref<10112x128xf32, #tpu.memory_space<vmem_shared>> -> memref<10112x128xf32, #tpu.memory_space<vmem_shared>>
    tpu.enqueue_indirect_dma source(%dma_start3A_213 : memref<80x128xf32, #tpu.memory_space<vmem>>) target(%dma_start3A_219 : memref<10112x128xf32, #tpu.memory_space<vmem_shared>>) offsets(%dma_start3A_216 : memref<80xi32, #tpu.memory_space<vmem>>) semaphore(%arg15 : memref<!tpu.dma_semaphore, #tpu.memory_space<semaphore_mem>>) {add = true}
    %dma_wait3A_220 = arith.constant 1 : i32
    %dma_wait3A_221 = arith.constant 0 : i32
    %dma_wait3A_222 = arith.constant 0 : i32
    %dma_wait3A_223 = arith.constant 0 : i32
    %dma_wait3A_224 = tpu.memref_slice %arg9[%dma_wait3A_220, %dma_wait3A_221, %dma_wait3A_222, %dma_wait3A_223] : memref<2x1x80x128xf32, #tpu.memory_space<vmem>> -> memref<1x1x80x128xf32, #tpu.memory_space<vmem>>
    %dma_wait3A_225 = tpu.memref_squeeze %dma_wait3A_224 : memref<1x1x80x128xf32, #tpu.memory_space<vmem>> -> memref<80x128xf32, #tpu.memory_space<vmem>>
    %dma_wait3A_226 = arith.constant 0 : i32
    %dma_wait3A_227 = arith.constant 0 : i32
    %dma_wait3A_228 = tpu.memref_slice %arg4[%dma_wait3A_226, %dma_wait3A_227] : memref<10000x128xf32, #tpu.memory_space<hbm>> -> memref<80x128xf32, #tpu.memory_space<hbm>>
    %dma_wait3A_229 = arith.constant 0 : i32
    %dma_wait3A_230 = arith.constant 0 : i32
    %dma_wait3A_231 = tpu.memref_slice %arg9[%dma_wait3A_220, %dma_wait3A_221, %dma_wait3A_229, %dma_wait3A_230] : memref<2x1x80x128xf32, #tpu.memory_space<vmem>> -> memref<1x1x80x128xf32, #tpu.memory_space<vmem>>
    %dma_wait3A_232 = tpu.memref_squeeze %dma_wait3A_231 : memref<1x1x80x128xf32, #tpu.memory_space<vmem>> -> memref<80x128xf32, #tpu.memory_space<vmem>>
    %dma_wait3A_233 = arith.constant 0 : i32
    %dma_wait3A_234 = arith.constant 0 : i32
    %dma_wait3A_235 = tpu.memref_slice %arg4[%dma_wait3A_233, %dma_wait3A_234] : memref<10000x128xf32, #tpu.memory_space<hbm>> -> memref<80x128xf32, #tpu.memory_space<hbm>>
    tpu.wait_dma2 semaphore(%arg16 : memref<!tpu.dma_semaphore, #tpu.memory_space<semaphore_mem>>) src(%dma_wait3A_235 : memref<80x128xf32, #tpu.memory_space<hbm>>) dst(%dma_wait3A_232 : memref<80x128xf32, #tpu.memory_space<vmem>>)
    %dma_wait3A_236 = arith.constant 0 : i32
    %dma_wait3A_237 = arith.constant 0 : i32
    %dma_wait3A_238 = arith.constant 0 : i32
    %dma_wait3A_239 = arith.constant 0 : i32
    %dma_wait3A_240 = tpu.memref_slice %arg9[%dma_wait3A_236, %dma_wait3A_237, %dma_wait3A_238, %dma_wait3A_239] : memref<2x1x80x128xf32, #tpu.memory_space<vmem>> -> memref<1x1x80x128xf32, #tpu.memory_space<vmem>>
    %dma_wait3A_241 = tpu.memref_squeeze %dma_wait3A_240 : memref<1x1x80x128xf32, #tpu.memory_space<vmem>> -> memref<80x128xf32, #tpu.memory_space<vmem>>
    %dma_wait3A_242 = arith.constant 0 : i32
    %dma_wait3A_243 = arith.constant 0 : i32
    %dma_wait3A_244 = tpu.memref_slice %arg4[%dma_wait3A_242, %dma_wait3A_243] : memref<10000x128xf32, #tpu.memory_space<hbm>> -> memref<80x128xf32, #tpu.memory_space<hbm>>
    %dma_wait3A_245 = arith.constant 0 : i32
    %dma_wait3A_246 = arith.constant 0 : i32
    %dma_wait3A_247 = tpu.memref_slice %arg9[%dma_wait3A_236, %dma_wait3A_237, %dma_wait3A_245, %dma_wait3A_246] : memref<2x1x80x128xf32, #tpu.memory_space<vmem>> -> memref<1x1x80x128xf32, #tpu.memory_space<vmem>>
    %dma_wait3A_248 = tpu.memref_squeeze %dma_wait3A_247 : memref<1x1x80x128xf32, #tpu.memory_space<vmem>> -> memref<80x128xf32, #tpu.memory_space<vmem>>
    %dma_wait3A_249 = arith.constant 0 : i32
    %dma_wait3A_250 = arith.constant 0 : i32
    %dma_wait3A_251 = tpu.memref_slice %arg4[%dma_wait3A_249, %dma_wait3A_250] : memref<10000x128xf32, #tpu.memory_space<hbm>> -> memref<80x128xf32, #tpu.memory_space<hbm>>
    tpu.wait_dma2 semaphore(%arg15 : memref<!tpu.dma_semaphore, #tpu.memory_space<semaphore_mem>>) src(%dma_wait3A_251 : memref<80x128xf32, #tpu.memory_space<hbm>>) dst(%dma_wait3A_248 : memref<80x128xf32, #tpu.memory_space<vmem>>)
    %barrier3A_252 = arith.constant 0 : index
    tpu.barrier barrier_id(%barrier3A_252)
    "tpu.region"() ({
      %run_scoped3A = tpu.sem_alloc : memref<!tpu.dma_semaphore, #tpu.memory_space<semaphore_mem>>
      %dma_start3A_253 = arith.constant 0 : i32
      %dma_start3A_254 = tpu.memref_slice %arg6[%arg0, %mul3A_2, %dma_start3A_253] : memref<2x10112x128xf32, #tpu.memory_space<hbm>> -> memref<1x632x128xf32, #tpu.memory_space<hbm>>
      %dma_start3A_255 = tpu.memref_squeeze %dma_start3A_254 : memref<1x632x128xf32, #tpu.memory_space<hbm>> -> memref<632x128xf32, #tpu.memory_space<hbm>>
      %dma_start3A_256 = arith.constant 0 : i32
      %dma_start3A_257 = tpu.memref_slice %arg10[%mul3A_2, %dma_start3A_256] : memref<10112x128xf32, #tpu.memory_space<vmem_shared>> -> memref<632x128xf32, #tpu.memory_space<vmem_shared>>
      tpu.enqueue_dma source(%dma_start3A_257 : memref<632x128xf32, #tpu.memory_space<vmem_shared>>) target(%dma_start3A_255 : memref<632x128xf32, #tpu.memory_space<hbm>>) target_semaphore(%run_scoped3A : memref<!tpu.dma_semaphore, #tpu.memory_space<semaphore_mem>>)
      %dma_wait3A_258 = arith.constant 0 : i32
      %dma_wait3A_259 = tpu.memref_slice %arg6[%arg0, %mul3A_2, %dma_wait3A_258] : memref<2x10112x128xf32, #tpu.memory_space<hbm>> -> memref<1x632x128xf32, #tpu.memory_space<hbm>>
      %dma_wait3A_260 = tpu.memref_squeeze %dma_wait3A_259 : memref<1x632x128xf32, #tpu.memory_space<hbm>> -> memref<632x128xf32, #tpu.memory_space<hbm>>
      %dma_wait3A_261 = arith.constant 0 : i32
      %dma_wait3A_262 = tpu.memref_slice %arg10[%mul3A_2, %dma_wait3A_261] : memref<10112x128xf32, #tpu.memory_space<vmem_shared>> -> memref<632x128xf32, #tpu.memory_space<vmem_shared>>
      tpu.wait_dma2 semaphore(%run_scoped3A : memref<!tpu.dma_semaphore, #tpu.memory_space<semaphore_mem>>) src(%dma_wait3A_262 : memref<632x128xf32, #tpu.memory_space<vmem_shared>>) dst(%dma_wait3A_260 : memref<632x128xf32, #tpu.memory_space<hbm>>)
      tpu.yield
    }) : () -> ()
    return
  }
}

#map = affine_map<(d0, d1) -> (0)>
#map1 = affine_map<(d0, d1) -> (0, 0)>
#map2 = affine_map<(d0, d1) -> (0, 0, 0)>
module attributes {stable_mosaic.version = 14 : i64} {
  func.func @agg_kernel(%arg0: i32, %arg1: i32, %arg2: memref<320000xi32, #tpu.memory_space<hbm>>, %arg3: memref<320000xi32, #tpu.memory_space<hbm>>, %arg4: memref<10000x128xf32, #tpu.memory_space<hbm>>, %arg5: memref<10112x128xf32, #tpu.memory_space<hbm>>, %arg6: memref<2x10112x128xf32, #tpu.memory_space<hbm>>, %arg7: memref<10000xi32, #tpu.memory_space<vmem>>, %arg8: memref<125x80xi32, #tpu.memory_space<vmem>>, %arg9: memref<2x1x80x128xf32, #tpu.memory_space<vmem>>, %arg10: memref<10112x128xf32, #tpu.memory_space<vmem_shared>>, %arg11: memref<!tpu.dma_semaphore, #tpu.memory_space<semaphore_mem>>, %arg12: memref<!tpu.dma_semaphore, #tpu.memory_space<semaphore_mem>>, %arg13: memref<!tpu.dma_semaphore, #tpu.memory_space<semaphore_mem>>, %arg14: memref<!tpu.dma_semaphore, #tpu.memory_space<semaphore_mem>>, %arg15: memref<!tpu.dma_semaphore, #tpu.memory_space<semaphore_mem>>, %arg16: memref<!tpu.dma_semaphore, #tpu.memory_space<semaphore_mem>>) attributes {dimension_semantics = [#tpu.dimension_semantics<core_parallel>, #tpu.dimension_semantics<subcore_parallel>], iteration_bounds = array<i64: 2, 16>, scalar_prefetch = 0 : i64, scratch_operands = 10 : i64, tpu.core_type = #tpu.core_type<sc_vector_subcore>, window_params = [{transform_indices = #map}, {transform_indices = #map}, {transform_indices = #map1}, {transform_indices = #map1}, {transform_indices = #map2}]} {
    %mul3A = arith.constant 2 : i32
    %mul3A_0 = arith.muli %arg1, %mul3A : i32
    %add3A = arith.addi %mul3A_0, %arg0 : i32
    %mul3A_1 = arith.constant 632 : i32
    %mul3A_2 = arith.muli %arg1, %mul3A_1 : i32
    %mul3A_3 = arith.constant 10000 : i32
    %mul3A_4 = arith.muli %add3A, %mul3A_3 : i32
    %multiple_of3A = tpu.assume_multiple %mul3A_4, 8 : i32
    %dma_start3A = tpu.memref_slice %arg2[%multiple_of3A] : memref<320000xi32, #tpu.memory_space<hbm>> -> memref<10000xi32, #tpu.memory_space<hbm>>
    %dma_start3A_5 = tpu.memref_slice %arg2[%multiple_of3A] : memref<320000xi32, #tpu.memory_space<hbm>> -> memref<10000xi32, #tpu.memory_space<hbm>>
    tpu.enqueue_dma source(%dma_start3A_5 : memref<10000xi32, #tpu.memory_space<hbm>>) target(%arg7 : memref<10000xi32, #tpu.memory_space<vmem>>) target_semaphore(%arg11 : memref<!tpu.dma_semaphore, #tpu.memory_space<semaphore_mem>>)
    "tpu.region"() ({
      %run_scoped3A = tpu.sem_alloc : memref<!tpu.dma_semaphore, #tpu.memory_space<semaphore_mem>>
      %dma_start3A_253 = arith.constant 0 : i32
      %dma_start3A_254 = tpu.memref_slice %arg10[%mul3A_2, %dma_start3A_253] : memref<10112x128xf32, #tpu.memory_space<vmem_shared>> -> memref<632x128xf32, #tpu.memory_space<vmem_shared>>
      %dma_start3A_255 = arith.constant 0 : i32
      %dma_start3A_256 = tpu.memref_slice %arg5[%mul3A_2, %dma_start3A_255] : memref<10112x128xf32, #tpu.memory_space<hbm>> -> memref<632x128xf32, #tpu.memory_space<hbm>>
      tpu.enqueue_dma source(%dma_start3A_256 : memref<632x128xf32, #tpu.memory_space<hbm>>) target(%dma_start3A_254 : memref<632x128xf32, #tpu.memory_space<vmem_shared>>) target_semaphore(%run_scoped3A : memref<!tpu.dma_semaphore, #tpu.memory_space<semaphore_mem>>)
      %dma_wait3A_257 = arith.constant 0 : i32
      %dma_wait3A_258 = tpu.memref_slice %arg10[%mul3A_2, %dma_wait3A_257] : memref<10112x128xf32, #tpu.memory_space<vmem_shared>> -> memref<632x128xf32, #tpu.memory_space<vmem_shared>>
      %dma_wait3A_259 = arith.constant 0 : i32
      %dma_wait3A_260 = tpu.memref_slice %arg5[%mul3A_2, %dma_wait3A_259] : memref<10112x128xf32, #tpu.memory_space<hbm>> -> memref<632x128xf32, #tpu.memory_space<hbm>>
      tpu.wait_dma2 semaphore(%run_scoped3A : memref<!tpu.dma_semaphore, #tpu.memory_space<semaphore_mem>>) src(%dma_wait3A_260 : memref<632x128xf32, #tpu.memory_space<hbm>>) dst(%dma_wait3A_258 : memref<632x128xf32, #tpu.memory_space<vmem_shared>>)
      tpu.yield
    }) : () -> ()
    %barrier3A = arith.constant 0 : index
    tpu.barrier barrier_id(%barrier3A)
    %dma_wait3A = tpu.memref_slice %arg2[%multiple_of3A] : memref<320000xi32, #tpu.memory_space<hbm>> -> memref<10000xi32, #tpu.memory_space<hbm>>
    %dma_wait3A_6 = tpu.memref_slice %arg2[%multiple_of3A] : memref<320000xi32, #tpu.memory_space<hbm>> -> memref<10000xi32, #tpu.memory_space<hbm>>
    tpu.wait_dma2 semaphore(%arg11 : memref<!tpu.dma_semaphore, #tpu.memory_space<semaphore_mem>>) src(%dma_wait3A_6 : memref<10000xi32, #tpu.memory_space<hbm>>) dst(%arg7 : memref<10000xi32, #tpu.memory_space<vmem>>)
    %add3A_7 = arith.constant 0 : i32
    %add3A_8 = arith.addi %mul3A_4, %add3A_7 : i32
    %multiple_of3A_9 = tpu.assume_multiple %add3A_8, 8 : i32
    %dma_start3A_10 = arith.constant 0 : i32
    %dma_start3A_11 = arith.constant 0 : i32
    %dma_start3A_12 = tpu.memref_slice %arg8[%dma_start3A_10, %dma_start3A_11] : memref<125x80xi32, #tpu.memory_space<vmem>> -> memref<1x80xi32, #tpu.memory_space<vmem>>
    %dma_start3A_13 = tpu.memref_squeeze %dma_start3A_12 : memref<1x80xi32, #tpu.memory_space<vmem>> -> memref<80xi32, #tpu.memory_space<vmem>>
    %dma_start3A_14 = tpu.memref_slice %arg3[%multiple_of3A_9] : memref<320000xi32, #tpu.memory_space<hbm>> -> memref<80xi32, #tpu.memory_space<hbm>>
    %dma_start3A_15 = arith.constant 0 : i32
    %dma_start3A_16 = tpu.memref_slice %arg8[%dma_start3A_10, %dma_start3A_15] : memref<125x80xi32, #tpu.memory_space<vmem>> -> memref<1x80xi32, #tpu.memory_space<vmem>>
    %dma_start3A_17 = tpu.memref_squeeze %dma_start3A_16 : memref<1x80xi32, #tpu.memory_space<vmem>> -> memref<80xi32, #tpu.memory_space<vmem>>
    %dma_start3A_18 = tpu.memref_slice %arg3[%multiple_of3A_9] : memref<320000xi32, #tpu.memory_space<hbm>> -> memref<80xi32, #tpu.memory_space<hbm>>
    tpu.enqueue_dma source(%dma_start3A_18 : memref<80xi32, #tpu.memory_space<hbm>>) target(%dma_start3A_17 : memref<80xi32, #tpu.memory_space<vmem>>) target_semaphore(%arg11 : memref<!tpu.dma_semaphore, #tpu.memory_space<semaphore_mem>>)
    %multiple_of3A_19 = arith.constant 0 : i32
    %multiple_of3A_20 = tpu.assume_multiple %multiple_of3A_19, 8 : i32
    %dma_start3A_21 = arith.constant 0 : i32
    %dma_start3A_22 = arith.constant 0 : i32
    %dma_start3A_23 = arith.constant 0 : i32
    %dma_start3A_24 = arith.constant 0 : i32
    %dma_start3A_25 = tpu.memref_slice %arg9[%dma_start3A_21, %dma_start3A_22, %dma_start3A_23, %dma_start3A_24] : memref<2x1x80x128xf32, #tpu.memory_space<vmem>> -> memref<1x1x80x128xf32, #tpu.memory_space<vmem>>
    %dma_start3A_26 = tpu.memref_squeeze %dma_start3A_25 : memref<1x1x80x128xf32, #tpu.memory_space<vmem>> -> memref<80x128xf32, #tpu.memory_space<vmem>>
    %dma_start3A_27 = tpu.memref_slice %arg7[%multiple_of3A_20] : memref<10000xi32, #tpu.memory_space<vmem>> -> memref<80xi32, #tpu.memory_space<vmem>>
    %dma_start3A_28 = arith.constant 0 : i32
    %dma_start3A_29 = arith.constant 0 : i32
    %dma_start3A_30 = tpu.memref_slice %arg4[%dma_start3A_28, %dma_start3A_29] : memref<10000x128xf32, #tpu.memory_space<hbm>> -> memref<10000x128xf32, #tpu.memory_space<hbm>>
    tpu.enqueue_indirect_dma source(%dma_start3A_30 : memref<10000x128xf32, #tpu.memory_space<hbm>>) target(%dma_start3A_26 : memref<80x128xf32, #tpu.memory_space<vmem>>) offsets(%dma_start3A_27 : memref<80xi32, #tpu.memory_space<vmem>>) semaphore(%arg13 : memref<!tpu.dma_semaphore, #tpu.memory_space<semaphore_mem>>)
    %add3A_31 = arith.constant 80 : i32
    %add3A_32 = arith.addi %mul3A_4, %add3A_31 : i32
    %multiple_of3A_33 = tpu.assume_multiple %add3A_32, 8 : i32
    %dma_start3A_34 = arith.constant 1 : i32
    %dma_start3A_35 = arith.constant 0 : i32
    %dma_start3A_36 = tpu.memref_slice %arg8[%dma_start3A_34, %dma_start3A_35] : memref<125x80xi32, #tpu.memory_space<vmem>> -> memref<1x80xi32, #tpu.memory_space<vmem>>
    %dma_start3A_37 = tpu.memref_squeeze %dma_start3A_36 : memref<1x80xi32, #tpu.memory_space<vmem>> -> memref<80xi32, #tpu.memory_space<vmem>>
    %dma_start3A_38 = tpu.memref_slice %arg3[%multiple_of3A_33] : memref<320000xi32, #tpu.memory_space<hbm>> -> memref<80xi32, #tpu.memory_space<hbm>>
    %dma_start3A_39 = arith.constant 0 : i32
    %dma_start3A_40 = tpu.memref_slice %arg8[%dma_start3A_34, %dma_start3A_39] : memref<125x80xi32, #tpu.memory_space<vmem>> -> memref<1x80xi32, #tpu.memory_space<vmem>>
    %dma_start3A_41 = tpu.memref_squeeze %dma_start3A_40 : memref<1x80xi32, #tpu.memory_space<vmem>> -> memref<80xi32, #tpu.memory_space<vmem>>
    %dma_start3A_42 = tpu.memref_slice %arg3[%multiple_of3A_33] : memref<320000xi32, #tpu.memory_space<hbm>> -> memref<80xi32, #tpu.memory_space<hbm>>
    tpu.enqueue_dma source(%dma_start3A_42 : memref<80xi32, #tpu.memory_space<hbm>>) target(%dma_start3A_41 : memref<80xi32, #tpu.memory_space<vmem>>) target_semaphore(%arg12 : memref<!tpu.dma_semaphore, #tpu.memory_space<semaphore_mem>>)
    %multiple_of3A_43 = arith.constant 80 : i32
    %multiple_of3A_44 = tpu.assume_multiple %multiple_of3A_43, 8 : i32
    %dma_start3A_45 = arith.constant 1 : i32
    %dma_start3A_46 = arith.constant 0 : i32
    %dma_start3A_47 = arith.constant 0 : i32
    %dma_start3A_48 = arith.constant 0 : i32
    %dma_start3A_49 = tpu.memref_slice %arg9[%dma_start3A_45, %dma_start3A_46, %dma_start3A_47, %dma_start3A_48] : memref<2x1x80x128xf32, #tpu.memory_space<vmem>> -> memref<1x1x80x128xf32, #tpu.memory_space<vmem>>
    %dma_start3A_50 = tpu.memref_squeeze %dma_start3A_49 : memref<1x1x80x128xf32, #tpu.memory_space<vmem>> -> memref<80x128xf32, #tpu.memory_space<vmem>>
    %dma_start3A_51 = tpu.memref_slice %arg7[%multiple_of3A_44] : memref<10000xi32, #tpu.memory_space<vmem>> -> memref<80xi32, #tpu.memory_space<vmem>>
    %dma_start3A_52 = arith.constant 0 : i32
    %dma_start3A_53 = arith.constant 0 : i32
    %dma_start3A_54 = tpu.memref_slice %arg4[%dma_start3A_52, %dma_start3A_53] : memref<10000x128xf32, #tpu.memory_space<hbm>> -> memref<10000x128xf32, #tpu.memory_space<hbm>>
    tpu.enqueue_indirect_dma source(%dma_start3A_54 : memref<10000x128xf32, #tpu.memory_space<hbm>>) target(%dma_start3A_50 : memref<80x128xf32, #tpu.memory_space<vmem>>) offsets(%dma_start3A_51 : memref<80xi32, #tpu.memory_space<vmem>>) semaphore(%arg14 : memref<!tpu.dma_semaphore, #tpu.memory_space<semaphore_mem>>)
    %scan3A = arith.constant 0 : i32
    %scan3A_55 = arith.constant 0 : i32
    %scan3A_56 = arith.constant 61 : i32
    %scan3A_57 = arith.addi %scan3A_55, %scan3A_56 : i32
    %scan3A_58 = arith.constant 1 : i32
    scf.for %scan3A_253 = %scan3A_55 to %scan3A_57 step %scan3A_58  : i32 {
      %mul3A_254 = arith.constant 2 : i32
      %mul3A_255 = arith.muli %mul3A_254, %scan3A_253 : i32
      %dma_wait3A_256 = arith.constant 0 : i32
      %dma_wait3A_257 = arith.constant 0 : i32
      %dma_wait3A_258 = arith.constant 0 : i32
      %dma_wait3A_259 = arith.constant 0 : i32
      %dma_wait3A_260 = tpu.memref_slice %arg9[%dma_wait3A_256, %dma_wait3A_257, %dma_wait3A_258, %dma_wait3A_259] : memref<2x1x80x128xf32, #tpu.memory_space<vmem>> -> memref<1x1x80x128xf32, #tpu.memory_space<vmem>>
      %dma_wait3A_261 = tpu.memref_squeeze %dma_wait3A_260 : memref<1x1x80x128xf32, #tpu.memory_space<vmem>> -> memref<80x128xf32, #tpu.memory_space<vmem>>
      %dma_wait3A_262 = arith.constant 0 : i32
      %dma_wait3A_263 = arith.constant 0 : i32
      %dma_wait3A_264 = tpu.memref_slice %arg4[%dma_wait3A_262, %dma_wait3A_263] : memref<10000x128xf32, #tpu.memory_space<hbm>> -> memref<80x128xf32, #tpu.memory_space<hbm>>
      %dma_wait3A_265 = arith.constant 0 : i32
      %dma_wait3A_266 = arith.constant 0 : i32
      %dma_wait3A_267 = tpu.memref_slice %arg9[%dma_wait3A_256, %dma_wait3A_257, %dma_wait3A_265, %dma_wait3A_266] : memref<2x1x80x128xf32, #tpu.memory_space<vmem>> -> memref<1x1x80x128xf32, #tpu.memory_space<vmem>>
      %dma_wait3A_268 = tpu.memref_squeeze %dma_wait3A_267 : memref<1x1x80x128xf32, #tpu.memory_space<vmem>> -> memref<80x128xf32, #tpu.memory_space<vmem>>
      %dma_wait3A_269 = arith.constant 0 : i32
      %dma_wait3A_270 = arith.constant 0 : i32
      %dma_wait3A_271 = tpu.memref_slice %arg4[%dma_wait3A_269, %dma_wait3A_270] : memref<10000x128xf32, #tpu.memory_space<hbm>> -> memref<80x128xf32, #tpu.memory_space<hbm>>
      tpu.wait_dma2 semaphore(%arg13 : memref<!tpu.dma_semaphore, #tpu.memory_space<semaphore_mem>>) src(%dma_wait3A_271 : memref<80x128xf32, #tpu.memory_space<hbm>>) dst(%dma_wait3A_268 : memref<80x128xf32, #tpu.memory_space<vmem>>)
      %mul3A_272 = arith.constant 1 : i32
      %mul3A_273 = arith.muli %mul3A_255, %mul3A_272 : i32
      %add3A_274 = arith.constant 0 : i32
      %add3A_275 = arith.addi %mul3A_273, %add3A_274 : i32
      %dma_wait3A_276 = arith.constant 0 : i32
      %dma_wait3A_277 = tpu.memref_slice %arg8[%add3A_275, %dma_wait3A_276] : memref<125x80xi32, #tpu.memory_space<vmem>> -> memref<1x80xi32, #tpu.memory_space<vmem>>
      %dma_wait3A_278 = tpu.memref_squeeze %dma_wait3A_277 : memref<1x80xi32, #tpu.memory_space<vmem>> -> memref<80xi32, #tpu.memory_space<vmem>>
      %dma_wait3A_279 = arith.constant 0 : i32
      %dma_wait3A_280 = tpu.memref_slice %arg3[%dma_wait3A_279] : memref<320000xi32, #tpu.memory_space<hbm>> -> memref<80xi32, #tpu.memory_space<hbm>>
      %dma_wait3A_281 = arith.constant 0 : i32
      %dma_wait3A_282 = tpu.memref_slice %arg8[%add3A_275, %dma_wait3A_281] : memref<125x80xi32, #tpu.memory_space<vmem>> -> memref<1x80xi32, #tpu.memory_space<vmem>>
      %dma_wait3A_283 = tpu.memref_squeeze %dma_wait3A_282 : memref<1x80xi32, #tpu.memory_space<vmem>> -> memref<80xi32, #tpu.memory_space<vmem>>
      %dma_wait3A_284 = arith.constant 0 : i32
      %dma_wait3A_285 = tpu.memref_slice %arg3[%dma_wait3A_284] : memref<320000xi32, #tpu.memory_space<hbm>> -> memref<80xi32, #tpu.memory_space<hbm>>
      tpu.wait_dma2 semaphore(%arg11 : memref<!tpu.dma_semaphore, #tpu.memory_space<semaphore_mem>>) src(%dma_wait3A_285 : memref<80xi32, #tpu.memory_space<hbm>>) dst(%dma_wait3A_283 : memref<80xi32, #tpu.memory_space<vmem>>)
      %dma_start3A_286 = arith.constant 0 : i32
      %dma_start3A_287 = arith.constant 0 : i32
      %dma_start3A_288 = arith.constant 0 : i32
      %dma_start3A_289 = arith.constant 0 : i32
      %dma_start3A_290 = tpu.memref_slice %arg9[%dma_start3A_286, %dma_start3A_287, %dma_start3A_288, %dma_start3A_289] : memref<2x1x80x128xf32, #tpu.memory_space<vmem>> -> memref<1x1x80x128xf32, #tpu.memory_space<vmem>>
      %dma_start3A_291 = tpu.memref_squeeze %dma_start3A_290 : memref<1x1x80x128xf32, #tpu.memory_space<vmem>> -> memref<80x128xf32, #tpu.memory_space<vmem>>
      %dma_start3A_292 = arith.constant 0 : i32
      %dma_start3A_293 = tpu.memref_slice %arg8[%add3A_275, %dma_start3A_292] : memref<125x80xi32, #tpu.memory_space<vmem>> -> memref<1x80xi32, #tpu.memory_space<vmem>>
      %dma_start3A_294 = tpu.memref_squeeze %dma_start3A_293 : memref<1x80xi32, #tpu.memory_space<vmem>> -> memref<80xi32, #tpu.memory_space<vmem>>
      %dma_start3A_295 = arith.constant 0 : i32
      %dma_start3A_296 = arith.constant 0 : i32
      %dma_start3A_297 = tpu.memref_slice %arg10[%dma_start3A_295, %dma_start3A_296] : memref<10112x128xf32, #tpu.memory_space<vmem_shared>> -> memref<10112x128xf32, #tpu.memory_space<vmem_shared>>
      tpu.enqueue_indirect_dma source(%dma_start3A_291 : memref<80x128xf32, #tpu.memory_space<vmem>>) target(%dma_start3A_297 : memref<10112x128xf32, #tpu.memory_space<vmem_shared>>) offsets(%dma_start3A_294 : memref<80xi32, #tpu.memory_space<vmem>>) semaphore(%arg15 : memref<!tpu.dma_semaphore, #tpu.memory_space<semaphore_mem>>) {add = true}
      %add3A_298 = arith.constant 2 : i32
      %add3A_299 = arith.addi %mul3A_255, %add3A_298 : i32
      %dma_wait3A_300 = arith.constant 0 : i32
      %dma_wait3A_301 = arith.constant 0 : i32
      %dma_wait3A_302 = arith.constant 0 : i32
      %dma_wait3A_303 = arith.constant 0 : i32
      %dma_wait3A_304 = tpu.memref_slice %arg9[%dma_wait3A_300, %dma_wait3A_301, %dma_wait3A_302, %dma_wait3A_303] : memref<2x1x80x128xf32, #tpu.memory_space<vmem>> -> memref<1x1x80x128xf32, #tpu.memory_space<vmem>>
      %dma_wait3A_305 = tpu.memref_squeeze %dma_wait3A_304 : memref<1x1x80x128xf32, #tpu.memory_space<vmem>> -> memref<80x128xf32, #tpu.memory_space<vmem>>
      %dma_wait3A_306 = arith.constant 0 : i32
      %dma_wait3A_307 = arith.constant 0 : i32
      %dma_wait3A_308 = tpu.memref_slice %arg4[%dma_wait3A_306, %dma_wait3A_307] : memref<10000x128xf32, #tpu.memory_space<hbm>> -> memref<80x128xf32, #tpu.memory_space<hbm>>
      %dma_wait3A_309 = arith.constant 0 : i32
      %dma_wait3A_310 = arith.constant 0 : i32
      %dma_wait3A_311 = tpu.memref_slice %arg9[%dma_wait3A_300, %dma_wait3A_301, %dma_wait3A_309, %dma_wait3A_310] : memref<2x1x80x128xf32, #tpu.memory_space<vmem>> -> memref<1x1x80x128xf32, #tpu.memory_space<vmem>>
      %dma_wait3A_312 = tpu.memref_squeeze %dma_wait3A_311 : memref<1x1x80x128xf32, #tpu.memory_space<vmem>> -> memref<80x128xf32, #tpu.memory_space<vmem>>
      %dma_wait3A_313 = arith.constant 0 : i32
      %dma_wait3A_314 = arith.constant 0 : i32
      %dma_wait3A_315 = tpu.memref_slice %arg4[%dma_wait3A_313, %dma_wait3A_314] : memref<10000x128xf32, #tpu.memory_space<hbm>> -> memref<80x128xf32, #tpu.memory_space<hbm>>
      tpu.wait_dma2 semaphore(%arg15 : memref<!tpu.dma_semaphore, #tpu.memory_space<semaphore_mem>>) src(%dma_wait3A_315 : memref<80x128xf32, #tpu.memory_space<hbm>>) dst(%dma_wait3A_312 : memref<80x128xf32, #tpu.memory_space<vmem>>)
      %mul3A_316 = arith.constant 1 : i32
      %mul3A_317 = arith.muli %add3A_299, %mul3A_316 : i32
      %add3A_318 = arith.constant 0 : i32
      %add3A_319 = arith.addi %mul3A_317, %add3A_318 : i32
      %mul3A_320 = arith.constant 80 : i32
      %mul3A_321 = arith.muli %add3A_319, %mul3A_320 : i32
      %add3A_322 = arith.addi %mul3A_4, %mul3A_321 : i32
      %multiple_of3A_323 = tpu.assume_multiple %add3A_322, 8 : i32
      %dma_start3A_324 = arith.constant 0 : i32
      %dma_start3A_325 = tpu.memref_slice %arg8[%add3A_319, %dma_start3A_324] : memref<125x80xi32, #tpu.memory_space<vmem>> -> memref<1x80xi32, #tpu.memory_space<vmem>>
      %dma_start3A_326 = tpu.memref_squeeze %dma_start3A_325 : memref<1x80xi32, #tpu.memory_space<vmem>> -> memref<80xi32, #tpu.memory_space<vmem>>
      %dma_start3A_327 = tpu.memref_slice %arg3[%multiple_of3A_323] : memref<320000xi32, #tpu.memory_space<hbm>> -> memref<80xi32, #tpu.memory_space<hbm>>
      %dma_start3A_328 = arith.constant 0 : i32
      %dma_start3A_329 = tpu.memref_slice %arg8[%add3A_319, %dma_start3A_328] : memref<125x80xi32, #tpu.memory_space<vmem>> -> memref<1x80xi32, #tpu.memory_space<vmem>>
      %dma_start3A_330 = tpu.memref_squeeze %dma_start3A_329 : memref<1x80xi32, #tpu.memory_space<vmem>> -> memref<80xi32, #tpu.memory_space<vmem>>
      %dma_start3A_331 = tpu.memref_slice %arg3[%multiple_of3A_323] : memref<320000xi32, #tpu.memory_space<hbm>> -> memref<80xi32, #tpu.memory_space<hbm>>
      tpu.enqueue_dma source(%dma_start3A_331 : memref<80xi32, #tpu.memory_space<hbm>>) target(%dma_start3A_330 : memref<80xi32, #tpu.memory_space<vmem>>) target_semaphore(%arg11 : memref<!tpu.dma_semaphore, #tpu.memory_space<semaphore_mem>>)
      %mul3A_332 = arith.constant 80 : i32
      %mul3A_333 = arith.muli %add3A_319, %mul3A_332 : i32
      %multiple_of3A_334 = tpu.assume_multiple %mul3A_333, 8 : i32
      %dma_start3A_335 = arith.constant 0 : i32
      %dma_start3A_336 = arith.constant 0 : i32
      %dma_start3A_337 = arith.constant 0 : i32
      %dma_start3A_338 = arith.constant 0 : i32
      %dma_start3A_339 = tpu.memref_slice %arg9[%dma_start3A_335, %dma_start3A_336, %dma_start3A_337, %dma_start3A_338] : memref<2x1x80x128xf32, #tpu.memory_space<vmem>> -> memref<1x1x80x128xf32, #tpu.memory_space<vmem>>
      %dma_start3A_340 = tpu.memref_squeeze %dma_start3A_339 : memref<1x1x80x128xf32, #tpu.memory_space<vmem>> -> memref<80x128xf32, #tpu.memory_space<vmem>>
      %dma_start3A_341 = tpu.memref_slice %arg7[%multiple_of3A_334] : memref<10000xi32, #tpu.memory_space<vmem>> -> memref<80xi32, #tpu.memory_space<vmem>>
      %dma_start3A_342 = arith.constant 0 : i32
      %dma_start3A_343 = arith.constant 0 : i32
      %dma_start3A_344 = tpu.memref_slice %arg4[%dma_start3A_342, %dma_start3A_343] : memref<10000x128xf32, #tpu.memory_space<hbm>> -> memref<10000x128xf32, #tpu.memory_space<hbm>>
      tpu.enqueue_indirect_dma source(%dma_start3A_344 : memref<10000x128xf32, #tpu.memory_space<hbm>>) target(%dma_start3A_340 : memref<80x128xf32, #tpu.memory_space<vmem>>) offsets(%dma_start3A_341 : memref<80xi32, #tpu.memory_space<vmem>>) semaphore(%arg13 : memref<!tpu.dma_semaphore, #tpu.memory_space<semaphore_mem>>)
      %add3A_345 = arith.constant 1 : i32
      %add3A_346 = arith.addi %mul3A_255, %add3A_345 : i32
      %dma_wait3A_347 = arith.constant 1 : i32
      %dma_wait3A_348 = arith.constant 0 : i32
      %dma_wait3A_349 = arith.constant 0 : i32
      %dma_wait3A_350 = arith.constant 0 : i32
      %dma_wait3A_351 = tpu.memref_slice %arg9[%dma_wait3A_347, %dma_wait3A_348, %dma_wait3A_349, %dma_wait3A_350] : memref<2x1x80x128xf32, #tpu.memory_space<vmem>> -> memref<1x1x80x128xf32, #tpu.memory_space<vmem>>
      %dma_wait3A_352 = tpu.memref_squeeze %dma_wait3A_351 : memref<1x1x80x128xf32, #tpu.memory_space<vmem>> -> memref<80x128xf32, #tpu.memory_space<vmem>>
      %dma_wait3A_353 = arith.constant 0 : i32
      %dma_wait3A_354 = arith.constant 0 : i32
      %dma_wait3A_355 = tpu.memref_slice %arg4[%dma_wait3A_353, %dma_wait3A_354] : memref<10000x128xf32, #tpu.memory_space<hbm>> -> memref<80x128xf32, #tpu.memory_space<hbm>>
      %dma_wait3A_356 = arith.constant 0 : i32
      %dma_wait3A_357 = arith.constant 0 : i32
      %dma_wait3A_358 = tpu.memref_slice %arg9[%dma_wait3A_347, %dma_wait3A_348, %dma_wait3A_356, %dma_wait3A_357] : memref<2x1x80x128xf32, #tpu.memory_space<vmem>> -> memref<1x1x80x128xf32, #tpu.memory_space<vmem>>
      %dma_wait3A_359 = tpu.memref_squeeze %dma_wait3A_358 : memref<1x1x80x128xf32, #tpu.memory_space<vmem>> -> memref<80x128xf32, #tpu.memory_space<vmem>>
      %dma_wait3A_360 = arith.constant 0 : i32
      %dma_wait3A_361 = arith.constant 0 : i32
      %dma_wait3A_362 = tpu.memref_slice %arg4[%dma_wait3A_360, %dma_wait3A_361] : memref<10000x128xf32, #tpu.memory_space<hbm>> -> memref<80x128xf32, #tpu.memory_space<hbm>>
      tpu.wait_dma2 semaphore(%arg14 : memref<!tpu.dma_semaphore, #tpu.memory_space<semaphore_mem>>) src(%dma_wait3A_362 : memref<80x128xf32, #tpu.memory_space<hbm>>) dst(%dma_wait3A_359 : memref<80x128xf32, #tpu.memory_space<vmem>>)
      %mul3A_363 = arith.constant 1 : i32
      %mul3A_364 = arith.muli %add3A_346, %mul3A_363 : i32
      %add3A_365 = arith.constant 0 : i32
      %add3A_366 = arith.addi %mul3A_364, %add3A_365 : i32
      %dma_wait3A_367 = arith.constant 0 : i32
      %dma_wait3A_368 = tpu.memref_slice %arg8[%add3A_366, %dma_wait3A_367] : memref<125x80xi32, #tpu.memory_space<vmem>> -> memref<1x80xi32, #tpu.memory_space<vmem>>
      %dma_wait3A_369 = tpu.memref_squeeze %dma_wait3A_368 : memref<1x80xi32, #tpu.memory_space<vmem>> -> memref<80xi32, #tpu.memory_space<vmem>>
      %dma_wait3A_370 = arith.constant 0 : i32
      %dma_wait3A_371 = tpu.memref_slice %arg3[%dma_wait3A_370] : memref<320000xi32, #tpu.memory_space<hbm>> -> memref<80xi32, #tpu.memory_space<hbm>>
      %dma_wait3A_372 = arith.constant 0 : i32
      %dma_wait3A_373 = tpu.memref_slice %arg8[%add3A_366, %dma_wait3A_372] : memref<125x80xi32, #tpu.memory_space<vmem>> -> memref<1x80xi32, #tpu.memory_space<vmem>>
      %dma_wait3A_374 = tpu.memref_squeeze %dma_wait3A_373 : memref<1x80xi32, #tpu.memory_space<vmem>> -> memref<80xi32, #tpu.memory_space<vmem>>
      %dma_wait3A_375 = arith.constant 0 : i32
      %dma_wait3A_376 = tpu.memref_slice %arg3[%dma_wait3A_375] : memref<320000xi32, #tpu.memory_space<hbm>> -> memref<80xi32, #tpu.memory_space<hbm>>
      tpu.wait_dma2 semaphore(%arg12 : memref<!tpu.dma_semaphore, #tpu.memory_space<semaphore_mem>>) src(%dma_wait3A_376 : memref<80xi32, #tpu.memory_space<hbm>>) dst(%dma_wait3A_374 : memref<80xi32, #tpu.memory_space<vmem>>)
      %dma_start3A_377 = arith.constant 1 : i32
      %dma_start3A_378 = arith.constant 0 : i32
      %dma_start3A_379 = arith.constant 0 : i32
      %dma_start3A_380 = arith.constant 0 : i32
      %dma_start3A_381 = tpu.memref_slice %arg9[%dma_start3A_377, %dma_start3A_378, %dma_start3A_379, %dma_start3A_380] : memref<2x1x80x128xf32, #tpu.memory_space<vmem>> -> memref<1x1x80x128xf32, #tpu.memory_space<vmem>>
      %dma_start3A_382 = tpu.memref_squeeze %dma_start3A_381 : memref<1x1x80x128xf32, #tpu.memory_space<vmem>> -> memref<80x128xf32, #tpu.memory_space<vmem>>
      %dma_start3A_383 = arith.constant 0 : i32
      %dma_start3A_384 = tpu.memref_slice %arg8[%add3A_366, %dma_start3A_383] : memref<125x80xi32, #tpu.memory_space<vmem>> -> memref<1x80xi32, #tpu.memory_space<vmem>>
      %dma_start3A_385 = tpu.memref_squeeze %dma_start3A_384 : memref<1x80xi32, #tpu.memory_space<vmem>> -> memref<80xi32, #tpu.memory_space<vmem>>
      %dma_start3A_386 = arith.constant 0 : i32
      %dma_start3A_387 = arith.constant 0 : i32
      %dma_start3A_388 = tpu.memref_slice %arg10[%dma_start3A_386, %dma_start3A_387] : memref<10112x128xf32, #tpu.memory_space<vmem_shared>> -> memref<10112x128xf32, #tpu.memory_space<vmem_shared>>
      tpu.enqueue_indirect_dma source(%dma_start3A_382 : memref<80x128xf32, #tpu.memory_space<vmem>>) target(%dma_start3A_388 : memref<10112x128xf32, #tpu.memory_space<vmem_shared>>) offsets(%dma_start3A_385 : memref<80xi32, #tpu.memory_space<vmem>>) semaphore(%arg16 : memref<!tpu.dma_semaphore, #tpu.memory_space<semaphore_mem>>) {add = true}
      %add3A_389 = arith.constant 3 : i32
      %add3A_390 = arith.addi %mul3A_255, %add3A_389 : i32
      %dma_wait3A_391 = arith.constant 1 : i32
      %dma_wait3A_392 = arith.constant 0 : i32
      %dma_wait3A_393 = arith.constant 0 : i32
      %dma_wait3A_394 = arith.constant 0 : i32
      %dma_wait3A_395 = tpu.memref_slice %arg9[%dma_wait3A_391, %dma_wait3A_392, %dma_wait3A_393, %dma_wait3A_394] : memref<2x1x80x128xf32, #tpu.memory_space<vmem>> -> memref<1x1x80x128xf32, #tpu.memory_space<vmem>>
      %dma_wait3A_396 = tpu.memref_squeeze %dma_wait3A_395 : memref<1x1x80x128xf32, #tpu.memory_space<vmem>> -> memref<80x128xf32, #tpu.memory_space<vmem>>
      %dma_wait3A_397 = arith.constant 0 : i32
      %dma_wait3A_398 = arith.constant 0 : i32
      %dma_wait3A_399 = tpu.memref_slice %arg4[%dma_wait3A_397, %dma_wait3A_398] : memref<10000x128xf32, #tpu.memory_space<hbm>> -> memref<80x128xf32, #tpu.memory_space<hbm>>
      %dma_wait3A_400 = arith.constant 0 : i32
      %dma_wait3A_401 = arith.constant 0 : i32
      %dma_wait3A_402 = tpu.memref_slice %arg9[%dma_wait3A_391, %dma_wait3A_392, %dma_wait3A_400, %dma_wait3A_401] : memref<2x1x80x128xf32, #tpu.memory_space<vmem>> -> memref<1x1x80x128xf32, #tpu.memory_space<vmem>>
      %dma_wait3A_403 = tpu.memref_squeeze %dma_wait3A_402 : memref<1x1x80x128xf32, #tpu.memory_space<vmem>> -> memref<80x128xf32, #tpu.memory_space<vmem>>
      %dma_wait3A_404 = arith.constant 0 : i32
      %dma_wait3A_405 = arith.constant 0 : i32
      %dma_wait3A_406 = tpu.memref_slice %arg4[%dma_wait3A_404, %dma_wait3A_405] : memref<10000x128xf32, #tpu.memory_space<hbm>> -> memref<80x128xf32, #tpu.memory_space<hbm>>
      tpu.wait_dma2 semaphore(%arg16 : memref<!tpu.dma_semaphore, #tpu.memory_space<semaphore_mem>>) src(%dma_wait3A_406 : memref<80x128xf32, #tpu.memory_space<hbm>>) dst(%dma_wait3A_403 : memref<80x128xf32, #tpu.memory_space<vmem>>)
      %mul3A_407 = arith.constant 1 : i32
      %mul3A_408 = arith.muli %add3A_390, %mul3A_407 : i32
      %add3A_409 = arith.constant 0 : i32
      %add3A_410 = arith.addi %mul3A_408, %add3A_409 : i32
      %mul3A_411 = arith.constant 80 : i32
      %mul3A_412 = arith.muli %add3A_410, %mul3A_411 : i32
      %add3A_413 = arith.addi %mul3A_4, %mul3A_412 : i32
      %multiple_of3A_414 = tpu.assume_multiple %add3A_413, 8 : i32
      %dma_start3A_415 = arith.constant 0 : i32
      %dma_start3A_416 = tpu.memref_slice %arg8[%add3A_410, %dma_start3A_415] : memref<125x80xi32, #tpu.memory_space<vmem>> -> memref<1x80xi32, #tpu.memory_space<vmem>>
      %dma_start3A_417 = tpu.memref_squeeze %dma_start3A_416 : memref<1x80xi32, #tpu.memory_space<vmem>> -> memref<80xi32, #tpu.memory_space<vmem>>
      %dma_start3A_418 = tpu.memref_slice %arg3[%multiple_of3A_414] : memref<320000xi32, #tpu.memory_space<hbm>> -> memref<80xi32, #tpu.memory_space<hbm>>
      %dma_start3A_419 = arith.constant 0 : i32
      %dma_start3A_420 = tpu.memref_slice %arg8[%add3A_410, %dma_start3A_419] : memref<125x80xi32, #tpu.memory_space<vmem>> -> memref<1x80xi32, #tpu.memory_space<vmem>>
      %dma_start3A_421 = tpu.memref_squeeze %dma_start3A_420 : memref<1x80xi32, #tpu.memory_space<vmem>> -> memref<80xi32, #tpu.memory_space<vmem>>
      %dma_start3A_422 = tpu.memref_slice %arg3[%multiple_of3A_414] : memref<320000xi32, #tpu.memory_space<hbm>> -> memref<80xi32, #tpu.memory_space<hbm>>
      tpu.enqueue_dma source(%dma_start3A_422 : memref<80xi32, #tpu.memory_space<hbm>>) target(%dma_start3A_421 : memref<80xi32, #tpu.memory_space<vmem>>) target_semaphore(%arg12 : memref<!tpu.dma_semaphore, #tpu.memory_space<semaphore_mem>>)
      %mul3A_423 = arith.constant 80 : i32
      %mul3A_424 = arith.muli %add3A_410, %mul3A_423 : i32
      %multiple_of3A_425 = tpu.assume_multiple %mul3A_424, 8 : i32
      %dma_start3A_426 = arith.constant 1 : i32
      %dma_start3A_427 = arith.constant 0 : i32
      %dma_start3A_428 = arith.constant 0 : i32
      %dma_start3A_429 = arith.constant 0 : i32
      %dma_start3A_430 = tpu.memref_slice %arg9[%dma_start3A_426, %dma_start3A_427, %dma_start3A_428, %dma_start3A_429] : memref<2x1x80x128xf32, #tpu.memory_space<vmem>> -> memref<1x1x80x128xf32, #tpu.memory_space<vmem>>
      %dma_start3A_431 = tpu.memref_squeeze %dma_start3A_430 : memref<1x1x80x128xf32, #tpu.memory_space<vmem>> -> memref<80x128xf32, #tpu.memory_space<vmem>>
      %dma_start3A_432 = tpu.memref_slice %arg7[%multiple_of3A_425] : memref<10000xi32, #tpu.memory_space<vmem>> -> memref<80xi32, #tpu.memory_space<vmem>>
      %dma_start3A_433 = arith.constant 0 : i32
      %dma_start3A_434 = arith.constant 0 : i32
      %dma_start3A_435 = tpu.memref_slice %arg4[%dma_start3A_433, %dma_start3A_434] : memref<10000x128xf32, #tpu.memory_space<hbm>> -> memref<10000x128xf32, #tpu.memory_space<hbm>>
      tpu.enqueue_indirect_dma source(%dma_start3A_435 : memref<10000x128xf32, #tpu.memory_space<hbm>>) target(%dma_start3A_431 : memref<80x128xf32, #tpu.memory_space<vmem>>) offsets(%dma_start3A_432 : memref<80xi32, #tpu.memory_space<vmem>>) semaphore(%arg14 : memref<!tpu.dma_semaphore, #tpu.memory_space<semaphore_mem>>)
    }
    %scan3A_59 = arith.constant 61 : i32
    %dma_wait3A_60 = arith.constant 0 : i32
    %dma_wait3A_61 = arith.constant 0 : i32
    %dma_wait3A_62 = arith.constant 0 : i32
    %dma_wait3A_63 = arith.constant 0 : i32
    %dma_wait3A_64 = tpu.memref_slice %arg9[%dma_wait3A_60, %dma_wait3A_61, %dma_wait3A_62, %dma_wait3A_63] : memref<2x1x80x128xf32, #tpu.memory_space<vmem>> -> memref<1x1x80x128xf32, #tpu.memory_space<vmem>>
    %dma_wait3A_65 = tpu.memref_squeeze %dma_wait3A_64 : memref<1x1x80x128xf32, #tpu.memory_space<vmem>> -> memref<80x128xf32, #tpu.memory_space<vmem>>
    %dma_wait3A_66 = arith.constant 0 : i32
    %dma_wait3A_67 = arith.constant 0 : i32
    %dma_wait3A_68 = tpu.memref_slice %arg4[%dma_wait3A_66, %dma_wait3A_67] : memref<10000x128xf32, #tpu.memory_space<hbm>> -> memref<80x128xf32, #tpu.memory_space<hbm>>
    %dma_wait3A_69 = arith.constant 0 : i32
    %dma_wait3A_70 = arith.constant 0 : i32
    %dma_wait3A_71 = tpu.memref_slice %arg9[%dma_wait3A_60, %dma_wait3A_61, %dma_wait3A_69, %dma_wait3A_70] : memref<2x1x80x128xf32, #tpu.memory_space<vmem>> -> memref<1x1x80x128xf32, #tpu.memory_space<vmem>>
    %dma_wait3A_72 = tpu.memref_squeeze %dma_wait3A_71 : memref<1x1x80x128xf32, #tpu.memory_space<vmem>> -> memref<80x128xf32, #tpu.memory_space<vmem>>
    %dma_wait3A_73 = arith.constant 0 : i32
    %dma_wait3A_74 = arith.constant 0 : i32
    %dma_wait3A_75 = tpu.memref_slice %arg4[%dma_wait3A_73, %dma_wait3A_74] : memref<10000x128xf32, #tpu.memory_space<hbm>> -> memref<80x128xf32, #tpu.memory_space<hbm>>
    tpu.wait_dma2 semaphore(%arg13 : memref<!tpu.dma_semaphore, #tpu.memory_space<semaphore_mem>>) src(%dma_wait3A_75 : memref<80x128xf32, #tpu.memory_space<hbm>>) dst(%dma_wait3A_72 : memref<80x128xf32, #tpu.memory_space<vmem>>)
    %dma_wait3A_76 = arith.constant 122 : i32
    %dma_wait3A_77 = arith.constant 0 : i32
    %dma_wait3A_78 = tpu.memref_slice %arg8[%dma_wait3A_76, %dma_wait3A_77] : memref<125x80xi32, #tpu.memory_space<vmem>> -> memref<1x80xi32, #tpu.memory_space<vmem>>
    %dma_wait3A_79 = tpu.memref_squeeze %dma_wait3A_78 : memref<1x80xi32, #tpu.memory_space<vmem>> -> memref<80xi32, #tpu.memory_space<vmem>>
    %dma_wait3A_80 = arith.constant 0 : i32
    %dma_wait3A_81 = tpu.memref_slice %arg3[%dma_wait3A_80] : memref<320000xi32, #tpu.memory_space<hbm>> -> memref<80xi32, #tpu.memory_space<hbm>>
    %dma_wait3A_82 = arith.constant 0 : i32
    %dma_wait3A_83 = tpu.memref_slice %arg8[%dma_wait3A_76, %dma_wait3A_82] : memref<125x80xi32, #tpu.memory_space<vmem>> -> memref<1x80xi32, #tpu.memory_space<vmem>>
    %dma_wait3A_84 = tpu.memref_squeeze %dma_wait3A_83 : memref<1x80xi32, #tpu.memory_space<vmem>> -> memref<80xi32, #tpu.memory_space<vmem>>
    %dma_wait3A_85 = arith.constant 0 : i32
    %dma_wait3A_86 = tpu.memref_slice %arg3[%dma_wait3A_85] : memref<320000xi32, #tpu.memory_space<hbm>> -> memref<80xi32, #tpu.memory_space<hbm>>
    tpu.wait_dma2 semaphore(%arg11 : memref<!tpu.dma_semaphore, #tpu.memory_space<semaphore_mem>>) src(%dma_wait3A_86 : memref<80xi32, #tpu.memory_space<hbm>>) dst(%dma_wait3A_84 : memref<80xi32, #tpu.memory_space<vmem>>)
    %dma_start3A_87 = arith.constant 0 : i32
    %dma_start3A_88 = arith.constant 0 : i32
    %dma_start3A_89 = arith.constant 122 : i32
    %dma_start3A_90 = arith.constant 0 : i32
    %dma_start3A_91 = arith.constant 0 : i32
    %dma_start3A_92 = tpu.memref_slice %arg9[%dma_start3A_87, %dma_start3A_88, %dma_start3A_90, %dma_start3A_91] : memref<2x1x80x128xf32, #tpu.memory_space<vmem>> -> memref<1x1x80x128xf32, #tpu.memory_space<vmem>>
    %dma_start3A_93 = tpu.memref_squeeze %dma_start3A_92 : memref<1x1x80x128xf32, #tpu.memory_space<vmem>> -> memref<80x128xf32, #tpu.memory_space<vmem>>
    %dma_start3A_94 = arith.constant 0 : i32
    %dma_start3A_95 = tpu.memref_slice %arg8[%dma_start3A_89, %dma_start3A_94] : memref<125x80xi32, #tpu.memory_space<vmem>> -> memref<1x80xi32, #tpu.memory_space<vmem>>
    %dma_start3A_96 = tpu.memref_squeeze %dma_start3A_95 : memref<1x80xi32, #tpu.memory_space<vmem>> -> memref<80xi32, #tpu.memory_space<vmem>>
    %dma_start3A_97 = arith.constant 0 : i32
    %dma_start3A_98 = arith.constant 0 : i32
    %dma_start3A_99 = tpu.memref_slice %arg10[%dma_start3A_97, %dma_start3A_98] : memref<10112x128xf32, #tpu.memory_space<vmem_shared>> -> memref<10112x128xf32, #tpu.memory_space<vmem_shared>>
    tpu.enqueue_indirect_dma source(%dma_start3A_93 : memref<80x128xf32, #tpu.memory_space<vmem>>) target(%dma_start3A_99 : memref<10112x128xf32, #tpu.memory_space<vmem_shared>>) offsets(%dma_start3A_96 : memref<80xi32, #tpu.memory_space<vmem>>) semaphore(%arg15 : memref<!tpu.dma_semaphore, #tpu.memory_space<semaphore_mem>>) {add = true}
    %dma_wait3A_100 = arith.constant 0 : i32
    %dma_wait3A_101 = arith.constant 0 : i32
    %dma_wait3A_102 = arith.constant 0 : i32
    %dma_wait3A_103 = arith.constant 0 : i32
    %dma_wait3A_104 = tpu.memref_slice %arg9[%dma_wait3A_100, %dma_wait3A_101, %dma_wait3A_102, %dma_wait3A_103] : memref<2x1x80x128xf32, #tpu.memory_space<vmem>> -> memref<1x1x80x128xf32, #tpu.memory_space<vmem>>
    %dma_wait3A_105 = tpu.memref_squeeze %dma_wait3A_104 : memref<1x1x80x128xf32, #tpu.memory_space<vmem>> -> memref<80x128xf32, #tpu.memory_space<vmem>>
    %dma_wait3A_106 = arith.constant 0 : i32
    %dma_wait3A_107 = arith.constant 0 : i32
    %dma_wait3A_108 = tpu.memref_slice %arg4[%dma_wait3A_106, %dma_wait3A_107] : memref<10000x128xf32, #tpu.memory_space<hbm>> -> memref<80x128xf32, #tpu.memory_space<hbm>>
    %dma_wait3A_109 = arith.constant 0 : i32
    %dma_wait3A_110 = arith.constant 0 : i32
    %dma_wait3A_111 = tpu.memref_slice %arg9[%dma_wait3A_100, %dma_wait3A_101, %dma_wait3A_109, %dma_wait3A_110] : memref<2x1x80x128xf32, #tpu.memory_space<vmem>> -> memref<1x1x80x128xf32, #tpu.memory_space<vmem>>
    %dma_wait3A_112 = tpu.memref_squeeze %dma_wait3A_111 : memref<1x1x80x128xf32, #tpu.memory_space<vmem>> -> memref<80x128xf32, #tpu.memory_space<vmem>>
    %dma_wait3A_113 = arith.constant 0 : i32
    %dma_wait3A_114 = arith.constant 0 : i32
    %dma_wait3A_115 = tpu.memref_slice %arg4[%dma_wait3A_113, %dma_wait3A_114] : memref<10000x128xf32, #tpu.memory_space<hbm>> -> memref<80x128xf32, #tpu.memory_space<hbm>>
    tpu.wait_dma2 semaphore(%arg15 : memref<!tpu.dma_semaphore, #tpu.memory_space<semaphore_mem>>) src(%dma_wait3A_115 : memref<80x128xf32, #tpu.memory_space<hbm>>) dst(%dma_wait3A_112 : memref<80x128xf32, #tpu.memory_space<vmem>>)
    %add3A_116 = arith.constant 9920 : i32
    %add3A_117 = arith.addi %mul3A_4, %add3A_116 : i32
    %multiple_of3A_118 = tpu.assume_multiple %add3A_117, 8 : i32
    %dma_start3A_119 = arith.constant 124 : i32
    %dma_start3A_120 = arith.constant 0 : i32
    %dma_start3A_121 = tpu.memref_slice %arg8[%dma_start3A_119, %dma_start3A_120] : memref<125x80xi32, #tpu.memory_space<vmem>> -> memref<1x80xi32, #tpu.memory_space<vmem>>
    %dma_start3A_122 = tpu.memref_squeeze %dma_start3A_121 : memref<1x80xi32, #tpu.memory_space<vmem>> -> memref<80xi32, #tpu.memory_space<vmem>>
    %dma_start3A_123 = tpu.memref_slice %arg3[%multiple_of3A_118] : memref<320000xi32, #tpu.memory_space<hbm>> -> memref<80xi32, #tpu.memory_space<hbm>>
    %dma_start3A_124 = arith.constant 0 : i32
    %dma_start3A_125 = tpu.memref_slice %arg8[%dma_start3A_119, %dma_start3A_124] : memref<125x80xi32, #tpu.memory_space<vmem>> -> memref<1x80xi32, #tpu.memory_space<vmem>>
    %dma_start3A_126 = tpu.memref_squeeze %dma_start3A_125 : memref<1x80xi32, #tpu.memory_space<vmem>> -> memref<80xi32, #tpu.memory_space<vmem>>
    %dma_start3A_127 = tpu.memref_slice %arg3[%multiple_of3A_118] : memref<320000xi32, #tpu.memory_space<hbm>> -> memref<80xi32, #tpu.memory_space<hbm>>
    tpu.enqueue_dma source(%dma_start3A_127 : memref<80xi32, #tpu.memory_space<hbm>>) target(%dma_start3A_126 : memref<80xi32, #tpu.memory_space<vmem>>) target_semaphore(%arg11 : memref<!tpu.dma_semaphore, #tpu.memory_space<semaphore_mem>>)
    %multiple_of3A_128 = arith.constant 9920 : i32
    %multiple_of3A_129 = tpu.assume_multiple %multiple_of3A_128, 8 : i32
    %dma_start3A_130 = arith.constant 0 : i32
    %dma_start3A_131 = arith.constant 0 : i32
    %dma_start3A_132 = arith.constant 0 : i32
    %dma_start3A_133 = arith.constant 0 : i32
    %dma_start3A_134 = tpu.memref_slice %arg9[%dma_start3A_130, %dma_start3A_131, %dma_start3A_132, %dma_start3A_133] : memref<2x1x80x128xf32, #tpu.memory_space<vmem>> -> memref<1x1x80x128xf32, #tpu.memory_space<vmem>>
    %dma_start3A_135 = tpu.memref_squeeze %dma_start3A_134 : memref<1x1x80x128xf32, #tpu.memory_space<vmem>> -> memref<80x128xf32, #tpu.memory_space<vmem>>
    %dma_start3A_136 = tpu.memref_slice %arg7[%multiple_of3A_129] : memref<10000xi32, #tpu.memory_space<vmem>> -> memref<80xi32, #tpu.memory_space<vmem>>
    %dma_start3A_137 = arith.constant 0 : i32
    %dma_start3A_138 = arith.constant 0 : i32
    %dma_start3A_139 = tpu.memref_slice %arg4[%dma_start3A_137, %dma_start3A_138] : memref<10000x128xf32, #tpu.memory_space<hbm>> -> memref<10000x128xf32, #tpu.memory_space<hbm>>
    tpu.enqueue_indirect_dma source(%dma_start3A_139 : memref<10000x128xf32, #tpu.memory_space<hbm>>) target(%dma_start3A_135 : memref<80x128xf32, #tpu.memory_space<vmem>>) offsets(%dma_start3A_136 : memref<80xi32, #tpu.memory_space<vmem>>) semaphore(%arg13 : memref<!tpu.dma_semaphore, #tpu.memory_space<semaphore_mem>>)
    %dma_wait3A_140 = arith.constant 1 : i32
    %dma_wait3A_141 = arith.constant 0 : i32
    %dma_wait3A_142 = arith.constant 0 : i32
    %dma_wait3A_143 = arith.constant 0 : i32
    %dma_wait3A_144 = tpu.memref_slice %arg9[%dma_wait3A_140, %dma_wait3A_141, %dma_wait3A_142, %dma_wait3A_143] : memref<2x1x80x128xf32, #tpu.memory_space<vmem>> -> memref<1x1x80x128xf32, #tpu.memory_space<vmem>>
    %dma_wait3A_145 = tpu.memref_squeeze %dma_wait3A_144 : memref<1x1x80x128xf32, #tpu.memory_space<vmem>> -> memref<80x128xf32, #tpu.memory_space<vmem>>
    %dma_wait3A_146 = arith.constant 0 : i32
    %dma_wait3A_147 = arith.constant 0 : i32
    %dma_wait3A_148 = tpu.memref_slice %arg4[%dma_wait3A_146, %dma_wait3A_147] : memref<10000x128xf32, #tpu.memory_space<hbm>> -> memref<80x128xf32, #tpu.memory_space<hbm>>
    %dma_wait3A_149 = arith.constant 0 : i32
    %dma_wait3A_150 = arith.constant 0 : i32
    %dma_wait3A_151 = tpu.memref_slice %arg9[%dma_wait3A_140, %dma_wait3A_141, %dma_wait3A_149, %dma_wait3A_150] : memref<2x1x80x128xf32, #tpu.memory_space<vmem>> -> memref<1x1x80x128xf32, #tpu.memory_space<vmem>>
    %dma_wait3A_152 = tpu.memref_squeeze %dma_wait3A_151 : memref<1x1x80x128xf32, #tpu.memory_space<vmem>> -> memref<80x128xf32, #tpu.memory_space<vmem>>
    %dma_wait3A_153 = arith.constant 0 : i32
    %dma_wait3A_154 = arith.constant 0 : i32
    %dma_wait3A_155 = tpu.memref_slice %arg4[%dma_wait3A_153, %dma_wait3A_154] : memref<10000x128xf32, #tpu.memory_space<hbm>> -> memref<80x128xf32, #tpu.memory_space<hbm>>
    tpu.wait_dma2 semaphore(%arg14 : memref<!tpu.dma_semaphore, #tpu.memory_space<semaphore_mem>>) src(%dma_wait3A_155 : memref<80x128xf32, #tpu.memory_space<hbm>>) dst(%dma_wait3A_152 : memref<80x128xf32, #tpu.memory_space<vmem>>)
    %dma_wait3A_156 = arith.constant 123 : i32
    %dma_wait3A_157 = arith.constant 0 : i32
    %dma_wait3A_158 = tpu.memref_slice %arg8[%dma_wait3A_156, %dma_wait3A_157] : memref<125x80xi32, #tpu.memory_space<vmem>> -> memref<1x80xi32, #tpu.memory_space<vmem>>
    %dma_wait3A_159 = tpu.memref_squeeze %dma_wait3A_158 : memref<1x80xi32, #tpu.memory_space<vmem>> -> memref<80xi32, #tpu.memory_space<vmem>>
    %dma_wait3A_160 = arith.constant 0 : i32
    %dma_wait3A_161 = tpu.memref_slice %arg3[%dma_wait3A_160] : memref<320000xi32, #tpu.memory_space<hbm>> -> memref<80xi32, #tpu.memory_space<hbm>>
    %dma_wait3A_162 = arith.constant 0 : i32
    %dma_wait3A_163 = tpu.memref_slice %arg8[%dma_wait3A_156, %dma_wait3A_162] : memref<125x80xi32, #tpu.memory_space<vmem>> -> memref<1x80xi32, #tpu.memory_space<vmem>>
    %dma_wait3A_164 = tpu.memref_squeeze %dma_wait3A_163 : memref<1x80xi32, #tpu.memory_space<vmem>> -> memref<80xi32, #tpu.memory_space<vmem>>
    %dma_wait3A_165 = arith.constant 0 : i32
    %dma_wait3A_166 = tpu.memref_slice %arg3[%dma_wait3A_165] : memref<320000xi32, #tpu.memory_space<hbm>> -> memref<80xi32, #tpu.memory_space<hbm>>
    tpu.wait_dma2 semaphore(%arg12 : memref<!tpu.dma_semaphore, #tpu.memory_space<semaphore_mem>>) src(%dma_wait3A_166 : memref<80xi32, #tpu.memory_space<hbm>>) dst(%dma_wait3A_164 : memref<80xi32, #tpu.memory_space<vmem>>)
    %dma_start3A_167 = arith.constant 1 : i32
    %dma_start3A_168 = arith.constant 0 : i32
    %dma_start3A_169 = arith.constant 123 : i32
    %dma_start3A_170 = arith.constant 0 : i32
    %dma_start3A_171 = arith.constant 0 : i32
    %dma_start3A_172 = tpu.memref_slice %arg9[%dma_start3A_167, %dma_start3A_168, %dma_start3A_170, %dma_start3A_171] : memref<2x1x80x128xf32, #tpu.memory_space<vmem>> -> memref<1x1x80x128xf32, #tpu.memory_space<vmem>>
    %dma_start3A_173 = tpu.memref_squeeze %dma_start3A_172 : memref<1x1x80x128xf32, #tpu.memory_space<vmem>> -> memref<80x128xf32, #tpu.memory_space<vmem>>
    %dma_start3A_174 = arith.constant 0 : i32
    %dma_start3A_175 = tpu.memref_slice %arg8[%dma_start3A_169, %dma_start3A_174] : memref<125x80xi32, #tpu.memory_space<vmem>> -> memref<1x80xi32, #tpu.memory_space<vmem>>
    %dma_start3A_176 = tpu.memref_squeeze %dma_start3A_175 : memref<1x80xi32, #tpu.memory_space<vmem>> -> memref<80xi32, #tpu.memory_space<vmem>>
    %dma_start3A_177 = arith.constant 0 : i32
    %dma_start3A_178 = arith.constant 0 : i32
    %dma_start3A_179 = tpu.memref_slice %arg10[%dma_start3A_177, %dma_start3A_178] : memref<10112x128xf32, #tpu.memory_space<vmem_shared>> -> memref<10112x128xf32, #tpu.memory_space<vmem_shared>>
    tpu.enqueue_indirect_dma source(%dma_start3A_173 : memref<80x128xf32, #tpu.memory_space<vmem>>) target(%dma_start3A_179 : memref<10112x128xf32, #tpu.memory_space<vmem_shared>>) offsets(%dma_start3A_176 : memref<80xi32, #tpu.memory_space<vmem>>) semaphore(%arg16 : memref<!tpu.dma_semaphore, #tpu.memory_space<semaphore_mem>>) {add = true}
    %dma_wait3A_180 = arith.constant 0 : i32
    %dma_wait3A_181 = arith.constant 0 : i32
    %dma_wait3A_182 = arith.constant 0 : i32
    %dma_wait3A_183 = arith.constant 0 : i32
    %dma_wait3A_184 = tpu.memref_slice %arg9[%dma_wait3A_180, %dma_wait3A_181, %dma_wait3A_182, %dma_wait3A_183] : memref<2x1x80x128xf32, #tpu.memory_space<vmem>> -> memref<1x1x80x128xf32, #tpu.memory_space<vmem>>
    %dma_wait3A_185 = tpu.memref_squeeze %dma_wait3A_184 : memref<1x1x80x128xf32, #tpu.memory_space<vmem>> -> memref<80x128xf32, #tpu.memory_space<vmem>>
    %dma_wait3A_186 = arith.constant 0 : i32
    %dma_wait3A_187 = arith.constant 0 : i32
    %dma_wait3A_188 = tpu.memref_slice %arg4[%dma_wait3A_186, %dma_wait3A_187] : memref<10000x128xf32, #tpu.memory_space<hbm>> -> memref<80x128xf32, #tpu.memory_space<hbm>>
    %dma_wait3A_189 = arith.constant 0 : i32
    %dma_wait3A_190 = arith.constant 0 : i32
    %dma_wait3A_191 = tpu.memref_slice %arg9[%dma_wait3A_180, %dma_wait3A_181, %dma_wait3A_189, %dma_wait3A_190] : memref<2x1x80x128xf32, #tpu.memory_space<vmem>> -> memref<1x1x80x128xf32, #tpu.memory_space<vmem>>
    %dma_wait3A_192 = tpu.memref_squeeze %dma_wait3A_191 : memref<1x1x80x128xf32, #tpu.memory_space<vmem>> -> memref<80x128xf32, #tpu.memory_space<vmem>>
    %dma_wait3A_193 = arith.constant 0 : i32
    %dma_wait3A_194 = arith.constant 0 : i32
    %dma_wait3A_195 = tpu.memref_slice %arg4[%dma_wait3A_193, %dma_wait3A_194] : memref<10000x128xf32, #tpu.memory_space<hbm>> -> memref<80x128xf32, #tpu.memory_space<hbm>>
    tpu.wait_dma2 semaphore(%arg13 : memref<!tpu.dma_semaphore, #tpu.memory_space<semaphore_mem>>) src(%dma_wait3A_195 : memref<80x128xf32, #tpu.memory_space<hbm>>) dst(%dma_wait3A_192 : memref<80x128xf32, #tpu.memory_space<vmem>>)
    %dma_wait3A_196 = arith.constant 124 : i32
    %dma_wait3A_197 = arith.constant 0 : i32
    %dma_wait3A_198 = tpu.memref_slice %arg8[%dma_wait3A_196, %dma_wait3A_197] : memref<125x80xi32, #tpu.memory_space<vmem>> -> memref<1x80xi32, #tpu.memory_space<vmem>>
    %dma_wait3A_199 = tpu.memref_squeeze %dma_wait3A_198 : memref<1x80xi32, #tpu.memory_space<vmem>> -> memref<80xi32, #tpu.memory_space<vmem>>
    %dma_wait3A_200 = arith.constant 0 : i32
    %dma_wait3A_201 = tpu.memref_slice %arg3[%dma_wait3A_200] : memref<320000xi32, #tpu.memory_space<hbm>> -> memref<80xi32, #tpu.memory_space<hbm>>
    %dma_wait3A_202 = arith.constant 0 : i32
    %dma_wait3A_203 = tpu.memref_slice %arg8[%dma_wait3A_196, %dma_wait3A_202] : memref<125x80xi32, #tpu.memory_space<vmem>> -> memref<1x80xi32, #tpu.memory_space<vmem>>
    %dma_wait3A_204 = tpu.memref_squeeze %dma_wait3A_203 : memref<1x80xi32, #tpu.memory_space<vmem>> -> memref<80xi32, #tpu.memory_space<vmem>>
    %dma_wait3A_205 = arith.constant 0 : i32
    %dma_wait3A_206 = tpu.memref_slice %arg3[%dma_wait3A_205] : memref<320000xi32, #tpu.memory_space<hbm>> -> memref<80xi32, #tpu.memory_space<hbm>>
    tpu.wait_dma2 semaphore(%arg11 : memref<!tpu.dma_semaphore, #tpu.memory_space<semaphore_mem>>) src(%dma_wait3A_206 : memref<80xi32, #tpu.memory_space<hbm>>) dst(%dma_wait3A_204 : memref<80xi32, #tpu.memory_space<vmem>>)
    %dma_start3A_207 = arith.constant 0 : i32
    %dma_start3A_208 = arith.constant 0 : i32
    %dma_start3A_209 = arith.constant 124 : i32
    %dma_start3A_210 = arith.constant 0 : i32
    %dma_start3A_211 = arith.constant 0 : i32
    %dma_start3A_212 = tpu.memref_slice %arg9[%dma_start3A_207, %dma_start3A_208, %dma_start3A_210, %dma_start3A_211] : memref<2x1x80x128xf32, #tpu.memory_space<vmem>> -> memref<1x1x80x128xf32, #tpu.memory_space<vmem>>
    %dma_start3A_213 = tpu.memref_squeeze %dma_start3A_212 : memref<1x1x80x128xf32, #tpu.memory_space<vmem>> -> memref<80x128xf32, #tpu.memory_space<vmem>>
    %dma_start3A_214 = arith.constant 0 : i32
    %dma_start3A_215 = tpu.memref_slice %arg8[%dma_start3A_209, %dma_start3A_214] : memref<125x80xi32, #tpu.memory_space<vmem>> -> memref<1x80xi32, #tpu.memory_space<vmem>>
    %dma_start3A_216 = tpu.memref_squeeze %dma_start3A_215 : memref<1x80xi32, #tpu.memory_space<vmem>> -> memref<80xi32, #tpu.memory_space<vmem>>
    %dma_start3A_217 = arith.constant 0 : i32
    %dma_start3A_218 = arith.constant 0 : i32
    %dma_start3A_219 = tpu.memref_slice %arg10[%dma_start3A_217, %dma_start3A_218] : memref<10112x128xf32, #tpu.memory_space<vmem_shared>> -> memref<10112x128xf32, #tpu.memory_space<vmem_shared>>
    tpu.enqueue_indirect_dma source(%dma_start3A_213 : memref<80x128xf32, #tpu.memory_space<vmem>>) target(%dma_start3A_219 : memref<10112x128xf32, #tpu.memory_space<vmem_shared>>) offsets(%dma_start3A_216 : memref<80xi32, #tpu.memory_space<vmem>>) semaphore(%arg15 : memref<!tpu.dma_semaphore, #tpu.memory_space<semaphore_mem>>) {add = true}
    %dma_wait3A_220 = arith.constant 1 : i32
    %dma_wait3A_221 = arith.constant 0 : i32
    %dma_wait3A_222 = arith.constant 0 : i32
    %dma_wait3A_223 = arith.constant 0 : i32
    %dma_wait3A_224 = tpu.memref_slice %arg9[%dma_wait3A_220, %dma_wait3A_221, %dma_wait3A_222, %dma_wait3A_223] : memref<2x1x80x128xf32, #tpu.memory_space<vmem>> -> memref<1x1x80x128xf32, #tpu.memory_space<vmem>>
    %dma_wait3A_225 = tpu.memref_squeeze %dma_wait3A_224 : memref<1x1x80x128xf32, #tpu.memory_space<vmem>> -> memref<80x128xf32, #tpu.memory_space<vmem>>
    %dma_wait3A_226 = arith.constant 0 : i32
    %dma_wait3A_227 = arith.constant 0 : i32
    %dma_wait3A_228 = tpu.memref_slice %arg4[%dma_wait3A_226, %dma_wait3A_227] : memref<10000x128xf32, #tpu.memory_space<hbm>> -> memref<80x128xf32, #tpu.memory_space<hbm>>
    %dma_wait3A_229 = arith.constant 0 : i32
    %dma_wait3A_230 = arith.constant 0 : i32
    %dma_wait3A_231 = tpu.memref_slice %arg9[%dma_wait3A_220, %dma_wait3A_221, %dma_wait3A_229, %dma_wait3A_230] : memref<2x1x80x128xf32, #tpu.memory_space<vmem>> -> memref<1x1x80x128xf32, #tpu.memory_space<vmem>>
    %dma_wait3A_232 = tpu.memref_squeeze %dma_wait3A_231 : memref<1x1x80x128xf32, #tpu.memory_space<vmem>> -> memref<80x128xf32, #tpu.memory_space<vmem>>
    %dma_wait3A_233 = arith.constant 0 : i32
    %dma_wait3A_234 = arith.constant 0 : i32
    %dma_wait3A_235 = tpu.memref_slice %arg4[%dma_wait3A_233, %dma_wait3A_234] : memref<10000x128xf32, #tpu.memory_space<hbm>> -> memref<80x128xf32, #tpu.memory_space<hbm>>
    tpu.wait_dma2 semaphore(%arg16 : memref<!tpu.dma_semaphore, #tpu.memory_space<semaphore_mem>>) src(%dma_wait3A_235 : memref<80x128xf32, #tpu.memory_space<hbm>>) dst(%dma_wait3A_232 : memref<80x128xf32, #tpu.memory_space<vmem>>)
    %dma_wait3A_236 = arith.constant 0 : i32
    %dma_wait3A_237 = arith.constant 0 : i32
    %dma_wait3A_238 = arith.constant 0 : i32
    %dma_wait3A_239 = arith.constant 0 : i32
    %dma_wait3A_240 = tpu.memref_slice %arg9[%dma_wait3A_236, %dma_wait3A_237, %dma_wait3A_238, %dma_wait3A_239] : memref<2x1x80x128xf32, #tpu.memory_space<vmem>> -> memref<1x1x80x128xf32, #tpu.memory_space<vmem>>
    %dma_wait3A_241 = tpu.memref_squeeze %dma_wait3A_240 : memref<1x1x80x128xf32, #tpu.memory_space<vmem>> -> memref<80x128xf32, #tpu.memory_space<vmem>>
    %dma_wait3A_242 = arith.constant 0 : i32
    %dma_wait3A_243 = arith.constant 0 : i32
    %dma_wait3A_244 = tpu.memref_slice %arg4[%dma_wait3A_242, %dma_wait3A_243] : memref<10000x128xf32, #tpu.memory_space<hbm>> -> memref<80x128xf32, #tpu.memory_space<hbm>>
    %dma_wait3A_245 = arith.constant 0 : i32
    %dma_wait3A_246 = arith.constant 0 : i32
    %dma_wait3A_247 = tpu.memref_slice %arg9[%dma_wait3A_236, %dma_wait3A_237, %dma_wait3A_245, %dma_wait3A_246] : memref<2x1x80x128xf32, #tpu.memory_space<vmem>> -> memref<1x1x80x128xf32, #tpu.memory_space<vmem>>
    %dma_wait3A_248 = tpu.memref_squeeze %dma_wait3A_247 : memref<1x1x80x128xf32, #tpu.memory_space<vmem>> -> memref<80x128xf32, #tpu.memory_space<vmem>>
    %dma_wait3A_249 = arith.constant 0 : i32
    %dma_wait3A_250 = arith.constant 0 : i32
    %dma_wait3A_251 = tpu.memref_slice %arg4[%dma_wait3A_249, %dma_wait3A_250] : memref<10000x128xf32, #tpu.memory_space<hbm>> -> memref<80x128xf32, #tpu.memory_space<hbm>>
    tpu.wait_dma2 semaphore(%arg15 : memref<!tpu.dma_semaphore, #tpu.memory_space<semaphore_mem>>) src(%dma_wait3A_251 : memref<80x128xf32, #tpu.memory_space<hbm>>) dst(%dma_wait3A_248 : memref<80x128xf32, #tpu.memory_space<vmem>>)
    %barrier3A_252 = arith.constant 0 : index
    tpu.barrier barrier_id(%barrier3A_252)
    "tpu.region"() ({
      %run_scoped3A = tpu.sem_alloc : memref<!tpu.dma_semaphore, #tpu.memory_space<semaphore_mem>>
      %dma_start3A_253 = arith.constant 0 : i32
      %dma_start3A_254 = tpu.memref_slice %arg6[%arg0, %mul3A_2, %dma_start3A_253] : memref<2x10112x128xf32, #tpu.memory_space<hbm>> -> memref<1x632x128xf32, #tpu.memory_space<hbm>>
      %dma_start3A_255 = tpu.memref_squeeze %dma_start3A_254 : memref<1x632x128xf32, #tpu.memory_space<hbm>> -> memref<632x128xf32, #tpu.memory_space<hbm>>
      %dma_start3A_256 = arith.constant 0 : i32
      %dma_start3A_257 = tpu.memref_slice %arg10[%mul3A_2, %dma_start3A_256] : memref<10112x128xf32, #tpu.memory_space<vmem_shared>> -> memref<632x128xf32, #tpu.memory_space<vmem_shared>>
      tpu.enqueue_dma source(%dma_start3A_257 : memref<632x128xf32, #tpu.memory_space<vmem_shared>>) target(%dma_start3A_255 : memref<632x128xf32, #tpu.memory_space<hbm>>) target_semaphore(%run_scoped3A : memref<!tpu.dma_semaphore, #tpu.memory_space<semaphore_mem>>)
      %dma_wait3A_258 = arith.constant 0 : i32
      %dma_wait3A_259 = tpu.memref_slice %arg6[%arg0, %mul3A_2, %dma_wait3A_258] : memref<2x10112x128xf32, #tpu.memory_space<hbm>> -> memref<1x632x128xf32, #tpu.memory_space<hbm>>
      %dma_wait3A_260 = tpu.memref_squeeze %dma_wait3A_259 : memref<1x632x128xf32, #tpu.memory_space<hbm>> -> memref<632x128xf32, #tpu.memory_space<hbm>>
      %dma_wait3A_261 = arith.constant 0 : i32
      %dma_wait3A_262 = tpu.memref_slice %arg10[%mul3A_2, %dma_wait3A_261] : memref<10112x128xf32, #tpu.memory_space<vmem_shared>> -> memref<632x128xf32, #tpu.memory_space<vmem_shared>>
      tpu.wait_dma2 semaphore(%run_scoped3A : memref<!tpu.dma_semaphore, #tpu.memory_space<semaphore_mem>>) src(%dma_wait3A_262 : memref<632x128xf32, #tpu.memory_space<vmem_shared>>) dst(%dma_wait3A_260 : memref<632x128xf32, #tpu.memory_space<hbm>>)
      tpu.yield
    }) : () -> ()
    return
  }
}

module attributes {stable_mosaic.version = 14 : i64} {
  func.func @_tca_body(%arg0: i32, %arg1: memref<1000x128xf32, #tpu.memory_space<vmem>>, %arg2: memref<2x1000x32xf32, #tpu.memory_space<vmem>>, %arg3: memref<128x128xf32, #tpu.memory_space<vmem>>, %arg4: memref<1000x128xf32, #tpu.memory_space<vmem>>, %arg5: memref<1000x1xf32, #tpu.memory_space<vmem>>) attributes {dimension_semantics = [#tpu.dimension_semantics<arbitrary>], iteration_bounds = array<i64: 10>, scalar_prefetch = 0 : i64, scratch_operands = 0 : i64, tpu.core_type = #tpu.core_type<tc>, window_params = [{transform_indices = @transform_0, window_bounds = array<i64: 1000, 128>}, {transform_indices = @transform_1, window_bounds = array<i64: 2, 1000, 32>}, {pipeline_mode = #tpu.pipeline_mode<synchronous>, transform_indices = @transform_2, window_bounds = array<i64: 128, 128>}, {transform_indices = @transform_3, window_bounds = array<i64: 1000, 128>}, {transform_indices = @transform_4, window_bounds = array<i64: 1000, 1>}]} {
    %get3A = arith.constant 0 : index
    %get3A_0 = arith.constant 0 : index
    %get3A_1 = arith.constant 0 : index
    %get3A_2 = vector.load %arg2[%get3A, %get3A_0, %get3A_1] : memref<2x1000x32xf32, #tpu.memory_space<vmem>>, vector<1x1000x1xf32>
    %get3A_3 = vector.shape_cast %get3A_2 : vector<1x1000x1xf32> to vector<1000x1xf32>
    %get3A_4 = arith.constant 1 : index
    %get3A_5 = arith.constant 0 : index
    %get3A_6 = arith.constant 0 : index
    %get3A_7 = vector.load %arg2[%get3A_4, %get3A_5, %get3A_6] : memref<2x1000x32xf32, #tpu.memory_space<vmem>>, vector<1x1000x1xf32>
    %get3A_8 = vector.shape_cast %get3A_7 : vector<1x1000x1xf32> to vector<1000x1xf32>
    %add3A = arith.addf %get3A_3, %get3A_8 : vector<1000x1xf32>
    %add3A_9 = arith.constant 1.000000e+00 : f32
    %add3A_10 = vector.broadcast %add3A_9 : f32 to vector<1000x1xf32>
    %add3A_11 = arith.addf %add3A, %add3A_10 : vector<1000x1xf32>
    %rsqrt3A = math.rsqrt %add3A_11 : vector<1000x1xf32>
    %swap3A = arith.constant 0 : index
    %swap3A_12 = arith.constant 0 : index
    %swap3A_13 = vector.load %arg5[%swap3A, %swap3A_12] : memref<1000x1xf32, #tpu.memory_space<vmem>>, vector<1000x1xf32>
    tpu.vector_store %arg5[%swap3A, %swap3A_12], %rsqrt3A {strides = array<i32>} : memref<1000x1xf32, #tpu.memory_space<vmem>>, vector<1000x1xf32>,
    %get3A_14 = arith.constant 0 : index
    %get3A_15 = arith.constant 0 : index
    %get3A_16 = vector.load %arg1[%get3A_14, %get3A_15] : memref<1000x128xf32, #tpu.memory_space<vmem>>, vector<1000x128xf32>
    %get3A_17 = arith.constant 0 : index
    %get3A_18 = arith.constant 0 : index
    %get3A_19 = vector.load %arg3[%get3A_17, %get3A_18] : memref<128x128xf32, #tpu.memory_space<vmem>>, vector<128x128xf32>
    %dot_general3A = arith.constant dense<0.000000e+00> : vector<1000x128xf32>
    %dot_general3A_20 = tpu.matmul %get3A_16, %get3A_19, %dot_general3A {dimension_numbers = #tpu.dot_dimension_numbers<[1], [0], [0], [1], [0, 0, 1, 1], [], []>, transpose_lhs_hint = false} : vector<1000x128xf32>, vector<128x128xf32>, vector<1000x128xf32> -> vector<1000x128xf32>
    %mul3A = vector.broadcast %rsqrt3A : vector<1000x1xf32> to vector<1000x128xf32>
    %mul3A_21 = arith.mulf %mul3A, %dot_general3A_20 : vector<1000x128xf32>
    %swap3A_22 = arith.constant 0 : index
    %swap3A_23 = arith.constant 0 : index
    %swap3A_24 = vector.load %arg4[%swap3A_22, %swap3A_23] : memref<1000x128xf32, #tpu.memory_space<vmem>>, vector<1000x128xf32>
    tpu.vector_store %arg4[%swap3A_22, %swap3A_23], %mul3A_21 {strides = array<i32>} : memref<1000x128xf32, #tpu.memory_space<vmem>>, vector<1000x128xf32>,
    return
  }
  func.func @transform_0(%arg0: i32) -> (i32, i32) {
    %c0_i32 = arith.constant 0 : i32
    %c0_i32_0 = arith.constant 0 : i32
    return %arg0, %c0_i32 : i32, i32
  }
  func.func @transform_1(%arg0: i32) -> (i32, i32, i32) {
    %c0_i32 = arith.constant 0 : i32
    %c0_i32_0 = arith.constant 0 : i32
    %c0_i32_1 = arith.constant 0 : i32
    return %c0_i32, %arg0, %c0_i32_0 : i32, i32, i32
  }
  func.func @transform_2(%arg0: i32) -> (i32, i32) {
    %c0_i32 = arith.constant 0 : i32
    %c0_i32_0 = arith.constant 0 : i32
    %c0_i32_1 = arith.constant 0 : i32
    return %c0_i32, %c0_i32_0 : i32, i32
  }
  func.func @transform_3(%arg0: i32) -> (i32, i32) {
    %c0_i32 = arith.constant 0 : i32
    %c0_i32_0 = arith.constant 0 : i32
    return %arg0, %c0_i32 : i32, i32
  }
  func.func @transform_4(%arg0: i32) -> (i32, i32) {
    %c0_i32 = arith.constant 0 : i32
    %c0_i32_0 = arith.constant 0 : i32
    return %arg0, %c0_i32 : i32, i32
  }
}

module attributes {stable_mosaic.version = 14 : i64} {
  func.func @_tcb_body(%arg0: i32, %arg1: memref<2x1000x128xf32, #tpu.memory_space<vmem>>, %arg2: memref<1000x128xf32, #tpu.memory_space<vmem>>, %arg3: memref<1000x1xf32, #tpu.memory_space<vmem>>, %arg4: memref<1x128xf32, #tpu.memory_space<vmem>>, %arg5: memref<128x128xf32, #tpu.memory_space<vmem>>, %arg6: memref<1000x128xf32, #tpu.memory_space<vmem>>) attributes {dimension_semantics = [#tpu.dimension_semantics<arbitrary>], iteration_bounds = array<i64: 10>, scalar_prefetch = 0 : i64, scratch_operands = 0 : i64, tpu.core_type = #tpu.core_type<tc>, window_params = [{transform_indices = @transform_0, window_bounds = array<i64: 2, 1000, 128>}, {transform_indices = @transform_1, window_bounds = array<i64: 1000, 128>}, {transform_indices = @transform_2, window_bounds = array<i64: 1000, 1>}, {pipeline_mode = #tpu.pipeline_mode<synchronous>, transform_indices = @transform_3, window_bounds = array<i64: 1, 128>}, {pipeline_mode = #tpu.pipeline_mode<synchronous>, transform_indices = @transform_4, window_bounds = array<i64: 128, 128>}, {transform_indices = @transform_5, window_bounds = array<i64: 1000, 128>}]} {
    %get3A = arith.constant 0 : index
    %get3A_0 = arith.constant 0 : index
    %get3A_1 = vector.load %arg3[%get3A, %get3A_0] : memref<1000x1xf32, #tpu.memory_space<vmem>>, vector<1000x1xf32>
    %get3A_2 = arith.constant 0 : index
    %get3A_3 = arith.constant 0 : index
    %get3A_4 = vector.load %arg2[%get3A_2, %get3A_3] : memref<1000x128xf32, #tpu.memory_space<vmem>>, vector<1000x128xf32>
    %get3A_5 = arith.constant 0 : index
    %get3A_6 = arith.constant 0 : index
    %get3A_7 = arith.constant 0 : index
    %get3A_8 = vector.load %arg1[%get3A_5, %get3A_6, %get3A_7] : memref<2x1000x128xf32, #tpu.memory_space<vmem>>, vector<1x1000x128xf32>
    %get3A_9 = vector.shape_cast %get3A_8 : vector<1x1000x128xf32> to vector<1000x128xf32>
    %get3A_10 = arith.constant 1 : index
    %get3A_11 = arith.constant 0 : index
    %get3A_12 = arith.constant 0 : index
    %get3A_13 = vector.load %arg1[%get3A_10, %get3A_11, %get3A_12] : memref<2x1000x128xf32, #tpu.memory_space<vmem>>, vector<1x1000x128xf32>
    %get3A_14 = vector.shape_cast %get3A_13 : vector<1x1000x128xf32> to vector<1000x128xf32>
    %add3A = arith.addf %get3A_9, %get3A_14 : vector<1000x128xf32>
    %add3A_15 = arith.addf %add3A, %get3A_4 : vector<1000x128xf32>
    %mul3A = vector.broadcast %get3A_1 : vector<1000x1xf32> to vector<1000x128xf32>
    %mul3A_16 = arith.mulf %mul3A, %add3A_15 : vector<1000x128xf32>
    %get3A_17 = arith.constant 0 : index
    %get3A_18 = arith.constant 0 : index
    %get3A_19 = vector.load %arg4[%get3A_17, %get3A_18] : memref<1x128xf32, #tpu.memory_space<vmem>>, vector<1x128xf32>
    %add3A_20 = vector.broadcast %get3A_19 : vector<1x128xf32> to vector<1000x128xf32>
    %add3A_21 = arith.addf %mul3A_16, %add3A_20 : vector<1000x128xf32>
    %gt3A = arith.constant 0.000000e+00 : f32
    %gt3A_22 = vector.broadcast %gt3A : f32 to vector<1000x128xf32>
    %gt3A_23 = arith.cmpf ogt, %add3A_21, %gt3A_22 : vector<1000x128xf32>
    %exp3A = math.exp %add3A_21 : vector<1000x128xf32>
    %sub3A = arith.constant 1.000000e+00 : f32
    %sub3A_24 = vector.broadcast %sub3A : f32 to vector<1000x128xf32>
    %sub3A_25 = arith.subf %exp3A, %sub3A_24 : vector<1000x128xf32>
    %select_n3A = arith.select %gt3A_23, %add3A_21, %sub3A_25 : vector<1000x128xi1>, vector<1000x128xf32>
    %get3A_26 = arith.constant 0 : index
    %get3A_27 = arith.constant 0 : index
    %get3A_28 = vector.load %arg5[%get3A_26, %get3A_27] : memref<128x128xf32, #tpu.memory_space<vmem>>, vector<128x128xf32>
    %dot_general3A = arith.constant dense<0.000000e+00> : vector<1000x128xf32>
    %dot_general3A_29 = tpu.matmul %select_n3A, %get3A_28, %dot_general3A {dimension_numbers = #tpu.dot_dimension_numbers<[1], [0], [0], [1], [0, 0, 1, 1], [], []>, transpose_lhs_hint = false} : vector<1000x128xf32>, vector<128x128xf32>, vector<1000x128xf32> -> vector<1000x128xf32>
    %mul3A_30 = vector.broadcast %get3A_1 : vector<1000x1xf32> to vector<1000x128xf32>
    %mul3A_31 = arith.mulf %mul3A_30, %dot_general3A_29 : vector<1000x128xf32>
    %swap3A = arith.constant 0 : index
    %swap3A_32 = arith.constant 0 : index
    %swap3A_33 = vector.load %arg6[%swap3A, %swap3A_32] : memref<1000x128xf32, #tpu.memory_space<vmem>>, vector<1000x128xf32>
    tpu.vector_store %arg6[%swap3A, %swap3A_32], %mul3A_31 {strides = array<i32>} : memref<1000x128xf32, #tpu.memory_space<vmem>>, vector<1000x128xf32>,
    return
  }
  func.func @transform_0(%arg0: i32) -> (i32, i32, i32) {
    %c0_i32 = arith.constant 0 : i32
    %c0_i32_0 = arith.constant 0 : i32
    %c0_i32_1 = arith.constant 0 : i32
    return %c0_i32, %arg0, %c0_i32_0 : i32, i32, i32
  }
  func.func @transform_1(%arg0: i32) -> (i32, i32) {
    %c0_i32 = arith.constant 0 : i32
    %c0_i32_0 = arith.constant 0 : i32
    return %arg0, %c0_i32 : i32, i32
  }
  func.func @transform_2(%arg0: i32) -> (i32, i32) {
    %c0_i32 = arith.constant 0 : i32
    %c0_i32_0 = arith.constant 0 : i32
    return %arg0, %c0_i32 : i32, i32
  }
  func.func @transform_3(%arg0: i32) -> (i32, i32) {
    %c0_i32 = arith.constant 0 : i32
    %c0_i32_0 = arith.constant 0 : i32
    %c0_i32_1 = arith.constant 0 : i32
    return %c0_i32, %c0_i32_0 : i32, i32
  }
  func.func @transform_4(%arg0: i32) -> (i32, i32) {
    %c0_i32 = arith.constant 0 : i32
    %c0_i32_0 = arith.constant 0 : i32
    %c0_i32_1 = arith.constant 0 : i32
    return %c0_i32, %c0_i32_0 : i32, i32
  }
  func.func @transform_5(%arg0: i32) -> (i32, i32) {
    %c0_i32 = arith.constant 0 : i32
    %c0_i32_0 = arith.constant 0 : i32
    return %arg0, %c0_i32 : i32, i32
  }
}

module attributes {stable_mosaic.version = 14 : i64} {
  func.func @_tcc_body(%arg0: i32, %arg1: memref<2x1000x128xf32, #tpu.memory_space<vmem>>, %arg2: memref<1000x128xf32, #tpu.memory_space<vmem>>, %arg3: memref<1000x1xf32, #tpu.memory_space<vmem>>, %arg4: memref<1x128xf32, #tpu.memory_space<vmem>>, %arg5: memref<128x16xf32, #tpu.memory_space<vmem>>, %arg6: memref<1x16xf32, #tpu.memory_space<vmem>>, %arg7: memref<1000x16xf32, #tpu.memory_space<vmem>>) attributes {dimension_semantics = [#tpu.dimension_semantics<arbitrary>], iteration_bounds = array<i64: 10>, scalar_prefetch = 0 : i64, scratch_operands = 0 : i64, tpu.core_type = #tpu.core_type<tc>, window_params = [{transform_indices = @transform_0, window_bounds = array<i64: 2, 1000, 128>}, {transform_indices = @transform_1, window_bounds = array<i64: 1000, 128>}, {transform_indices = @transform_2, window_bounds = array<i64: 1000, 1>}, {pipeline_mode = #tpu.pipeline_mode<synchronous>, transform_indices = @transform_3, window_bounds = array<i64: 1, 128>}, {pipeline_mode = #tpu.pipeline_mode<synchronous>, transform_indices = @transform_4, window_bounds = array<i64: 128, 16>}, {pipeline_mode = #tpu.pipeline_mode<synchronous>, transform_indices = @transform_5, window_bounds = array<i64: 1, 16>}, {transform_indices = @transform_6, window_bounds = array<i64: 1000, 16>}]} {
    %get3A = arith.constant 0 : index
    %get3A_0 = arith.constant 0 : index
    %get3A_1 = vector.load %arg3[%get3A, %get3A_0] : memref<1000x1xf32, #tpu.memory_space<vmem>>, vector<1000x1xf32>
    %get3A_2 = arith.constant 0 : index
    %get3A_3 = arith.constant 0 : index
    %get3A_4 = vector.load %arg2[%get3A_2, %get3A_3] : memref<1000x128xf32, #tpu.memory_space<vmem>>, vector<1000x128xf32>
    %get3A_5 = arith.constant 0 : index
    %get3A_6 = arith.constant 0 : index
    %get3A_7 = arith.constant 0 : index
    %get3A_8 = vector.load %arg1[%get3A_5, %get3A_6, %get3A_7] : memref<2x1000x128xf32, #tpu.memory_space<vmem>>, vector<1x1000x128xf32>
    %get3A_9 = vector.shape_cast %get3A_8 : vector<1x1000x128xf32> to vector<1000x128xf32>
    %get3A_10 = arith.constant 1 : index
    %get3A_11 = arith.constant 0 : index
    %get3A_12 = arith.constant 0 : index
    %get3A_13 = vector.load %arg1[%get3A_10, %get3A_11, %get3A_12] : memref<2x1000x128xf32, #tpu.memory_space<vmem>>, vector<1x1000x128xf32>
    %get3A_14 = vector.shape_cast %get3A_13 : vector<1x1000x128xf32> to vector<1000x128xf32>
    %add3A = arith.addf %get3A_9, %get3A_14 : vector<1000x128xf32>
    %add3A_15 = arith.addf %add3A, %get3A_4 : vector<1000x128xf32>
    %mul3A = vector.broadcast %get3A_1 : vector<1000x1xf32> to vector<1000x128xf32>
    %mul3A_16 = arith.mulf %mul3A, %add3A_15 : vector<1000x128xf32>
    %get3A_17 = arith.constant 0 : index
    %get3A_18 = arith.constant 0 : index
    %get3A_19 = vector.load %arg4[%get3A_17, %get3A_18] : memref<1x128xf32, #tpu.memory_space<vmem>>, vector<1x128xf32>
    %add3A_20 = vector.broadcast %get3A_19 : vector<1x128xf32> to vector<1000x128xf32>
    %add3A_21 = arith.addf %mul3A_16, %add3A_20 : vector<1000x128xf32>
    %gt3A = arith.constant 0.000000e+00 : f32
    %gt3A_22 = vector.broadcast %gt3A : f32 to vector<1000x128xf32>
    %gt3A_23 = arith.cmpf ogt, %add3A_21, %gt3A_22 : vector<1000x128xf32>
    %exp3A = math.exp %add3A_21 : vector<1000x128xf32>
    %sub3A = arith.constant 1.000000e+00 : f32
    %sub3A_24 = vector.broadcast %sub3A : f32 to vector<1000x128xf32>
    %sub3A_25 = arith.subf %exp3A, %sub3A_24 : vector<1000x128xf32>
    %select_n3A = arith.select %gt3A_23, %add3A_21, %sub3A_25 : vector<1000x128xi1>, vector<1000x128xf32>
    %get3A_26 = arith.constant 0 : index
    %get3A_27 = arith.constant 0 : index
    %get3A_28 = vector.load %arg5[%get3A_26, %get3A_27] : memref<128x16xf32, #tpu.memory_space<vmem>>, vector<128x16xf32>
    %dot_general3A = arith.constant dense<0.000000e+00> : vector<1000x16xf32>
    %dot_general3A_29 = tpu.matmul %select_n3A, %get3A_28, %dot_general3A {dimension_numbers = #tpu.dot_dimension_numbers<[1], [0], [0], [1], [0, 0, 1, 1], [], []>, transpose_lhs_hint = false} : vector<1000x128xf32>, vector<128x16xf32>, vector<1000x16xf32> -> vector<1000x16xf32>
    %get3A_30 = arith.constant 0 : index
    %get3A_31 = arith.constant 0 : index
    %get3A_32 = vector.load %arg6[%get3A_30, %get3A_31] : memref<1x16xf32, #tpu.memory_space<vmem>>, vector<1x16xf32>
    %add3A_33 = vector.broadcast %get3A_32 : vector<1x16xf32> to vector<1000x16xf32>
    %add3A_34 = arith.addf %dot_general3A_29, %add3A_33 : vector<1000x16xf32>
    %reduce_max3A = arith.constant dense<0xFF800000> : vector<1000xf32>
    %reduce_max3A_35 = vector.multi_reduction <maximumf>, %add3A_34, %reduce_max3A [1] : vector<1000x16xf32> to vector<1000xf32>
    %broadcast_in_dim3A = vector.shape_cast %reduce_max3A_35 : vector<1000xf32> to vector<1000x1xf32>
    %sub3A_36 = vector.broadcast %broadcast_in_dim3A : vector<1000x1xf32> to vector<1000x16xf32>
    %sub3A_37 = arith.subf %add3A_34, %sub3A_36 : vector<1000x16xf32>
    %exp3A_38 = math.exp %sub3A_37 : vector<1000x16xf32>
    %reduce_sum3A = arith.constant dense<0.000000e+00> : vector<1000xf32>
    %reduce_sum3A_39 = vector.multi_reduction <add>, %exp3A_38, %reduce_sum3A [1] : vector<1000x16xf32> to vector<1000xf32>
    %broadcast_in_dim3A_40 = vector.shape_cast %reduce_sum3A_39 : vector<1000xf32> to vector<1000x1xf32>
    %log3A = math.log %broadcast_in_dim3A_40 : vector<1000x1xf32>
    %sub3A_41 = vector.broadcast %broadcast_in_dim3A : vector<1000x1xf32> to vector<1000x16xf32>
    %sub3A_42 = arith.subf %add3A_34, %sub3A_41 : vector<1000x16xf32>
    %sub3A_43 = vector.broadcast %log3A : vector<1000x1xf32> to vector<1000x16xf32>
    %sub3A_44 = arith.subf %sub3A_42, %sub3A_43 : vector<1000x16xf32>
    %swap3A = arith.constant 0 : index
    %swap3A_45 = arith.constant 0 : index
    %swap3A_46 = vector.load %arg7[%swap3A, %swap3A_45] : memref<1000x16xf32, #tpu.memory_space<vmem>>, vector<1000x16xf32>
    tpu.vector_store %arg7[%swap3A, %swap3A_45], %sub3A_44 {strides = array<i32>} : memref<1000x16xf32, #tpu.memory_space<vmem>>, vector<1000x16xf32>,
    return
  }
  func.func @transform_0(%arg0: i32) -> (i32, i32, i32) {
    %c0_i32 = arith.constant 0 : i32
    %c0_i32_0 = arith.constant 0 : i32
    %c0_i32_1 = arith.constant 0 : i32
    return %c0_i32, %arg0, %c0_i32_0 : i32, i32, i32
  }
  func.func @transform_1(%arg0: i32) -> (i32, i32) {
    %c0_i32 = arith.constant 0 : i32
    %c0_i32_0 = arith.constant 0 : i32
    return %arg0, %c0_i32 : i32, i32
  }
  func.func @transform_2(%arg0: i32) -> (i32, i32) {
    %c0_i32 = arith.constant 0 : i32
    %c0_i32_0 = arith.constant 0 : i32
    return %arg0, %c0_i32 : i32, i32
  }
  func.func @transform_3(%arg0: i32) -> (i32, i32) {
    %c0_i32 = arith.constant 0 : i32
    %c0_i32_0 = arith.constant 0 : i32
    %c0_i32_1 = arith.constant 0 : i32
    return %c0_i32, %c0_i32_0 : i32, i32
  }
  func.func @transform_4(%arg0: i32) -> (i32, i32) {
    %c0_i32 = arith.constant 0 : i32
    %c0_i32_0 = arith.constant 0 : i32
    %c0_i32_1 = arith.constant 0 : i32
    return %c0_i32, %c0_i32_0 : i32, i32
  }
  func.func @transform_5(%arg0: i32) -> (i32, i32) {
    %c0_i32 = arith.constant 0 : i32
    %c0_i32_0 = arith.constant 0 : i32
    %c0_i32_1 = arith.constant 0 : i32
    return %c0_i32, %c0_i32_0 : i32, i32
  }
  func.func @transform_6(%arg0: i32) -> (i32, i32) {
    %c0_i32 = arith.constant 0 : i32
    %c0_i32_0 = arith.constant 0 : i32
    return %arg0, %c0_i32 : i32, i32
  }
}

</mosaic_0001>

<sc_bundles>
// kernel: kernel.10.cloned.1.call-start
scs
__scs_entry_jumppad:
0x0: {  	(pc) =	sbr.rel $0x88, $3  }
0x1: {  	(tag) =	ssettag $0x0;
	lr =	simm.s32 $0x1  }
0x2: {  	[smem:$0x3F97] =	sst lr;
	_ =	strace $0xD0000000  }
0x3: {  	_ = 	snop  }
0x4: {  	_ = 	snop  }
0x5: {  	_ = 	snop  }
0x6: {  	_ = 	snop  }
0x7: {  	_ = 	snop  }
__scs_overlays_trampoline_lowered:
0x8: {  	[smem:$0x3FA6] =	sst s0  }
0x9: {  	[smem:$0x3FA7] =	sst s1  }
0xa: {  	[smem:$0x3FA8] =	sst s2  }
0xb: {  	[smem:$0x3FA9] =	sst s3  }
0xc: {  	[smem:$0x3FAA] =	sst s4  }
0xd: {  	[smem:$0x3FAB] =	sst s5  }
0xe: {  	[smem:$0x3FAC] =	sst s6  }
0xf: {  	[smem:$0x3FAD] =	sst s7  }
0x10: {  	[smem:$0x3FAE] =	sst s8  }
0x11: {  	[smem:$0x3FAF] =	sst s9;
	s0 =	simm.s32 @!p0 $0x0  }
0x12: {  	s1 =	sld [smem:$0x3F95];
	s0 =	simm.s32 @p0 $0x1  }
0x13: {  	[smem:$0x3FB0] =	sst s0;
	s0 =	simm.s32 @!p1 $0x0  }
0x14: {  	s2 =	sld [smem:$0x3F94];
	s0 =	simm.s32 @p1 $0x1  }
0x15: {  	[smem:$0x3FB1] =	sst s0;
	s0 =	simm.s32 @!p2 $0x0  }
0x16: {  	s3 =	sld [smem:$0x3FDB];
	s0 =	simm.s32 @p2 $0x1  }
0x17: {  	s4 =	simm.s32 $0x1BF5;
	[smem:$0x3FB3] =	sst s0  }
0x18: {  	s0 =	sld [smem:$0x3F96];
	_ =	swait.ge [sflag:s4], $0x0  }
0x19: {  	s7 =	sld [smem:$0x3F97]  }
0x1a: {  	s8 =	sadd.s32 $0xFFFFE003, lr  }
0x1b: {  	s9 =	sadd.s32 $0xFFFFFEF7, lr;
	s5 =	simm.s32 $0xFFFFFFFF;
	p2 =	slt.u32 s8, $0xFFFFF086  }
0x1c: {  	p1 =	slt.u32 s9, $0xF7A;
	s5 =	simm.s32 @!p2 $0x0  }
0x1d: {  	s5 =	simm.s32 @p1 $0x1;
	p0 =	seq.s32 s7, s2  }
0x1e: {  	s7 =	smul.u32 @!p0 $0xF7A, s2;
	p2 =	seq.s32 @!p0 s5, $0x0  }
0x1f: {  	s9 =	smul.u32 $0xF7A, s1;
	s8 =	simm.s32 @!p0 $0x1BF5;
	p2 =	por !p2, p0  }
0x20: {  	[sflag:s8] =	ssyncset.s32 @!p0 $0xFFFFF086;
	s6 =	sadd.s32 @!p0 s3, s7;
	s7 =	simm.s32 @!p0 $0x108  }
0x21: {  	s3 =	sadd.s32 s3, s9;
	s6 =	sadd.s32 @!p0 $0x88, s6;
	s7 =	simm.s32 @p2 $0x1082  }
0x22: {  	[simem:s7], [sflag:s8] =	dma.local @!p0 [hbm:s6], $0xF7A  }
0x23: {  	s9 =	sor.u32 $0xD0000000, s2;
	s6 =	simm.s32 $0x108;
	_ =	swait.ge @!p0 [sflag:s8], $0x0  }
0x24: {  	s3 =	sadd.s32 $0x88, s3;
	s6 =	simm.s32 @!p1 $0x1082;
	[sflag:s4] =	ssyncset.s32 $0xFFFFF086  }
0x25: {  	[simem:s6], [sflag:s4] =	dma.local [hbm:s3], $0xF7A  }
0x26: {  	[smem:$0x3F97] =	sst s1;
	(tag) =	ssettag s2;
	_ =	strace s9  }
0x27: {  	s1 =	sld [smem:$0x3FA7]  }
0x28: {  	s2 =	sld [smem:$0x3FA8]  }
0x29: {  	s4 =	sld [smem:$0x3FAA]  }
0x2a: {  	p0 =	seq.s32 s5, $0x0;
	s5 =	sld [smem:$0x3FAB]  }
0x2b: {  	s6 =	sld [smem:$0x3FAC]  }
0x2c: {  	s7 =	sld [smem:$0x3FAD]  }
0x2d: {  	s3 =	simm.s32 $0x108;
	s8 =	sld [smem:$0x3FAE]  }
0x2e: {  	s3 =	simm.s32 @!p0 $0x1082;
	s9 =	sld [smem:$0x3FAF]  }
0x2f: {  	lr =	sadd.s32 s0, s3;
	s0 =	sld [smem:$0x3FA6]  }
0x30: {  	s3 =	sld [smem:$0x3FA9]  }
0x31: {  	[smem:$0x3FB2] =	sst s10  }
0x32: {  	s10 =	sld [smem:$0x3FB0];
	_ =	sdelay $0x3  }
0x33: {  	p0 =	seq.s32 s10, $0x1;
	s10 =	sld [smem:$0x3FB2];
	_ =	sdelay $0x3  }
0x34: {  	[smem:$0x3FB2] =	sst s10  }
0x35: {  	s10 =	sld [smem:$0x3FB1];
	_ =	sdelay $0x3  }
0x36: {  	p1 =	seq.s32 s10, $0x1;
	s10 =	sld [smem:$0x3FB2];
	_ =	sdelay $0x3  }
0x37: {  	[smem:$0x3FB2] =	sst s10  }
0x38: {  	s10 =	sld [smem:$0x3FB3]  }
0x39: {  	_ = 	snop;
	(pc) =	sbr.ind lr, $3  }
0x3a: {  	_ = 	snop  }
0x3b: {  	_ = 	snop  }
0x3c: {  	p2 =	seq.s32 s10, $0x1;
	s10 =	sld [smem:$0x3FB2]  }
0x3d: {  	_ =	shalt  }
0x3e: {  	_ =	shalt  }
0x3f: {  	_ =	shalt  }
0x40: {  	_ =	shalt  }
0x41: {  	_ =	shalt  }
0x42: {  	_ =	shalt  }
0x43: {  	_ =	shalt  }
0x44: {  	_ =	shalt  }
0x45: {  	_ =	shalt  }
0x46: {  	_ =	shalt  }
0x47: {  	_ =	shalt  }
0x48: {  	_ =	shalt  }
0x49: {  	_ =	shalt  }
0x4a: {  	_ =	shalt  }
0x4b: {  	_ =	shalt  }
0x4c: {  	_ =	shalt  }
0x4d: {  	_ =	shalt  }
0x4e: {  	_ =	shalt  }
0x4f: {  	_ =	shalt  }
0x50: {  	_ =	shalt  }
0x51: {  	_ =	shalt  }
0x52: {  	_ =	shalt  }
0x53: {  	_ =	shalt  }
0x54: {  	_ =	shalt  }
0x55: {  	_ =	shalt  }
0x56: {  	_ =	shalt  }
0x57: {  	_ =	shalt  }
0x58: {  	_ =	shalt  }
0x59: {  	_ =	shalt  }
0x5a: {  	_ =	shalt  }
0x5b: {  	_ =	shalt  }
0x5c: {  	_ =	shalt  }
0x5d: {  	_ =	shalt  }
0x5e: {  	_ =	shalt  }
0x5f: {  	_ =	shalt  }
0x60: {  	_ =	shalt  }
0x61: {  	_ =	shalt  }
0x62: {  	_ =	shalt  }
0x63: {  	_ =	shalt  }
0x64: {  	_ =	shalt  }
0x65: {  	_ =	shalt  }
0x66: {  	_ =	shalt  }
0x67: {  	_ =	shalt  }
0x68: {  	_ =	shalt  }
0x69: {  	_ =	shalt  }
0x6a: {  	_ =	shalt  }
0x6b: {  	_ =	shalt  }
0x6c: {  	_ =	shalt  }
0x6d: {  	_ =	shalt  }
0x6e: {  	_ =	shalt  }
0x6f: {  	_ =	shalt  }
0x70: {  	_ =	shalt  }
0x71: {  	_ =	shalt  }
0x72: {  	_ =	shalt  }
0x73: {  	_ =	shalt  }
0x74: {  	_ =	shalt  }
0x75: {  	_ =	shalt  }
0x76: {  	_ =	shalt  }
0x77: {  	_ =	shalt  }
0x78: {  	_ =	shalt  }
0x79: {  	_ =	shalt  }
0x7a: {  	_ =	shalt  }
0x7b: {  	_ =	shalt  }
0x7c: {  	_ =	shalt  }
0x7d: {  	_ =	shalt  }
0x7e: {  	_ =	shalt  }
0x7f: {  	_ =	shalt  }
0x80: {  	_ =	shalt  }
0x81: {  	_ =	shalt  }
0x82: {  	_ =	shalt  }
0x83: {  	_ =	shalt  }
0x84: {  	_ =	shalt  }
0x85: {  	_ =	shalt  }
0x86: {  	_ =	shalt  }
0x87: {  	_ =	shalt  }
.Lfunc_end0:
.L_simem_size_0:
called_computation_lowered:
.L_overlay_start_0:
0x88: {  	s2 =	sld [smem:$0x3FD9]  }
0x89: {  	s3 =	sld [smem:$0x3FFE];
	_ =	sdelay $0x1  }
0x8a: {  	s1 =	srdreg.scid  }
0x8b: {  	s0 =	sand.u32 $0x1, s1  }
0x8c: {  	s16 =	sshll.u32 s0, $0xA;
	s2 =	sadd.s32 s3, s2  }
0x8d: {  	s2 =	sadd.s32 s2, s16  }
0x8e: {  	[smem:$0x3FBE] =	sst s2  }
0x8f: {  	_ = 	snop  }
0x90: {  	(tm) =	ssettm $0x1  }
0x91: {  	s17 =	sld [smem:$0x3FFB];
	_ =	sdelay $0x3  }
0x92: {  	_ =	strace s17  }
0x93: {  	s2 =	sld [smem:$0x3FFC];
	_ =	sdelay $0x3  }
0x94: {  	_ =	strace s2  }
0x95: {  	s2 =	sld [smem:$0x3FFD];
	_ =	sdelay $0x3  }
0x96: {  	_ =	strace s2  }
0x97: {  	_ =	strace $0x8FFFFFFF  }
0x98: {  	s18 =	sld [smem:$0x3FDB];
	_ =	sdelay $0x1  }
0x99: {  	s19 =	simm.s32 $_scs_section_size  }
0x9a: {  	s4 =	simm.s32 $_size__tile_overlayer_lowered;
	s5 =	simm.s32 $_tile_overlayer_lowered  }
0x9b: {  	s22 =	simm.s32 $0x1BFF;
	s21 =	sshll.u32 s5, $0x1;
	s2 =	sadd.s32 s19, s18  }
0x9c: {  	s6 =	simm.s32 $0x0;
	s20 =	sshll.u32 s4, $0x1;
	s4 =	sadd.s32 s21, s2  }
0x9d: {  	[timem:s6], [sflag:s22] =	dma.local [hbm:s4], s20  }
0x9e: {  	_ =	swait.ge [sflag:s22], s20  }
0x9f: {  	s3 =	ssub.s32 $0x0, s20;
	[sflag:s22] =	ssyncset.done $0x0  }
0xa0: {  	[sflag:s22] =	ssyncadd.s32 s3;
	_ =	sdelay $0x1  }
0xa1: {  	s23 =	simm.s32 $0x1B8B  }
0xa2: {  	_ =	swait.ge [sflag:s23], $0x1  }
0xa3: {  	[sflag:s23] =	ssyncset.done $0x0  }
0xa4: {  	s25 =	simm.s32 $0x1B8E;
	s24 =	sld [smem:$0x3FFE];
	[sflag:s23] =	ssyncadd.s32 $0xFFFFFFFF  }
0xa5: {  	s26 =	simm.s32 $execute0_lowered;
	[smem:$0x3FD2] =	sst s25  }
0xa6: {  	s4 =	sshll.u32 s26, $0x1;
	_ =	strace $0x80000046;
	[dreg:$0x1] =	wrdreg $0xFFFFFFFF  }
0xa7: {  	s28 =	simm.s32 $_size_execute0_lowered;
	s2 =	sadd.s32 s2, s4;
	[dreg:$0x0] =	wrdreg $0x0  }
0xa8: {  	s4 =	sshll.u32 s28, $0x1;
	[dreg:$0x2] =	wrdreg s2  }
0xa9: {  	[dreg:$0x3] =	wrdreg s4  }
0xaa: {  	[dreg:$0x4] =	wrdreg $0xC0  }
0xab: {  	_ =	task [dreg:s6], $0x5FFFF  }
0xac: {  	[dreg:$0x1] =	wrdreg $0xFFFFFFFF  }
0xad: {  	[dreg:$0x0] =	wrdreg $0x60  }
0xae: {  	[dreg:$0x2] =	wrdreg s24  }
0xaf: {  	[dreg:$0x3] =	wrdreg $0x28800  }
0xb0: {  	[dreg:$0x4] =	wrdreg $0x9  }
0xb1: {  	_ =	task.clear_ibuf [dreg:s6], $0x5FFFF;
	_ =	strace $0x90000046  }
0xb2: {  	s29 =	simm.s32 $0x9;
	_ =	strace $0x80000048  }
0xb3: {  	_ =	swait.ge [sflag:s29], $0x1  }
0xb4: {  	[sflag:s29] =	ssyncadd.s32 $0xFFFFFFFF  }
0xb5: {  	_ =	strace $0x90000048  }
0xb6: {  	_ =	sfence  }
0xb7: {  	s30 =	sld [smem:$0x0];
	_ =	sdelay $0x2  }
0xb8: {  	s31 =	sshll.u32 s1, $0xD;
	s1 =	sshrl.u32 s1, $0x2  }
0xb9: {  	s3 =	sand.u32 $0x4000, s31;
	s1 =	sadd.s32 s1, s30  }
0xba: {  	s0 =	sor.u32 s3, s0;
	s1 =	sshll.u32 s1, $0x11  }
0xbb: {  	s0 =	sor.u32 s1, s0  }
0xbc: {  	s0 =	sadd.s32 $0x8F2B, s0  }
0xbd: {  	[sflag:s0] =	ssyncadd.remote.s32 $0x1  }
0xbe: {  	_ =	sfence.sel $0xFFFF  }
0xbf: {  	[dreg:$0x0] =	wrdreg $0xFFFFFFFF;
	(pc) =	sbr.abs _section_cstart, $3  }
0xc0: {  	[dreg:$0x1] =	wrdreg $0xFFFFFFFF  }
0xc1: {  	_ =	task.clear_ibuf [dreg:s6], $0x2FFFF;
	_ =	strace $0x9FFFFFFF  }
0xc2: {  	(tm) =	ssettm $0x7FFFFFFF  }
0xc3: {  	_ =	shalt  }
tec
execute0_lowered:
.L_overlay_start_1:
0x0: {  	(tag) =	ssettag $0x1  }
0x1: {  	s1 =	srdreg.scid  }
0x2: {  	s0 =	stileid.u32;
	s4 =	rddreg [dreg:$0x0]  }
0x3: {  	s2 =	rddreg [dreg:$0x1];
	s6 =	smul.u32 $0x4E20, s0  }
0x4: {  	s3 =	simm.s32 $0x0;
	s12 =	simm.s32 $0x80;
	s26 =	smul.u32 $0x13C00, s0  }
0x5: {  	s5 =	sand.u32 $0x1, s1;
	s1 =	rddreg [dreg:$0x2];
	s29 =	smul.u32 $0x4F000, s0  }
0x6: {  	s13 =	simm.s32 $0x0;
	[smem:$0x7FF] =	sst s3;
	s7 =	smul.u32 $0x2710, s5  }
0x7: {  	s31 =	sshll.u32 s0, $0x6;
	s8 =	smul.u32 $0x13C000, s5;
	s5 =	ssub.s32 $0x2, s5  }
0x8: {  	_ =	strace $0x80000047;
	s28 =	sshrl.u32 s26, $0x3;
	s10 =	sshrl.u32 s5, $0x1  }
0x9: {  	s30 =	sshrl.u32 s29, $0x2;
	s6 =	sadd.s32 s7, s6;
	s7 =	sadd.s32 s26, s8  }
0xa: {  	s10 =	ssub.s32 s5, s10;
	s11 =	sadd.s32 s30, s2;
	s6 =	sshrl.u32 s6, $0x3  }
0xb: {  	s7 =	sshrl.u32 s7, $0x3;
	s9 =	sadd.s32 s6, s4;
	s6 =	sadd.s32 s28, s4  }
0xc: {  	s5 =	sor.u32 $0x1C01, s31;
	s7 =	sadd.s32 s7, s4;
	s4 =	sadd.s32 $0x16A00, s6  }
0xd: {  	s6 =	sadd.s32 $0x3E200, s7;
	s7 =	smax.u32 s10, $0x1;
	s8 =	sadd.s32 $0x2E00, s9  }
0xe: {  	v0 =	vimm.f32 $1.000000000e+00;
	s9 =	sshrl.u32 s11, $0x3;
	s10 =	simm.s32 $0x1;
	s11 =	simm.s32 $0x50  }
.LBB2_1:
0xf: {  	s14 =	sand.u32 $0xFE00, s3  }
0x10: {  	s15 =	sand.u32 $0x10, s3;
	s16 =	sshrl.u32 s14, $0x2  }
0x11: {  	s14 =	simm.s32 $0x100;
	s16 =	sor.u32 s15, s16;
	s15 =	simm.s32 $0x0  }
.LBB2_2:
0x12: {  	p0 =	sne.s32 s14, $0x9F00  }
0x13: {  	[tilespmem:s16+$0x80] =	vst v0;
	s15 =	sadd.s32 $0x10, s15;
	s16 =	smov.u32 s14;
	s14 =	sadd.s32 $0x100, s14  }
.Ltmp0:
0x14: {  	(pc) =	sbr.rel @p0 .LBB2_2-.Ltmp0, $4  }
0x15: {  	_ = 	snop  }
0x16: {  	s16 =	sand.u32 $0xFE00, s16  }
0x17: {  	s17 =	sand.u32 $0x10, s15;
	s16 =	sshrl.u32 s16, $0x2  }
0x18: {  	s16 =	sor.u32 s17, s16  }
0x19: {  	[tilespmem:s16+$0x80] =	vst v0  }
0x1a: {  	[spmem:s9], [sflag:s5] =	dma.local [hbm:s4], $0x2780  }
0x1b: {  	_ =	swait.ge [sflag:s10], $0x2780  }
0x1c: {  	[sflag:s10] =	ssyncset.done $0x0  }
0x1d: {  	[sflag:s10] =	ssyncadd.s32 $0xFFFFD880  }
0x1e: {  	s14 =	sadd.s32 $0x0, s8;
	[bflag:$0x0] =	sbarrier.arrive $0xFFFF  }
0x1f: {  	[tilespmem:s3], [sflag:$0x1] =	stream.linear.gather [hbm4b:s14+s3], $0x50, $0x38;
	[tilespmem:$0x7780] =	vst v63  }
0x20: {  	_ =	swait.ge [sflag:s10], $0x50  }
0x21: {  	[sflag:s10] =	ssyncset.done $0x0  }
0x22: {  	[sflag:s10] =	ssyncadd.s32 $0xFFFFFFB0  }
0x23: {  	[spmem:s2] =	stream.indirect.scatter.add.f32 [tilespmem:s12], [sflag:$0x1], $0x20, s3, s11, $0xb8;
	[tilespmem:$0x7780] =	vst v63  }
0x24: {  	_ =	swait.ge [sflag:s10], $0xA00  }
0x25: {  	s15 =	simm.s32 $0x14;
	s14 =	simm.s32 $0xA;
	[sflag:s10] =	ssyncset.done $0x0  }
.LBB2_4:
0x26: {  	s16 =	sadd.s32 s14, s8  }
0x27: {  	[sflag:s10] =	ssyncadd.s32 $0xFFFFF600;
	s14 =	smov.u32 s15;
	s17 =	sadd.s32 $0xA, s15  }
0x28: {  	[tilespmem:s3], [sflag:$0x1] =	stream.linear.gather [hbm4b:s16+s3], $0x50, $0x38;
	[tilespmem:$0x7780] =	vst v63  }
0x29: {  	p0 =	sne.s32 s15, $0x4D8;
	_ =	swait.ge [sflag:s10], $0x50  }
.Ltmp1:
0x2a: {  	[sflag:s10] =	ssyncset.done $0x0;
	(pc) =	sbr.rel @p0 .LBB2_4-.Ltmp1, $4  }
0x2b: {  	[sflag:s10] =	ssyncadd.s32 $0xFFFFFFB0  }
0x2c: {  	[spmem:s2] =	stream.indirect.scatter.add.f32 [tilespmem:s12], [sflag:$0x1], $0x20, s3, s11, $0xb8;
	[tilespmem:$0x7780] =	vst v63  }
0x2d: {  	_ =	swait.ge [sflag:s10], $0xA00  }
0x2e: {  	s15 =	smov.u32 s17;
	[sflag:s10] =	ssyncset.done $0x0  }
0x2f: {  	s14 =	sadd.s32 s14, s8;
	[sflag:s10] =	ssyncadd.s32 $0xFFFFF600  }
0x30: {  	[tilespmem:s3], [sflag:$0x1] =	stream.linear.gather [hbm4b:s14+s3], $0x50, $0x38;
	[tilespmem:$0x7780] =	vst v63  }
0x31: {  	_ =	swait.ge [sflag:s10], $0x50  }
0x32: {  	[sflag:s10] =	ssyncset.done $0x0  }
0x33: {  	[sflag:s10] =	ssyncadd.s32 $0xFFFFFFB0  }
0x34: {  	[spmem:s2] =	stream.indirect.scatter.add.f32 [tilespmem:s12], [sflag:$0x1], $0x20, s3, s11, $0xb8;
	[tilespmem:$0x7780] =	vst v63  }
0x35: {  	_ =	swait.ge [sflag:s10], $0xA00  }
0x36: {  	s13 =	sadd.s32 $0x1, s13;
	[sflag:s10] =	ssyncset.done $0x0  }
0x37: {  	p0 =	sne.s32 s13, s7;
	[sflag:s10] =	ssyncadd.s32 $0xFFFFF600  }
.Ltmp2:
0x38: {  	[bflag:$0x0] =	sbarrier.arrive $0xFFFF;
	(pc) =	sbr.rel @p0 .LBB2_1-.Ltmp2, $4  }
0x39: {  	[hbm:s6], [sflag:s5] =	dma.local [spmem:s9], $0x2780  }
0x3a: {  	_ =	swait.ge [sflag:s10], $0x2780  }
0x3b: {  	[sflag:s10] =	ssyncset.done $0x0  }
0x3c: {  	[sflag:s10] =	ssyncadd.s32 $0xFFFFD880  }
0x3d: {  	_ =	sfence.sel $0x180000  }
0x3e: {  	[bflag:$0x0] =	sbarrier.arrive $0xFFFF  }
0x3f: {  	p0 =	sne.s32 s0, $0x0;
	_ =	strace $0x90000047  }
0x40: {  	s0 =	sadd.s32 @!p0 $0x100000, s1;
	[bflag:$0x2] =	sbarrier.arrive $0xFFFF  }
0x41: {  	[sflag:s0] =	ssyncadd.tile.s32 @!p0 $0x1;
	_ =	shalt  }
.Lfunc_end2:
_tile_overlayer_lowered:
.L_overlay_start_2:
0x42: {  	(tag) =	ssettag $0x2  }
0x43: {  	s0 =	rddreg [dreg:$0x0];
	s2 =	stileid.u32  }
0x44: {  	s1 =	rddreg [dreg:$0x1];
	p0 =	sne.s32 s2, $0x0  }
0x45: {  	s3 =	rddreg [dreg:$0x2];
	[bflag:$0x3] =	sbarrier.arrive $0xFFFF;
	s2 =	simm.s32 @!p0 $0x1C01  }
0x46: {  	[timem:s3], [sflag:s2] =	dma.local @!p0 [hbm:s0], s1  }
0x47: {  	s0 =	simm.s32 @!p0 $0x1  }
0x48: {  	_ =	swait.ge @!p0 [sflag:s0], s1  }
0x49: {  	s1 =	ssub.s32 @!p0 $0x0, s1;
	[sflag:s0] =	ssyncset.done @!p0 $0x0  }
0x4a: {  	[sflag:s0] =	ssyncadd.s32 @!p0 s1  }
0x4b: {  	[bflag:$0x3] =	sbarrier.arrive $0xFFFF  }
0x4c: {  	_ =	shalt  }

// kernel: kernel.13.cloned.1.call-start
scs
__scs_entry_jumppad:
0x0: {  	(pc) =	sbr.rel $0x88, $3  }
0x1: {  	(tag) =	ssettag $0x0;
	lr =	simm.s32 $0x1  }
0x2: {  	[smem:$0x3F97] =	sst lr;
	_ =	strace $0xD0000000  }
0x3: {  	_ = 	snop  }
0x4: {  	_ = 	snop  }
0x5: {  	_ = 	snop  }
0x6: {  	_ = 	snop  }
0x7: {  	_ = 	snop  }
__scs_overlays_trampoline_lowered:
0x8: {  	[smem:$0x3FA6] =	sst s0  }
0x9: {  	[smem:$0x3FA7] =	sst s1  }
0xa: {  	[smem:$0x3FA8] =	sst s2  }
0xb: {  	[smem:$0x3FA9] =	sst s3  }
0xc: {  	[smem:$0x3FAA] =	sst s4  }
0xd: {  	[smem:$0x3FAB] =	sst s5  }
0xe: {  	[smem:$0x3FAC] =	sst s6  }
0xf: {  	[smem:$0x3FAD] =	sst s7  }
0x10: {  	[smem:$0x3FAE] =	sst s8  }
0x11: {  	[smem:$0x3FAF] =	sst s9;
	s0 =	simm.s32 @!p0 $0x0  }
0x12: {  	s1 =	sld [smem:$0x3F95];
	s0 =	simm.s32 @p0 $0x1  }
0x13: {  	[smem:$0x3FB0] =	sst s0;
	s0 =	simm.s32 @!p1 $0x0  }
0x14: {  	s2 =	sld [smem:$0x3F94];
	s0 =	simm.s32 @p1 $0x1  }
0x15: {  	[smem:$0x3FB1] =	sst s0;
	s0 =	simm.s32 @!p2 $0x0  }
0x16: {  	s3 =	sld [smem:$0x3FDB];
	s0 =	simm.s32 @p2 $0x1  }
0x17: {  	s4 =	simm.s32 $0x1BF5;
	[smem:$0x3FB3] =	sst s0  }
0x18: {  	s0 =	sld [smem:$0x3F96];
	_ =	swait.ge [sflag:s4], $0x0  }
0x19: {  	s7 =	sld [smem:$0x3F97]  }
0x1a: {  	s8 =	sadd.s32 $0xFFFFE003, lr  }
0x1b: {  	s9 =	sadd.s32 $0xFFFFFEF7, lr;
	s5 =	simm.s32 $0xFFFFFFFF;
	p2 =	slt.u32 s8, $0xFFFFF086  }
0x1c: {  	p1 =	slt.u32 s9, $0xF7A;
	s5 =	simm.s32 @!p2 $0x0  }
0x1d: {  	s5 =	simm.s32 @p1 $0x1;
	p0 =	seq.s32 s7, s2  }
0x1e: {  	s7 =	smul.u32 @!p0 $0xF7A, s2;
	p2 =	seq.s32 @!p0 s5, $0x0  }
0x1f: {  	s9 =	smul.u32 $0xF7A, s1;
	s8 =	simm.s32 @!p0 $0x1BF5;
	p2 =	por !p2, p0  }
0x20: {  	[sflag:s8] =	ssyncset.s32 @!p0 $0xFFFFF086;
	s6 =	sadd.s32 @!p0 s3, s7;
	s7 =	simm.s32 @!p0 $0x108  }
0x21: {  	s3 =	sadd.s32 s3, s9;
	s6 =	sadd.s32 @!p0 $0x88, s6;
	s7 =	simm.s32 @p2 $0x1082  }
0x22: {  	[simem:s7], [sflag:s8] =	dma.local @!p0 [hbm:s6], $0xF7A  }
0x23: {  	s9 =	sor.u32 $0xD0000000, s2;
	s6 =	simm.s32 $0x108;
	_ =	swait.ge @!p0 [sflag:s8], $0x0  }
0x24: {  	s3 =	sadd.s32 $0x88, s3;
	s6 =	simm.s32 @!p1 $0x1082;
	[sflag:s4] =	ssyncset.s32 $0xFFFFF086  }
0x25: {  	[simem:s6], [sflag:s4] =	dma.local [hbm:s3], $0xF7A  }
0x26: {  	[smem:$0x3F97] =	sst s1;
	(tag) =	ssettag s2;
	_ =	strace s9  }
0x27: {  	s1 =	sld [smem:$0x3FA7]  }
0x28: {  	s2 =	sld [smem:$0x3FA8]  }
0x29: {  	s4 =	sld [smem:$0x3FAA]  }
0x2a: {  	p0 =	seq.s32 s5, $0x0;
	s5 =	sld [smem:$0x3FAB]  }
0x2b: {  	s6 =	sld [smem:$0x3FAC]  }
0x2c: {  	s7 =	sld [smem:$0x3FAD]  }
0x2d: {  	s3 =	simm.s32 $0x108;
	s8 =	sld [smem:$0x3FAE]  }
0x2e: {  	s3 =	simm.s32 @!p0 $0x1082;
	s9 =	sld [smem:$0x3FAF]  }
0x2f: {  	lr =	sadd.s32 s0, s3;
	s0 =	sld [smem:$0x3FA6]  }
0x30: {  	s3 =	sld [smem:$0x3FA9]  }
0x31: {  	[smem:$0x3FB2] =	sst s10  }
0x32: {  	s10 =	sld [smem:$0x3FB0];
	_ =	sdelay $0x3  }
0x33: {  	p0 =	seq.s32 s10, $0x1;
	s10 =	sld [smem:$0x3FB2];
	_ =	sdelay $0x3  }
0x34: {  	[smem:$0x3FB2] =	sst s10  }
0x35: {  	s10 =	sld [smem:$0x3FB1];
	_ =	sdelay $0x3  }
0x36: {  	p1 =	seq.s32 s10, $0x1;
	s10 =	sld [smem:$0x3FB2];
	_ =	sdelay $0x3  }
0x37: {  	[smem:$0x3FB2] =	sst s10  }
0x38: {  	s10 =	sld [smem:$0x3FB3]  }
0x39: {  	_ = 	snop;
	(pc) =	sbr.ind lr, $3  }
0x3a: {  	_ = 	snop  }
0x3b: {  	_ = 	snop  }
0x3c: {  	p2 =	seq.s32 s10, $0x1;
	s10 =	sld [smem:$0x3FB2]  }
0x3d: {  	_ =	shalt  }
0x3e: {  	_ =	shalt  }
0x3f: {  	_ =	shalt  }
0x40: {  	_ =	shalt  }
0x41: {  	_ =	shalt  }
0x42: {  	_ =	shalt  }
0x43: {  	_ =	shalt  }
0x44: {  	_ =	shalt  }
0x45: {  	_ =	shalt  }
0x46: {  	_ =	shalt  }
0x47: {  	_ =	shalt  }
0x48: {  	_ =	shalt  }
0x49: {  	_ =	shalt  }
0x4a: {  	_ =	shalt  }
0x4b: {  	_ =	shalt  }
0x4c: {  	_ =	shalt  }
0x4d: {  	_ =	shalt  }
0x4e: {  	_ =	shalt  }
0x4f: {  	_ =	shalt  }
0x50: {  	_ =	shalt  }
0x51: {  	_ =	shalt  }
0x52: {  	_ =	shalt  }
0x53: {  	_ =	shalt  }
0x54: {  	_ =	shalt  }
0x55: {  	_ =	shalt  }
0x56: {  	_ =	shalt  }
0x57: {  	_ =	shalt  }
0x58: {  	_ =	shalt  }
0x59: {  	_ =	shalt  }
0x5a: {  	_ =	shalt  }
0x5b: {  	_ =	shalt  }
0x5c: {  	_ =	shalt  }
0x5d: {  	_ =	shalt  }
0x5e: {  	_ =	shalt  }
0x5f: {  	_ =	shalt  }
0x60: {  	_ =	shalt  }
0x61: {  	_ =	shalt  }
0x62: {  	_ =	shalt  }
0x63: {  	_ =	shalt  }
0x64: {  	_ =	shalt  }
0x65: {  	_ =	shalt  }
0x66: {  	_ =	shalt  }
0x67: {  	_ =	shalt  }
0x68: {  	_ =	shalt  }
0x69: {  	_ =	shalt  }
0x6a: {  	_ =	shalt  }
0x6b: {  	_ =	shalt  }
0x6c: {  	_ =	shalt  }
0x6d: {  	_ =	shalt  }
0x6e: {  	_ =	shalt  }
0x6f: {  	_ =	shalt  }
0x70: {  	_ =	shalt  }
0x71: {  	_ =	shalt  }
0x72: {  	_ =	shalt  }
0x73: {  	_ =	shalt  }
0x74: {  	_ =	shalt  }
0x75: {  	_ =	shalt  }
0x76: {  	_ =	shalt  }
0x77: {  	_ =	shalt  }
0x78: {  	_ =	shalt  }
0x79: {  	_ =	shalt  }
0x7a: {  	_ =	shalt  }
0x7b: {  	_ =	shalt  }
0x7c: {  	_ =	shalt  }
0x7d: {  	_ =	shalt  }
0x7e: {  	_ =	shalt  }
0x7f: {  	_ =	shalt  }
0x80: {  	_ =	shalt  }
0x81: {  	_ =	shalt  }
0x82: {  	_ =	shalt  }
0x83: {  	_ =	shalt  }
0x84: {  	_ =	shalt  }
0x85: {  	_ =	shalt  }
0x86: {  	_ =	shalt  }
0x87: {  	_ =	shalt  }
.Lfunc_end0:
.L_simem_size_0:
called_computation.1_lowered:
.L_overlay_start_0:
0x88: {  	s2 =	sld [smem:$0x3FD9]  }
0x89: {  	s3 =	sld [smem:$0x3FFE];
	_ =	sdelay $0x1  }
0x8a: {  	s1 =	srdreg.scid  }
0x8b: {  	s0 =	sand.u32 $0x1, s1  }
0x8c: {  	s16 =	sshll.u32 s0, $0xA;
	s2 =	sadd.s32 s3, s2  }
0x8d: {  	s2 =	sadd.s32 s2, s16  }
0x8e: {  	[smem:$0x3FBE] =	sst s2  }
0x8f: {  	_ = 	snop  }
0x90: {  	(tm) =	ssettm $0x1  }
0x91: {  	s17 =	sld [smem:$0x3FFB];
	_ =	sdelay $0x3  }
0x92: {  	_ =	strace s17  }
0x93: {  	s2 =	sld [smem:$0x3FFC];
	_ =	sdelay $0x3  }
0x94: {  	_ =	strace s2  }
0x95: {  	s2 =	sld [smem:$0x3FFD];
	_ =	sdelay $0x3  }
0x96: {  	_ =	strace s2  }
0x97: {  	_ =	strace $0x8FFFFFFF  }
0x98: {  	s18 =	sld [smem:$0x3FDB];
	_ =	sdelay $0x1  }
0x99: {  	s19 =	simm.s32 $_scs_section_size  }
0x9a: {  	s4 =	simm.s32 $_size__tile_overlayer_lowered;
	s5 =	simm.s32 $_tile_overlayer_lowered  }
0x9b: {  	s22 =	simm.s32 $0x1BFF;
	s21 =	sshll.u32 s5, $0x1;
	s2 =	sadd.s32 s19, s18  }
0x9c: {  	s6 =	simm.s32 $0x0;
	s20 =	sshll.u32 s4, $0x1;
	s4 =	sadd.s32 s21, s2  }
0x9d: {  	[timem:s6], [sflag:s22] =	dma.local [hbm:s4], s20  }
0x9e: {  	_ =	swait.ge [sflag:s22], s20  }
0x9f: {  	s3 =	ssub.s32 $0x0, s20;
	[sflag:s22] =	ssyncset.done $0x0  }
0xa0: {  	[sflag:s22] =	ssyncadd.s32 s3;
	_ =	sdelay $0x1  }
0xa1: {  	s23 =	simm.s32 $0x1B8B  }
0xa2: {  	_ =	swait.ge [sflag:s23], $0x1  }
0xa3: {  	[sflag:s23] =	ssyncset.done $0x0  }
0xa4: {  	s25 =	simm.s32 $0x1B8E;
	s24 =	sld [smem:$0x3FFE];
	[sflag:s23] =	ssyncadd.s32 $0xFFFFFFFF  }
0xa5: {  	s26 =	simm.s32 $execute0_lowered;
	[smem:$0x3FD2] =	sst s25  }
0xa6: {  	s4 =	sshll.u32 s26, $0x1;
	_ =	strace $0x80000049;
	[dreg:$0x1] =	wrdreg $0xFFFFFFFF  }
0xa7: {  	s28 =	simm.s32 $_size_execute0_lowered;
	s2 =	sadd.s32 s2, s4;
	[dreg:$0x0] =	wrdreg $0x0  }
0xa8: {  	s4 =	sshll.u32 s28, $0x1;
	[dreg:$0x2] =	wrdreg s2  }
0xa9: {  	[dreg:$0x3] =	wrdreg s4  }
0xaa: {  	[dreg:$0x4] =	wrdreg $0xC0  }
0xab: {  	_ =	task [dreg:s6], $0x5FFFF  }
0xac: {  	[dreg:$0x1] =	wrdreg $0xFFFFFFFF  }
0xad: {  	[dreg:$0x0] =	wrdreg $0x60  }
0xae: {  	[dreg:$0x2] =	wrdreg s24  }
0xaf: {  	[dreg:$0x3] =	wrdreg $0xB7800  }
0xb0: {  	[dreg:$0x4] =	wrdreg $0x9  }
0xb1: {  	_ =	task.clear_ibuf [dreg:s6], $0x5FFFF;
	_ =	strace $0x90000049  }
0xb2: {  	s29 =	simm.s32 $0x9;
	_ =	strace $0x8000004B  }
0xb3: {  	_ =	swait.ge [sflag:s29], $0x1  }
0xb4: {  	[sflag:s29] =	ssyncadd.s32 $0xFFFFFFFF  }
0xb5: {  	_ =	strace $0x9000004B  }
0xb6: {  	_ =	sfence  }
0xb7: {  	s30 =	sld [smem:$0x0];
	_ =	sdelay $0x2  }
0xb8: {  	s31 =	sshll.u32 s1, $0xD;
	s1 =	sshrl.u32 s1, $0x2  }
0xb9: {  	s3 =	sand.u32 $0x4000, s31;
	s1 =	sadd.s32 s1, s30  }
0xba: {  	s0 =	sor.u32 s3, s0;
	s1 =	sshll.u32 s1, $0x11  }
0xbb: {  	s0 =	sor.u32 s1, s0  }
0xbc: {  	s0 =	sadd.s32 $0x8F2B, s0  }
0xbd: {  	[sflag:s0] =	ssyncadd.remote.s32 $0x1  }
0xbe: {  	_ =	sfence.sel $0xFFFF  }
0xbf: {  	[dreg:$0x0] =	wrdreg $0xFFFFFFFF;
	(pc) =	sbr.abs _section_cstart, $3  }
0xc0: {  	[dreg:$0x1] =	wrdreg $0xFFFFFFFF  }
0xc1: {  	_ =	task.clear_ibuf [dreg:s6], $0x2FFFF;
	_ =	strace $0x9FFFFFFF  }
0xc2: {  	(tm) =	ssettm $0x7FFFFFFF  }
0xc3: {  	_ =	shalt  }
tec
execute0_lowered:
.L_overlay_start_1:
0x0: {  	(tag) =	ssettag $0x1  }
0x1: {  	s0 =	srdreg.scid;
	s1 =	rddreg [dreg:$0x0]  }
0x2: {  	s13 =	stileid.u32;
	s2 =	rddreg [dreg:$0x1]  }
0x3: {  	s17 =	simm.s32 $0x7;
	s18 =	simm.s32 $0x1;
	s6 =	smul.u32 $0x13C00, s13  }
0x4: {  	s28 =	simm.s32 $0x2;
	s29 =	simm.s32 $0x6;
	s11 =	smul.u32 $0x4F000, s13  }
0x5: {  	s31 =	simm.s32 $0x6580;
	s0 =	sand.u32 $0x1, s0;
	s12 =	smul.u32 $0x4E20, s13  }
0x6: {  	s3 =	sshll.u32 s13, $0x1;
	s5 =	sadd.s32 $0x16A00, s1;
	s7 =	smul.u32 $0x13C000, s0  }
0x7: {  	s4 =	sor.u32 s0, s3;
	s19 =	ssub.s32 $0x2, s0;
	s0 =	smul.u32 $0x2710, s0  }
0x8: {  	s23 =	sshll.u32 s13, $0x6;
	s3 =	simm.s32 $0x0;
	s4 =	smul.u32 $0x2710, s4  }
0x9: {  	[smem:$0x7FF] =	sst s3;
	s10 =	sshrl.u32 s6, $0x3;
	s20 =	sshrl.u32 s19, $0x1  }
0xa: {  	s21 =	sshrl.u32 s11, $0x2;
	_ =	strace $0x8000004A;
	s10 =	sadd.s32 s10, s1  }
0xb: {  	s6 =	sadd.s32 s6, s7;
	s16 =	sadd.s32 s21, s2;
	s0 =	sadd.s32 s0, s12  }
0xc: {  	s21 =	simm.s32 $0x6780;
	s8 =	sshrl.u32 s4, $0x3;
	s4 =	sadd.s32 $0x2E00, s1  }
0xd: {  	s6 =	sshrl.u32 s6, $0x3;
	s22 =	sadd.s32 $0x3DC00, s10;
	s25 =	sadd.s32 $0xF0, s0  }
0xe: {  	s14 =	sadd.s32 $0xA0, s0;
	s16 =	sshrl.u32 s16, $0x3;
	s9 =	sadd.s32 s8, s1  }
0xf: {  	s1 =	sadd.s32 s6, s1;
	s6 =	ssub.s32 s19, s20;
	[dreg:$0x4] =	wrdreg s22  }
0x10: {  	s8 =	sadd.s32 s4, s8;
	s30 =	sshrl.u32 s25, $0x3;
	s20 =	simm.s32 $0x50  }
0x11: {  	s25 =	simm.s32 $0x5;
	s19 =	simm.s32 $0x0;
	s9 =	sadd.s32 $0xCC00, s9  }
0x12: {  	s24 =	sadd.s32 $0xA, s8;
	s26 =	sadd.s32 $0x4D8, s8;
	[dreg:$0x3] =	wrdreg s9  }
0x13: {  	s12 =	sadd.s32 $0x65400, s1;
	s13 =	smax.u32 s6, $0x1;
	[dreg:$0x5] =	wrdreg s24  }
0x14: {  	s15 =	sadd.s32 s30, s4;
	s9 =	sor.u32 $0x1C07, s23;
	[dreg:$0x6] =	wrdreg s26  }
0x15: {  	s23 =	simm.s32 $0x8F80;
	s24 =	simm.s32 $0x3;
	s26 =	simm.s32 $0x4  }
.LBB2_1:
0x16: {  	s0 =	rddreg [dreg:$0x3]  }
0x17: {  	s10 =	rddreg [dreg:$0x4]  }
0x18: {  	[tilespmem:s3], [sflag:$0x1] =	stream.linear.gather [hbm4b:s0+s3], $0x2710, $0x38;
	[tilespmem:$0x1F380] =	vst v63  }
0x19: {  	[spmem:s16], [sflag:s9] =	dma.local [hbm:s10], $0x2780  }
0x1a: {  	_ =	swait.ge [sflag:s17], $0x2780  }
0x1b: {  	[sflag:s17] =	ssyncset.done $0x0  }
0x1c: {  	[sflag:s17] =	ssyncadd.s32 $0xFFFFD880  }
0x1d: {  	[bflag:$0x0] =	sbarrier.arrive $0xFFFF  }
0x1e: {  	_ =	swait.ge [sflag:s18], $0x2710  }
0x1f: {  	[sflag:s18] =	ssyncset.done $0x0  }
0x20: {  	s11 =	simm.s32 $0x2780;
	[sflag:s18] =	ssyncadd.s32 $0xFFFFD8F0  }
0x21: {  	[tilespmem:s11], [sflag:$0x1] =	stream.linear.gather [hbm4b:s8+s3], $0x50, $0x38;
	[tilespmem:$0x1F380] =	vst v63  }
0x22: {  	_ = 	snop  }
0x23: {  	[tilespmem:s21], [sflag:$0x3] =	stream.indirect.gather [hbm4b:s5+s20], $0x80, s3, s20, $0xb8;
	[tilespmem:$0x1F380] =	vst v63  }
0x24: {  	s1 =	simm.s32 $0x2800;
	s22 =	rddreg [dreg:$0x5]  }
0x25: {  	[tilespmem:s1], [sflag:$0x2] =	stream.linear.gather [hbm4b:s22+s3], $0x50, $0x38;
	[tilespmem:$0x1F380] =	vst v63  }
0x26: {  	_ = 	snop  }
0x27: {  	[tilespmem:s23], [sflag:$0x4] =	stream.indirect.gather [hbm4b:s5+s20], $0x80, s20, s20, $0xb8;
	[tilespmem:$0x1F380] =	vst v63  }
0x28: {  	_ =	swait.ge [sflag:s24], $0x2800  }
0x29: {  	[sflag:s24] =	ssyncset.done $0x0  }
0x2a: {  	[sflag:s24] =	ssyncadd.s32 $0xFFFFD800  }
0x2b: {  	_ =	swait.ge [sflag:s18], $0x50  }
0x2c: {  	[sflag:s18] =	ssyncset.done $0x0  }
0x2d: {  	s1 =	simm.s32 $0x2780;
	[sflag:s18] =	ssyncadd.s32 $0xFFFFFFB0  }
0x2e: {  	[spmem:s2] =	stream.indirect.scatter.add.f32 [tilespmem:s21], [sflag:$0x5], $0x80, s1, s20, $0xb8;
	[tilespmem:$0x1F380] =	vst v63  }
0x2f: {  	_ =	swait.ge [sflag:s25], $0x2800  }
0x30: {  	s6 =	sshrl.u32 s14, $0x3;
	[sflag:s25] =	ssyncset.done $0x0  }
0x31: {  	s7 =	simm.s32 $0x2880;
	s0 =	sadd.s32 s4, s6;
	[sflag:s25] =	ssyncadd.s32 $0xFFFFD800  }
0x32: {  	[tilespmem:s7], [sflag:$0x1] =	stream.linear.gather [hbm4b:s0+s3], $0x50, $0x38;
	[tilespmem:$0x1F380] =	vst v63  }
0x33: {  	s10 =	simm.s32 $0xA0  }
0x34: {  	[tilespmem:s21], [sflag:$0x3] =	stream.indirect.gather [hbm4b:s5+s20], $0x80, s10, s20, $0xb8;
	[tilespmem:$0x1F380] =	vst v63  }
0x35: {  	_ =	swait.ge [sflag:s26], $0x2800  }
0x36: {  	[sflag:s26] =	ssyncset.done $0x0  }
0x37: {  	[sflag:s26] =	ssyncadd.s32 $0xFFFFD800  }
0x38: {  	_ =	swait.ge [sflag:s28], $0x50  }
0x39: {  	[sflag:s28] =	ssyncset.done $0x0  }
0x3a: {  	s11 =	simm.s32 $0x2800;
	[sflag:s28] =	ssyncadd.s32 $0xFFFFFFB0  }
0x3b: {  	[spmem:s2] =	stream.indirect.scatter.add.f32 [tilespmem:s23], [sflag:$0x6], $0x80, s11, s20, $0xb8;
	[tilespmem:$0x1F380] =	vst v63  }
0x3c: {  	_ =	swait.ge [sflag:s29], $0x2800  }
0x3d: {  	s30 =	sadd.s32 $0x14, s15;
	[sflag:s29] =	ssyncset.done $0x0  }
0x3e: {  	s6 =	simm.s32 $0xF0;
	s22 =	simm.s32 $0x2900;
	[sflag:s29] =	ssyncadd.s32 $0xFFFFD800  }
0x3f: {  	[tilespmem:s22], [sflag:$0x2] =	stream.linear.gather [hbm4b:s15+s3], $0x50, $0x38;
	[tilespmem:$0x1F380] =	vst v63  }
0x40: {  	s1 =	simm.s32 $0x140;
	s0 =	sadd.s32 $0xA0, s14;
	s22 =	simm.s32 $0x400  }
.LBB2_2:
0x41: {  	[tilespmem:s23], [sflag:$0x4] =	stream.indirect.gather [hbm4b:s5+s20], $0x80, s6, s20, $0xb8;
	[tilespmem:$0x1F380] =	vst v63  }
0x42: {  	s6 =	smov.u32 s22;
	s7 =	smov.u32 s30  }
0x43: {  	p0 =	sne.s32 s22, $0xF000;
	s22 =	sadd.s32 $0x400, s22;
	_ =	swait.ge [sflag:s24], $0x2800  }
0x44: {  	[sflag:s24] =	ssyncset.done $0x0  }
0x45: {  	[sflag:s24] =	ssyncadd.s32 $0xFFFFD800  }
0x46: {  	_ =	swait.ge [sflag:s18], $0x50  }
0x47: {  	s6 =	sshra.s32 s6, $0x2;
	[sflag:s18] =	ssyncset.done $0x0  }
0x48: {  	s10 =	sadd.s32 $0x2780, s6;
	[sflag:s18] =	ssyncadd.s32 $0xFFFFFFB0  }
0x49: {  	[spmem:s2] =	stream.indirect.scatter.add.f32 [tilespmem:s21], [sflag:$0x5], $0x80, s10, s20, $0xb8;
	[tilespmem:$0x1F380] =	vst v63  }
0x4a: {  	_ =	swait.ge [sflag:s25], $0x2800  }
0x4b: {  	s10 =	sshrl.u32 s0, $0x3;
	[sflag:s25] =	ssyncset.done $0x0  }
0x4c: {  	s11 =	sadd.s32 $0x2880, s6;
	s10 =	sadd.s32 s4, s10;
	[sflag:s25] =	ssyncadd.s32 $0xFFFFD800  }
0x4d: {  	[tilespmem:s11], [sflag:$0x1] =	stream.linear.gather [hbm4b:s10+s3], $0x50, $0x38;
	[tilespmem:$0x1F380] =	vst v63  }
0x4e: {  	_ = 	snop  }
0x4f: {  	[tilespmem:s21], [sflag:$0x3] =	stream.indirect.gather [hbm4b:s5+s20], $0x80, s1, s20, $0xb8;
	[tilespmem:$0x1F380] =	vst v63  }
0x50: {  	_ =	swait.ge [sflag:s26], $0x2800  }
0x51: {  	[sflag:s26] =	ssyncset.done $0x0  }
0x52: {  	[sflag:s26] =	ssyncadd.s32 $0xFFFFD800  }
0x53: {  	_ =	swait.ge [sflag:s28], $0x50  }
0x54: {  	[sflag:s28] =	ssyncset.done $0x0  }
0x55: {  	s10 =	sadd.s32 $0x2800, s6;
	[sflag:s28] =	ssyncadd.s32 $0xFFFFFFB0  }
0x56: {  	[spmem:s2] =	stream.indirect.scatter.add.f32 [tilespmem:s23], [sflag:$0x6], $0x80, s10, s20, $0xb8;
	[tilespmem:$0x1F380] =	vst v63  }
.Ltmp0:
0x57: {  	_ =	swait.ge [sflag:s29], $0x2800;
	(pc) =	sbr.rel @p0 .LBB2_2-.Ltmp0, $4  }
0x58: {  	[sflag:s29] =	ssyncset.done $0x0  }
0x59: {  	s30 =	sadd.s32 $0x14, s30;
	s6 =	sadd.s32 $0x2900, s6;
	[sflag:s29] =	ssyncadd.s32 $0xFFFFD800  }
0x5a: {  	[tilespmem:s6], [sflag:$0x2] =	stream.linear.gather [hbm4b:s7+s3], $0x50, $0x38;
	[tilespmem:$0x1F380] =	vst v63  }
0x5b: {  	s0 =	sadd.s32 $0xA0, s0;
	s6 =	sadd.s32 $0x50, s1;
	s1 =	sadd.s32 $0xA0, s1  }
0x5c: {  	[tilespmem:s23], [sflag:$0x4] =	stream.indirect.gather [hbm4b:s5+s20], $0x80, s6, s20, $0xb8;
	[tilespmem:$0x1F380] =	vst v63  }
0x5d: {  	_ =	swait.ge [sflag:s24], $0x2800  }
0x5e: {  	[sflag:s24] =	ssyncset.done $0x0  }
0x5f: {  	[sflag:s24] =	ssyncadd.s32 $0xFFFFD800  }
0x60: {  	_ =	swait.ge [sflag:s18], $0x50  }
0x61: {  	[sflag:s18] =	ssyncset.done $0x0  }
0x62: {  	s0 =	simm.s32 $0x6480;
	[sflag:s18] =	ssyncadd.s32 $0xFFFFFFB0  }
0x63: {  	[spmem:s2] =	stream.indirect.scatter.add.f32 [tilespmem:s21], [sflag:$0x5], $0x80, s0, s20, $0xb8;
	[tilespmem:$0x1F380] =	vst v63  }
0x64: {  	_ =	swait.ge [sflag:s25], $0x2800  }
0x65: {  	[sflag:s25] =	ssyncset.done $0x0  }
0x66: {  	s11 =	rddreg [dreg:$0x6];
	[sflag:s25] =	ssyncadd.s32 $0xFFFFD800  }
0x67: {  	[tilespmem:s31], [sflag:$0x1] =	stream.linear.gather [hbm4b:s11+s3], $0x50, $0x38;
	[tilespmem:$0x1F380] =	vst v63  }
0x68: {  	s22 =	simm.s32 $0x26C0  }
0x69: {  	[tilespmem:s21], [sflag:$0x3] =	stream.indirect.gather [hbm4b:s5+s20], $0x80, s22, s20, $0xb8;
	[tilespmem:$0x1F380] =	vst v63  }
0x6a: {  	_ =	swait.ge [sflag:s26], $0x2800  }
0x6b: {  	[sflag:s26] =	ssyncset.done $0x0  }
0x6c: {  	[sflag:s26] =	ssyncadd.s32 $0xFFFFD800  }
0x6d: {  	_ =	swait.ge [sflag:s28], $0x50  }
0x6e: {  	[sflag:s28] =	ssyncset.done $0x0  }
0x6f: {  	s30 =	simm.s32 $0x6500;
	[sflag:s28] =	ssyncadd.s32 $0xFFFFFFB0  }
0x70: {  	[spmem:s2] =	stream.indirect.scatter.add.f32 [tilespmem:s23], [sflag:$0x6], $0x80, s30, s20, $0xb8;
	[tilespmem:$0x1F380] =	vst v63  }
0x71: {  	_ =	swait.ge [sflag:s24], $0x2800  }
0x72: {  	[sflag:s24] =	ssyncset.done $0x0  }
0x73: {  	[sflag:s24] =	ssyncadd.s32 $0xFFFFD800  }
0x74: {  	_ =	swait.ge [sflag:s18], $0x50  }
0x75: {  	[sflag:s18] =	ssyncset.done $0x0  }
0x76: {  	[sflag:s18] =	ssyncadd.s32 $0xFFFFFFB0  }
0x77: {  	[spmem:s2] =	stream.indirect.scatter.add.f32 [tilespmem:s21], [sflag:$0x5], $0x80, s31, s20, $0xb8;
	[tilespmem:$0x1F380] =	vst v63  }
0x78: {  	_ =	swait.ge [sflag:s29], $0x2800  }
0x79: {  	[sflag:s29] =	ssyncset.done $0x0  }
0x7a: {  	[sflag:s29] =	ssyncadd.s32 $0xFFFFD800  }
0x7b: {  	_ =	swait.ge [sflag:s25], $0x2800  }
0x7c: {  	s19 =	sadd.s32 $0x1, s19;
	[sflag:s25] =	ssyncset.done $0x0  }
0x7d: {  	p0 =	sne.s32 s19, s13;
	[sflag:s25] =	ssyncadd.s32 $0xFFFFD800  }
.Ltmp1:
0x7e: {  	[bflag:$0x0] =	sbarrier.arrive $0xFFFF;
	(pc) =	sbr.rel @p0 .LBB2_1-.Ltmp1, $4  }
0x7f: {  	[hbm:s12], [sflag:s9] =	dma.local [spmem:s16], $0x2780  }
0x80: {  	_ =	swait.ge [sflag:s17], $0x2780  }
0x81: {  	[sflag:s17] =	ssyncset.done $0x0  }
0x82: {  	[sflag:s17] =	ssyncadd.s32 $0xFFFFD880  }
0x83: {  	_ =	sfence.sel $0x180000  }
0x84: {  	[bflag:$0x0] =	sbarrier.arrive $0xFFFF  }
0x85: {  	_ =	strace $0x9000004A  }
0x86: {  	s0 =	stileid.u32;
	[bflag:$0x2] =	sbarrier.arrive $0xFFFF  }
0x87: {  	p0 =	sne.s32 s0, $0x0;
	s0 =	rddreg [dreg:$0x2]  }
0x88: {  	s0 =	sadd.s32 @!p0 $0x100000, s0  }
0x89: {  	[sflag:s0] =	ssyncadd.tile.s32 @!p0 $0x1;
	_ =	shalt  }
.Lfunc_end2:
_tile_overlayer_lowered:
.L_overlay_start_2:
0x8a: {  	(tag) =	ssettag $0x2  }
0x8b: {  	s0 =	rddreg [dreg:$0x0];
	s2 =	stileid.u32  }
0x8c: {  	s1 =	rddreg [dreg:$0x1];
	p0 =	sne.s32 s2, $0x0  }
0x8d: {  	s3 =	rddreg [dreg:$0x2];
	[bflag:$0x3] =	sbarrier.arrive $0xFFFF;
	s2 =	simm.s32 @!p0 $0x1C07  }
0x8e: {  	[timem:s3], [sflag:s2] =	dma.local @!p0 [hbm:s0], s1  }
0x8f: {  	s0 =	simm.s32 @!p0 $0x7  }
0x90: {  	_ =	swait.ge @!p0 [sflag:s0], s1  }
0x91: {  	s1 =	ssub.s32 @!p0 $0x0, s1;
	[sflag:s0] =	ssyncset.done @!p0 $0x0  }
0x92: {  	[sflag:s0] =	ssyncadd.s32 @!p0 s1  }
0x93: {  	[bflag:$0x3] =	sbarrier.arrive $0xFFFF  }
0x94: {  	_ =	shalt  }

// kernel: kernel.16.cloned.1.call-start
scs
__scs_entry_jumppad:
0x0: {  	(pc) =	sbr.rel $0x88, $3  }
0x1: {  	(tag) =	ssettag $0x0;
	lr =	simm.s32 $0x1  }
0x2: {  	[smem:$0x3F97] =	sst lr;
	_ =	strace $0xD0000000  }
0x3: {  	_ = 	snop  }
0x4: {  	_ = 	snop  }
0x5: {  	_ = 	snop  }
0x6: {  	_ = 	snop  }
0x7: {  	_ = 	snop  }
__scs_overlays_trampoline_lowered:
0x8: {  	[smem:$0x3FA6] =	sst s0  }
0x9: {  	[smem:$0x3FA7] =	sst s1  }
0xa: {  	[smem:$0x3FA8] =	sst s2  }
0xb: {  	[smem:$0x3FA9] =	sst s3  }
0xc: {  	[smem:$0x3FAA] =	sst s4  }
0xd: {  	[smem:$0x3FAB] =	sst s5  }
0xe: {  	[smem:$0x3FAC] =	sst s6  }
0xf: {  	[smem:$0x3FAD] =	sst s7  }
0x10: {  	[smem:$0x3FAE] =	sst s8  }
0x11: {  	[smem:$0x3FAF] =	sst s9;
	s0 =	simm.s32 @!p0 $0x0  }
0x12: {  	s1 =	sld [smem:$0x3F95];
	s0 =	simm.s32 @p0 $0x1  }
0x13: {  	[smem:$0x3FB0] =	sst s0;
	s0 =	simm.s32 @!p1 $0x0  }
0x14: {  	s2 =	sld [smem:$0x3F94];
	s0 =	simm.s32 @p1 $0x1  }
0x15: {  	[smem:$0x3FB1] =	sst s0;
	s0 =	simm.s32 @!p2 $0x0  }
0x16: {  	s3 =	sld [smem:$0x3FDB];
	s0 =	simm.s32 @p2 $0x1  }
0x17: {  	s4 =	simm.s32 $0x1BF5;
	[smem:$0x3FB3] =	sst s0  }
0x18: {  	s0 =	sld [smem:$0x3F96];
	_ =	swait.ge [sflag:s4], $0x0  }
0x19: {  	s7 =	sld [smem:$0x3F97]  }
0x1a: {  	s8 =	sadd.s32 $0xFFFFE003, lr  }
0x1b: {  	s9 =	sadd.s32 $0xFFFFFEF7, lr;
	s5 =	simm.s32 $0xFFFFFFFF;
	p2 =	slt.u32 s8, $0xFFFFF086  }
0x1c: {  	p1 =	slt.u32 s9, $0xF7A;
	s5 =	simm.s32 @!p2 $0x0  }
0x1d: {  	s5 =	simm.s32 @p1 $0x1;
	p0 =	seq.s32 s7, s2  }
0x1e: {  	s7 =	smul.u32 @!p0 $0xF7A, s2;
	p2 =	seq.s32 @!p0 s5, $0x0  }
0x1f: {  	s9 =	smul.u32 $0xF7A, s1;
	s8 =	simm.s32 @!p0 $0x1BF5;
	p2 =	por !p2, p0  }
0x20: {  	[sflag:s8] =	ssyncset.s32 @!p0 $0xFFFFF086;
	s6 =	sadd.s32 @!p0 s3, s7;
	s7 =	simm.s32 @!p0 $0x108  }
0x21: {  	s3 =	sadd.s32 s3, s9;
	s6 =	sadd.s32 @!p0 $0x88, s6;
	s7 =	simm.s32 @p2 $0x1082  }
0x22: {  	[simem:s7], [sflag:s8] =	dma.local @!p0 [hbm:s6], $0xF7A  }
0x23: {  	s9 =	sor.u32 $0xD0000000, s2;
	s6 =	simm.s32 $0x108;
	_ =	swait.ge @!p0 [sflag:s8], $0x0  }
0x24: {  	s3 =	sadd.s32 $0x88, s3;
	s6 =	simm.s32 @!p1 $0x1082;
	[sflag:s4] =	ssyncset.s32 $0xFFFFF086  }
0x25: {  	[simem:s6], [sflag:s4] =	dma.local [hbm:s3], $0xF7A  }
0x26: {  	[smem:$0x3F97] =	sst s1;
	(tag) =	ssettag s2;
	_ =	strace s9  }
0x27: {  	s1 =	sld [smem:$0x3FA7]  }
0x28: {  	s2 =	sld [smem:$0x3FA8]  }
0x29: {  	s4 =	sld [smem:$0x3FAA]  }
0x2a: {  	p0 =	seq.s32 s5, $0x0;
	s5 =	sld [smem:$0x3FAB]  }
0x2b: {  	s6 =	sld [smem:$0x3FAC]  }
0x2c: {  	s7 =	sld [smem:$0x3FAD]  }
0x2d: {  	s3 =	simm.s32 $0x108;
	s8 =	sld [smem:$0x3FAE]  }
0x2e: {  	s3 =	simm.s32 @!p0 $0x1082;
	s9 =	sld [smem:$0x3FAF]  }
0x2f: {  	lr =	sadd.s32 s0, s3;
	s0 =	sld [smem:$0x3FA6]  }
0x30: {  	s3 =	sld [smem:$0x3FA9]  }
0x31: {  	[smem:$0x3FB2] =	sst s10  }
0x32: {  	s10 =	sld [smem:$0x3FB0];
	_ =	sdelay $0x3  }
0x33: {  	p0 =	seq.s32 s10, $0x1;
	s10 =	sld [smem:$0x3FB2];
	_ =	sdelay $0x3  }
0x34: {  	[smem:$0x3FB2] =	sst s10  }
0x35: {  	s10 =	sld [smem:$0x3FB1];
	_ =	sdelay $0x3  }
0x36: {  	p1 =	seq.s32 s10, $0x1;
	s10 =	sld [smem:$0x3FB2];
	_ =	sdelay $0x3  }
0x37: {  	[smem:$0x3FB2] =	sst s10  }
0x38: {  	s10 =	sld [smem:$0x3FB3]  }
0x39: {  	_ = 	snop;
	(pc) =	sbr.ind lr, $3  }
0x3a: {  	_ = 	snop  }
0x3b: {  	_ = 	snop  }
0x3c: {  	p2 =	seq.s32 s10, $0x1;
	s10 =	sld [smem:$0x3FB2]  }
0x3d: {  	_ =	shalt  }
0x3e: {  	_ =	shalt  }
0x3f: {  	_ =	shalt  }
0x40: {  	_ =	shalt  }
0x41: {  	_ =	shalt  }
0x42: {  	_ =	shalt  }
0x43: {  	_ =	shalt  }
0x44: {  	_ =	shalt  }
0x45: {  	_ =	shalt  }
0x46: {  	_ =	shalt  }
0x47: {  	_ =	shalt  }
0x48: {  	_ =	shalt  }
0x49: {  	_ =	shalt  }
0x4a: {  	_ =	shalt  }
0x4b: {  	_ =	shalt  }
0x4c: {  	_ =	shalt  }
0x4d: {  	_ =	shalt  }
0x4e: {  	_ =	shalt  }
0x4f: {  	_ =	shalt  }
0x50: {  	_ =	shalt  }
0x51: {  	_ =	shalt  }
0x52: {  	_ =	shalt  }
0x53: {  	_ =	shalt  }
0x54: {  	_ =	shalt  }
0x55: {  	_ =	shalt  }
0x56: {  	_ =	shalt  }
0x57: {  	_ =	shalt  }
0x58: {  	_ =	shalt  }
0x59: {  	_ =	shalt  }
0x5a: {  	_ =	shalt  }
0x5b: {  	_ =	shalt  }
0x5c: {  	_ =	shalt  }
0x5d: {  	_ =	shalt  }
0x5e: {  	_ =	shalt  }
0x5f: {  	_ =	shalt  }
0x60: {  	_ =	shalt  }
0x61: {  	_ =	shalt  }
0x62: {  	_ =	shalt  }
0x63: {  	_ =	shalt  }
0x64: {  	_ =	shalt  }
0x65: {  	_ =	shalt  }
0x66: {  	_ =	shalt  }
0x67: {  	_ =	shalt  }
0x68: {  	_ =	shalt  }
0x69: {  	_ =	shalt  }
0x6a: {  	_ =	shalt  }
0x6b: {  	_ =	shalt  }
0x6c: {  	_ =	shalt  }
0x6d: {  	_ =	shalt  }
0x6e: {  	_ =	shalt  }
0x6f: {  	_ =	shalt  }
0x70: {  	_ =	shalt  }
0x71: {  	_ =	shalt  }
0x72: {  	_ =	shalt  }
0x73: {  	_ =	shalt  }
0x74: {  	_ =	shalt  }
0x75: {  	_ =	shalt  }
0x76: {  	_ =	shalt  }
0x77: {  	_ =	shalt  }
0x78: {  	_ =	shalt  }
0x79: {  	_ =	shalt  }
0x7a: {  	_ =	shalt  }
0x7b: {  	_ =	shalt  }
0x7c: {  	_ =	shalt  }
0x7d: {  	_ =	shalt  }
0x7e: {  	_ =	shalt  }
0x7f: {  	_ =	shalt  }
0x80: {  	_ =	shalt  }
0x81: {  	_ =	shalt  }
0x82: {  	_ =	shalt  }
0x83: {  	_ =	shalt  }
0x84: {  	_ =	shalt  }
0x85: {  	_ =	shalt  }
0x86: {  	_ =	shalt  }
0x87: {  	_ =	shalt  }
.Lfunc_end0:
.L_simem_size_0:
called_computation.2_lowered:
.L_overlay_start_0:
0x88: {  	s2 =	sld [smem:$0x3FD9]  }
0x89: {  	s3 =	sld [smem:$0x3FFE];
	_ =	sdelay $0x1  }
0x8a: {  	s1 =	srdreg.scid  }
0x8b: {  	s0 =	sand.u32 $0x1, s1  }
0x8c: {  	s16 =	sshll.u32 s0, $0xA;
	s2 =	sadd.s32 s3, s2  }
0x8d: {  	s2 =	sadd.s32 s2, s16  }
0x8e: {  	[smem:$0x3FBE] =	sst s2  }
0x8f: {  	_ = 	snop  }
0x90: {  	(tm) =	ssettm $0x1  }
0x91: {  	s17 =	sld [smem:$0x3FFB];
	_ =	sdelay $0x3  }
0x92: {  	_ =	strace s17  }
0x93: {  	s2 =	sld [smem:$0x3FFC];
	_ =	sdelay $0x3  }
0x94: {  	_ =	strace s2  }
0x95: {  	s2 =	sld [smem:$0x3FFD];
	_ =	sdelay $0x3  }
0x96: {  	_ =	strace s2  }
0x97: {  	_ =	strace $0x8FFFFFFF  }
0x98: {  	s18 =	sld [smem:$0x3FDB];
	_ =	sdelay $0x1  }
0x99: {  	s19 =	simm.s32 $_scs_section_size  }
0x9a: {  	s4 =	simm.s32 $_size__tile_overlayer_lowered;
	s5 =	simm.s32 $_tile_overlayer_lowered  }
0x9b: {  	s22 =	simm.s32 $0x1BFF;
	s21 =	sshll.u32 s5, $0x1;
	s2 =	sadd.s32 s19, s18  }
0x9c: {  	s6 =	simm.s32 $0x0;
	s20 =	sshll.u32 s4, $0x1;
	s4 =	sadd.s32 s21, s2  }
0x9d: {  	[timem:s6], [sflag:s22] =	dma.local [hbm:s4], s20  }
0x9e: {  	_ =	swait.ge [sflag:s22], s20  }
0x9f: {  	s3 =	ssub.s32 $0x0, s20;
	[sflag:s22] =	ssyncset.done $0x0  }
0xa0: {  	[sflag:s22] =	ssyncadd.s32 s3;
	_ =	sdelay $0x1  }
0xa1: {  	s23 =	simm.s32 $0x1B8B  }
0xa2: {  	_ =	swait.ge [sflag:s23], $0x1  }
0xa3: {  	[sflag:s23] =	ssyncset.done $0x0  }
0xa4: {  	s25 =	simm.s32 $0x1B8E;
	s24 =	sld [smem:$0x3FFE];
	[sflag:s23] =	ssyncadd.s32 $0xFFFFFFFF  }
0xa5: {  	s26 =	simm.s32 $execute0_lowered;
	[smem:$0x3FD2] =	sst s25  }
0xa6: {  	s4 =	sshll.u32 s26, $0x1;
	_ =	strace $0x8000004C;
	[dreg:$0x1] =	wrdreg $0xFFFFFFFF  }
0xa7: {  	s28 =	simm.s32 $_size_execute0_lowered;
	s2 =	sadd.s32 s2, s4;
	[dreg:$0x0] =	wrdreg $0x0  }
0xa8: {  	s4 =	sshll.u32 s28, $0x1;
	[dreg:$0x2] =	wrdreg s2  }
0xa9: {  	[dreg:$0x3] =	wrdreg s4  }
0xaa: {  	[dreg:$0x4] =	wrdreg $0xC0  }
0xab: {  	_ =	task [dreg:s6], $0x5FFFF  }
0xac: {  	[dreg:$0x1] =	wrdreg $0xFFFFFFFF  }
0xad: {  	[dreg:$0x0] =	wrdreg $0x60  }
0xae: {  	[dreg:$0x2] =	wrdreg s24  }
0xaf: {  	[dreg:$0x3] =	wrdreg $0xB7800  }
0xb0: {  	[dreg:$0x4] =	wrdreg $0x9  }
0xb1: {  	_ =	task.clear_ibuf [dreg:s6], $0x5FFFF;
	_ =	strace $0x9000004C  }
0xb2: {  	s29 =	simm.s32 $0x9;
	_ =	strace $0x8000004E  }
0xb3: {  	_ =	swait.ge [sflag:s29], $0x1  }
0xb4: {  	[sflag:s29] =	ssyncadd.s32 $0xFFFFFFFF  }
0xb5: {  	_ =	strace $0x9000004E  }
0xb6: {  	_ =	sfence  }
0xb7: {  	s30 =	sld [smem:$0x0];
	_ =	sdelay $0x2  }
0xb8: {  	s31 =	sshll.u32 s1, $0xD;
	s1 =	sshrl.u32 s1, $0x2  }
0xb9: {  	s3 =	sand.u32 $0x4000, s31;
	s1 =	sadd.s32 s1, s30  }
0xba: {  	s0 =	sor.u32 s3, s0;
	s1 =	sshll.u32 s1, $0x11  }
0xbb: {  	s0 =	sor.u32 s1, s0  }
0xbc: {  	s0 =	sadd.s32 $0x8F2B, s0  }
0xbd: {  	[sflag:s0] =	ssyncadd.remote.s32 $0x1  }
0xbe: {  	_ =	sfence.sel $0xFFFF  }
0xbf: {  	[dreg:$0x0] =	wrdreg $0xFFFFFFFF;
	(pc) =	sbr.abs _section_cstart, $3  }
0xc0: {  	[dreg:$0x1] =	wrdreg $0xFFFFFFFF  }
0xc1: {  	_ =	task.clear_ibuf [dreg:s6], $0x2FFFF;
	_ =	strace $0x9FFFFFFF  }
0xc2: {  	(tm) =	ssettm $0x7FFFFFFF  }
0xc3: {  	_ =	shalt  }
tec
execute0_lowered:
.L_overlay_start_1:
0x0: {  	(tag) =	ssettag $0x1  }
0x1: {  	s0 =	srdreg.scid;
	s1 =	rddreg [dreg:$0x0]  }
0x2: {  	s13 =	stileid.u32;
	s2 =	rddreg [dreg:$0x1]  }
0x3: {  	s17 =	simm.s32 $0x7;
	s18 =	simm.s32 $0x1;
	s6 =	smul.u32 $0x13C00, s13  }
0x4: {  	s28 =	simm.s32 $0x2;
	s29 =	simm.s32 $0x6;
	s11 =	smul.u32 $0x4F000, s13  }
0x5: {  	s31 =	simm.s32 $0x6580;
	s0 =	sand.u32 $0x1, s0;
	s12 =	smul.u32 $0x4E20, s13  }
0x6: {  	s3 =	sshll.u32 s13, $0x1;
	s5 =	sadd.s32 $0x16A00, s1;
	s7 =	smul.u32 $0x13C000, s0  }
0x7: {  	s4 =	sor.u32 s0, s3;
	s19 =	ssub.s32 $0x2, s0;
	s0 =	smul.u32 $0x2710, s0  }
0x8: {  	s23 =	sshll.u32 s13, $0x6;
	s3 =	simm.s32 $0x0;
	s4 =	smul.u32 $0x2710, s4  }
0x9: {  	[smem:$0x7FF] =	sst s3;
	s10 =	sshrl.u32 s6, $0x3;
	s20 =	sshrl.u32 s19, $0x1  }
0xa: {  	s21 =	sshrl.u32 s11, $0x2;
	_ =	strace $0x8000004D;
	s10 =	sadd.s32 s10, s1  }
0xb: {  	s6 =	sadd.s32 s6, s7;
	s16 =	sadd.s32 s21, s2;
	s0 =	sadd.s32 s0, s12  }
0xc: {  	s21 =	simm.s32 $0x6780;
	s8 =	sshrl.u32 s4, $0x3;
	s4 =	sadd.s32 $0x2E00, s1  }
0xd: {  	s6 =	sshrl.u32 s6, $0x3;
	s22 =	sadd.s32 $0x3DC00, s10;
	s25 =	sadd.s32 $0xF0, s0  }
0xe: {  	s14 =	sadd.s32 $0xA0, s0;
	s16 =	sshrl.u32 s16, $0x3;
	s9 =	sadd.s32 s8, s1  }
0xf: {  	s1 =	sadd.s32 s6, s1;
	s6 =	ssub.s32 s19, s20;
	[dreg:$0x4] =	wrdreg s22  }
0x10: {  	s8 =	sadd.s32 s4, s8;
	s30 =	sshrl.u32 s25, $0x3;
	s20 =	simm.s32 $0x50  }
0x11: {  	s25 =	simm.s32 $0x5;
	s19 =	simm.s32 $0x0;
	s9 =	sadd.s32 $0xCC00, s9  }
0x12: {  	s24 =	sadd.s32 $0xA, s8;
	s26 =	sadd.s32 $0x4D8, s8;
	[dreg:$0x3] =	wrdreg s9  }
0x13: {  	s12 =	sadd.s32 $0x65400, s1;
	s13 =	smax.u32 s6, $0x1;
	[dreg:$0x5] =	wrdreg s24  }
0x14: {  	s15 =	sadd.s32 s30, s4;
	s9 =	sor.u32 $0x1C07, s23;
	[dreg:$0x6] =	wrdreg s26  }
0x15: {  	s23 =	simm.s32 $0x8F80;
	s24 =	simm.s32 $0x3;
	s26 =	simm.s32 $0x4  }
.LBB2_1:
0x16: {  	s0 =	rddreg [dreg:$0x3]  }
0x17: {  	s10 =	rddreg [dreg:$0x4]  }
0x18: {  	[tilespmem:s3], [sflag:$0x1] =	stream.linear.gather [hbm4b:s0+s3], $0x2710, $0x38;
	[tilespmem:$0x1F380] =	vst v63  }
0x19: {  	[spmem:s16], [sflag:s9] =	dma.local [hbm:s10], $0x2780  }
0x1a: {  	_ =	swait.ge [sflag:s17], $0x2780  }
0x1b: {  	[sflag:s17] =	ssyncset.done $0x0  }
0x1c: {  	[sflag:s17] =	ssyncadd.s32 $0xFFFFD880  }
0x1d: {  	[bflag:$0x0] =	sbarrier.arrive $0xFFFF  }
0x1e: {  	_ =	swait.ge [sflag:s18], $0x2710  }
0x1f: {  	[sflag:s18] =	ssyncset.done $0x0  }
0x20: {  	s11 =	simm.s32 $0x2780;
	[sflag:s18] =	ssyncadd.s32 $0xFFFFD8F0  }
0x21: {  	[tilespmem:s11], [sflag:$0x1] =	stream.linear.gather [hbm4b:s8+s3], $0x50, $0x38;
	[tilespmem:$0x1F380] =	vst v63  }
0x22: {  	_ = 	snop  }
0x23: {  	[tilespmem:s21], [sflag:$0x3] =	stream.indirect.gather [hbm4b:s5+s20], $0x80, s3, s20, $0xb8;
	[tilespmem:$0x1F380] =	vst v63  }
0x24: {  	s1 =	simm.s32 $0x2800;
	s22 =	rddreg [dreg:$0x5]  }
0x25: {  	[tilespmem:s1], [sflag:$0x2] =	stream.linear.gather [hbm4b:s22+s3], $0x50, $0x38;
	[tilespmem:$0x1F380] =	vst v63  }
0x26: {  	_ = 	snop  }
0x27: {  	[tilespmem:s23], [sflag:$0x4] =	stream.indirect.gather [hbm4b:s5+s20], $0x80, s20, s20, $0xb8;
	[tilespmem:$0x1F380] =	vst v63  }
0x28: {  	_ =	swait.ge [sflag:s24], $0x2800  }
0x29: {  	[sflag:s24] =	ssyncset.done $0x0  }
0x2a: {  	[sflag:s24] =	ssyncadd.s32 $0xFFFFD800  }
0x2b: {  	_ =	swait.ge [sflag:s18], $0x50  }
0x2c: {  	[sflag:s18] =	ssyncset.done $0x0  }
0x2d: {  	s1 =	simm.s32 $0x2780;
	[sflag:s18] =	ssyncadd.s32 $0xFFFFFFB0  }
0x2e: {  	[spmem:s2] =	stream.indirect.scatter.add.f32 [tilespmem:s21], [sflag:$0x5], $0x80, s1, s20, $0xb8;
	[tilespmem:$0x1F380] =	vst v63  }
0x2f: {  	_ =	swait.ge [sflag:s25], $0x2800  }
0x30: {  	s6 =	sshrl.u32 s14, $0x3;
	[sflag:s25] =	ssyncset.done $0x0  }
0x31: {  	s7 =	simm.s32 $0x2880;
	s0 =	sadd.s32 s4, s6;
	[sflag:s25] =	ssyncadd.s32 $0xFFFFD800  }
0x32: {  	[tilespmem:s7], [sflag:$0x1] =	stream.linear.gather [hbm4b:s0+s3], $0x50, $0x38;
	[tilespmem:$0x1F380] =	vst v63  }
0x33: {  	s10 =	simm.s32 $0xA0  }
0x34: {  	[tilespmem:s21], [sflag:$0x3] =	stream.indirect.gather [hbm4b:s5+s20], $0x80, s10, s20, $0xb8;
	[tilespmem:$0x1F380] =	vst v63  }
0x35: {  	_ =	swait.ge [sflag:s26], $0x2800  }
0x36: {  	[sflag:s26] =	ssyncset.done $0x0  }
0x37: {  	[sflag:s26] =	ssyncadd.s32 $0xFFFFD800  }
0x38: {  	_ =	swait.ge [sflag:s28], $0x50  }
0x39: {  	[sflag:s28] =	ssyncset.done $0x0  }
0x3a: {  	s11 =	simm.s32 $0x2800;
	[sflag:s28] =	ssyncadd.s32 $0xFFFFFFB0  }
0x3b: {  	[spmem:s2] =	stream.indirect.scatter.add.f32 [tilespmem:s23], [sflag:$0x6], $0x80, s11, s20, $0xb8;
	[tilespmem:$0x1F380] =	vst v63  }
0x3c: {  	_ =	swait.ge [sflag:s29], $0x2800  }
0x3d: {  	s30 =	sadd.s32 $0x14, s15;
	[sflag:s29] =	ssyncset.done $0x0  }
0x3e: {  	s6 =	simm.s32 $0xF0;
	s22 =	simm.s32 $0x2900;
	[sflag:s29] =	ssyncadd.s32 $0xFFFFD800  }
0x3f: {  	[tilespmem:s22], [sflag:$0x2] =	stream.linear.gather [hbm4b:s15+s3], $0x50, $0x38;
	[tilespmem:$0x1F380] =	vst v63  }
0x40: {  	s1 =	simm.s32 $0x140;
	s0 =	sadd.s32 $0xA0, s14;
	s22 =	simm.s32 $0x400  }
.LBB2_2:
0x41: {  	[tilespmem:s23], [sflag:$0x4] =	stream.indirect.gather [hbm4b:s5+s20], $0x80, s6, s20, $0xb8;
	[tilespmem:$0x1F380] =	vst v63  }
0x42: {  	s6 =	smov.u32 s22;
	s7 =	smov.u32 s30  }
0x43: {  	p0 =	sne.s32 s22, $0xF000;
	s22 =	sadd.s32 $0x400, s22;
	_ =	swait.ge [sflag:s24], $0x2800  }
0x44: {  	[sflag:s24] =	ssyncset.done $0x0  }
0x45: {  	[sflag:s24] =	ssyncadd.s32 $0xFFFFD800  }
0x46: {  	_ =	swait.ge [sflag:s18], $0x50  }
0x47: {  	s6 =	sshra.s32 s6, $0x2;
	[sflag:s18] =	ssyncset.done $0x0  }
0x48: {  	s10 =	sadd.s32 $0x2780, s6;
	[sflag:s18] =	ssyncadd.s32 $0xFFFFFFB0  }
0x49: {  	[spmem:s2] =	stream.indirect.scatter.add.f32 [tilespmem:s21], [sflag:$0x5], $0x80, s10, s20, $0xb8;
	[tilespmem:$0x1F380] =	vst v63  }
0x4a: {  	_ =	swait.ge [sflag:s25], $0x2800  }
0x4b: {  	s10 =	sshrl.u32 s0, $0x3;
	[sflag:s25] =	ssyncset.done $0x0  }
0x4c: {  	s11 =	sadd.s32 $0x2880, s6;
	s10 =	sadd.s32 s4, s10;
	[sflag:s25] =	ssyncadd.s32 $0xFFFFD800  }
0x4d: {  	[tilespmem:s11], [sflag:$0x1] =	stream.linear.gather [hbm4b:s10+s3], $0x50, $0x38;
	[tilespmem:$0x1F380] =	vst v63  }
0x4e: {  	_ = 	snop  }
0x4f: {  	[tilespmem:s21], [sflag:$0x3] =	stream.indirect.gather [hbm4b:s5+s20], $0x80, s1, s20, $0xb8;
	[tilespmem:$0x1F380] =	vst v63  }
0x50: {  	_ =	swait.ge [sflag:s26], $0x2800  }
0x51: {  	[sflag:s26] =	ssyncset.done $0x0  }
0x52: {  	[sflag:s26] =	ssyncadd.s32 $0xFFFFD800  }
0x53: {  	_ =	swait.ge [sflag:s28], $0x50  }
0x54: {  	[sflag:s28] =	ssyncset.done $0x0  }
0x55: {  	s10 =	sadd.s32 $0x2800, s6;
	[sflag:s28] =	ssyncadd.s32 $0xFFFFFFB0  }
0x56: {  	[spmem:s2] =	stream.indirect.scatter.add.f32 [tilespmem:s23], [sflag:$0x6], $0x80, s10, s20, $0xb8;
	[tilespmem:$0x1F380] =	vst v63  }
.Ltmp0:
0x57: {  	_ =	swait.ge [sflag:s29], $0x2800;
	(pc) =	sbr.rel @p0 .LBB2_2-.Ltmp0, $4  }
0x58: {  	[sflag:s29] =	ssyncset.done $0x0  }
0x59: {  	s30 =	sadd.s32 $0x14, s30;
	s6 =	sadd.s32 $0x2900, s6;
	[sflag:s29] =	ssyncadd.s32 $0xFFFFD800  }
0x5a: {  	[tilespmem:s6], [sflag:$0x2] =	stream.linear.gather [hbm4b:s7+s3], $0x50, $0x38;
	[tilespmem:$0x1F380] =	vst v63  }
0x5b: {  	s0 =	sadd.s32 $0xA0, s0;
	s6 =	sadd.s32 $0x50, s1;
	s1 =	sadd.s32 $0xA0, s1  }
0x5c: {  	[tilespmem:s23], [sflag:$0x4] =	stream.indirect.gather [hbm4b:s5+s20], $0x80, s6, s20, $0xb8;
	[tilespmem:$0x1F380] =	vst v63  }
0x5d: {  	_ =	swait.ge [sflag:s24], $0x2800  }
0x5e: {  	[sflag:s24] =	ssyncset.done $0x0  }
0x5f: {  	[sflag:s24] =	ssyncadd.s32 $0xFFFFD800  }
0x60: {  	_ =	swait.ge [sflag:s18], $0x50  }
0x61: {  	[sflag:s18] =	ssyncset.done $0x0  }
0x62: {  	s0 =	simm.s32 $0x6480;
	[sflag:s18] =	ssyncadd.s32 $0xFFFFFFB0  }
0x63: {  	[spmem:s2] =	stream.indirect.scatter.add.f32 [tilespmem:s21], [sflag:$0x5], $0x80, s0, s20, $0xb8;
	[tilespmem:$0x1F380] =	vst v63  }
0x64: {  	_ =	swait.ge [sflag:s25], $0x2800  }
0x65: {  	[sflag:s25] =	ssyncset.done $0x0  }
0x66: {  	s11 =	rddreg [dreg:$0x6];
	[sflag:s25] =	ssyncadd.s32 $0xFFFFD800  }
0x67: {  	[tilespmem:s31], [sflag:$0x1] =	stream.linear.gather [hbm4b:s11+s3], $0x50, $0x38;
	[tilespmem:$0x1F380] =	vst v63  }
0x68: {  	s22 =	simm.s32 $0x26C0  }
0x69: {  	[tilespmem:s21], [sflag:$0x3] =	stream.indirect.gather [hbm4b:s5+s20], $0x80, s22, s20, $0xb8;
	[tilespmem:$0x1F380] =	vst v63  }
0x6a: {  	_ =	swait.ge [sflag:s26], $0x2800  }
0x6b: {  	[sflag:s26] =	ssyncset.done $0x0  }
0x6c: {  	[sflag:s26] =	ssyncadd.s32 $0xFFFFD800  }
0x6d: {  	_ =	swait.ge [sflag:s28], $0x50  }
0x6e: {  	[sflag:s28] =	ssyncset.done $0x0  }
0x6f: {  	s30 =	simm.s32 $0x6500;
	[sflag:s28] =	ssyncadd.s32 $0xFFFFFFB0  }
0x70: {  	[spmem:s2] =	stream.indirect.scatter.add.f32 [tilespmem:s23], [sflag:$0x6], $0x80, s30, s20, $0xb8;
	[tilespmem:$0x1F380] =	vst v63  }
0x71: {  	_ =	swait.ge [sflag:s24], $0x2800  }
0x72: {  	[sflag:s24] =	ssyncset.done $0x0  }
0x73: {  	[sflag:s24] =	ssyncadd.s32 $0xFFFFD800  }
0x74: {  	_ =	swait.ge [sflag:s18], $0x50  }
0x75: {  	[sflag:s18] =	ssyncset.done $0x0  }
0x76: {  	[sflag:s18] =	ssyncadd.s32 $0xFFFFFFB0  }
0x77: {  	[spmem:s2] =	stream.indirect.scatter.add.f32 [tilespmem:s21], [sflag:$0x5], $0x80, s31, s20, $0xb8;
	[tilespmem:$0x1F380] =	vst v63  }
0x78: {  	_ =	swait.ge [sflag:s29], $0x2800  }
0x79: {  	[sflag:s29] =	ssyncset.done $0x0  }
0x7a: {  	[sflag:s29] =	ssyncadd.s32 $0xFFFFD800  }
0x7b: {  	_ =	swait.ge [sflag:s25], $0x2800  }
0x7c: {  	s19 =	sadd.s32 $0x1, s19;
	[sflag:s25] =	ssyncset.done $0x0  }
0x7d: {  	p0 =	sne.s32 s19, s13;
	[sflag:s25] =	ssyncadd.s32 $0xFFFFD800  }
.Ltmp1:
0x7e: {  	[bflag:$0x0] =	sbarrier.arrive $0xFFFF;
	(pc) =	sbr.rel @p0 .LBB2_1-.Ltmp1, $4  }
0x7f: {  	[hbm:s12], [sflag:s9] =	dma.local [spmem:s16], $0x2780  }
0x80: {  	_ =	swait.ge [sflag:s17], $0x2780  }
0x81: {  	[sflag:s17] =	ssyncset.done $0x0  }
0x82: {  	[sflag:s17] =	ssyncadd.s32 $0xFFFFD880  }
0x83: {  	_ =	sfence.sel $0x180000  }
0x84: {  	[bflag:$0x0] =	sbarrier.arrive $0xFFFF  }
0x85: {  	_ =	strace $0x9000004D  }
0x86: {  	s0 =	stileid.u32;
	[bflag:$0x2] =	sbarrier.arrive $0xFFFF  }
0x87: {  	p0 =	sne.s32 s0, $0x0;
	s0 =	rddreg [dreg:$0x2]  }
0x88: {  	s0 =	sadd.s32 @!p0 $0x100000, s0  }
0x89: {  	[sflag:s0] =	ssyncadd.tile.s32 @!p0 $0x1;
	_ =	shalt  }
.Lfunc_end2:
_tile_overlayer_lowered:
.L_overlay_start_2:
0x8a: {  	(tag) =	ssettag $0x2  }
0x8b: {  	s0 =	rddreg [dreg:$0x0];
	s2 =	stileid.u32  }
0x8c: {  	s1 =	rddreg [dreg:$0x1];
	p0 =	sne.s32 s2, $0x0  }
0x8d: {  	s3 =	rddreg [dreg:$0x2];
	[bflag:$0x3] =	sbarrier.arrive $0xFFFF;
	s2 =	simm.s32 @!p0 $0x1C07  }
0x8e: {  	[timem:s3], [sflag:s2] =	dma.local @!p0 [hbm:s0], s1  }
0x8f: {  	s0 =	simm.s32 @!p0 $0x7  }
0x90: {  	_ =	swait.ge @!p0 [sflag:s0], s1  }
0x91: {  	s1 =	ssub.s32 @!p0 $0x0, s1;
	[sflag:s0] =	ssyncset.done @!p0 $0x0  }
0x92: {  	[sflag:s0] =	ssyncadd.s32 @!p0 s1  }
0x93: {  	[bflag:$0x3] =	sbarrier.arrive $0xFFFF  }
0x94: {  	_ =	shalt  }

// kernel: kernel.19.cloned.1.call-start
scs
__scs_entry_jumppad:
0x0: {  	(pc) =	sbr.rel $0x88, $3  }
0x1: {  	(tag) =	ssettag $0x0;
	lr =	simm.s32 $0x1  }
0x2: {  	[smem:$0x3F97] =	sst lr;
	_ =	strace $0xD0000000  }
0x3: {  	_ = 	snop  }
0x4: {  	_ = 	snop  }
0x5: {  	_ = 	snop  }
0x6: {  	_ = 	snop  }
0x7: {  	_ = 	snop  }
__scs_overlays_trampoline_lowered:
0x8: {  	[smem:$0x3FA6] =	sst s0  }
0x9: {  	[smem:$0x3FA7] =	sst s1  }
0xa: {  	[smem:$0x3FA8] =	sst s2  }
0xb: {  	[smem:$0x3FA9] =	sst s3  }
0xc: {  	[smem:$0x3FAA] =	sst s4  }
0xd: {  	[smem:$0x3FAB] =	sst s5  }
0xe: {  	[smem:$0x3FAC] =	sst s6  }
0xf: {  	[smem:$0x3FAD] =	sst s7  }
0x10: {  	[smem:$0x3FAE] =	sst s8  }
0x11: {  	[smem:$0x3FAF] =	sst s9;
	s0 =	simm.s32 @!p0 $0x0  }
0x12: {  	s1 =	sld [smem:$0x3F95];
	s0 =	simm.s32 @p0 $0x1  }
0x13: {  	[smem:$0x3FB0] =	sst s0;
	s0 =	simm.s32 @!p1 $0x0  }
0x14: {  	s2 =	sld [smem:$0x3F94];
	s0 =	simm.s32 @p1 $0x1  }
0x15: {  	[smem:$0x3FB1] =	sst s0;
	s0 =	simm.s32 @!p2 $0x0  }
0x16: {  	s3 =	sld [smem:$0x3FDB];
	s0 =	simm.s32 @p2 $0x1  }
0x17: {  	s4 =	simm.s32 $0x1BF5;
	[smem:$0x3FB3] =	sst s0  }
0x18: {  	s0 =	sld [smem:$0x3F96];
	_ =	swait.ge [sflag:s4], $0x0  }
0x19: {  	s7 =	sld [smem:$0x3F97]  }
0x1a: {  	s8 =	sadd.s32 $0xFFFFE003, lr  }
0x1b: {  	s9 =	sadd.s32 $0xFFFFFEF7, lr;
	s5 =	simm.s32 $0xFFFFFFFF;
	p2 =	slt.u32 s8, $0xFFFFF086  }
0x1c: {  	p1 =	slt.u32 s9, $0xF7A;
	s5 =	simm.s32 @!p2 $0x0  }
0x1d: {  	s5 =	simm.s32 @p1 $0x1;
	p0 =	seq.s32 s7, s2  }
0x1e: {  	s7 =	smul.u32 @!p0 $0xF7A, s2;
	p2 =	seq.s32 @!p0 s5, $0x0  }
0x1f: {  	s9 =	smul.u32 $0xF7A, s1;
	s8 =	simm.s32 @!p0 $0x1BF5;
	p2 =	por !p2, p0  }
0x20: {  	[sflag:s8] =	ssyncset.s32 @!p0 $0xFFFFF086;
	s6 =	sadd.s32 @!p0 s3, s7;
	s7 =	simm.s32 @!p0 $0x108  }
0x21: {  	s3 =	sadd.s32 s3, s9;
	s6 =	sadd.s32 @!p0 $0x88, s6;
	s7 =	simm.s32 @p2 $0x1082  }
0x22: {  	[simem:s7], [sflag:s8] =	dma.local @!p0 [hbm:s6], $0xF7A  }
0x23: {  	s9 =	sor.u32 $0xD0000000, s2;
	s6 =	simm.s32 $0x108;
	_ =	swait.ge @!p0 [sflag:s8], $0x0  }
0x24: {  	s3 =	sadd.s32 $0x88, s3;
	s6 =	simm.s32 @!p1 $0x1082;
	[sflag:s4] =	ssyncset.s32 $0xFFFFF086  }
0x25: {  	[simem:s6], [sflag:s4] =	dma.local [hbm:s3], $0xF7A  }
0x26: {  	[smem:$0x3F97] =	sst s1;
	(tag) =	ssettag s2;
	_ =	strace s9  }
0x27: {  	s1 =	sld [smem:$0x3FA7]  }
0x28: {  	s2 =	sld [smem:$0x3FA8]  }
0x29: {  	s4 =	sld [smem:$0x3FAA]  }
0x2a: {  	p0 =	seq.s32 s5, $0x0;
	s5 =	sld [smem:$0x3FAB]  }
0x2b: {  	s6 =	sld [smem:$0x3FAC]  }
0x2c: {  	s7 =	sld [smem:$0x3FAD]  }
0x2d: {  	s3 =	simm.s32 $0x108;
	s8 =	sld [smem:$0x3FAE]  }
0x2e: {  	s3 =	simm.s32 @!p0 $0x1082;
	s9 =	sld [smem:$0x3FAF]  }
0x2f: {  	lr =	sadd.s32 s0, s3;
	s0 =	sld [smem:$0x3FA6]  }
0x30: {  	s3 =	sld [smem:$0x3FA9]  }
0x31: {  	[smem:$0x3FB2] =	sst s10  }
0x32: {  	s10 =	sld [smem:$0x3FB0];
	_ =	sdelay $0x3  }
0x33: {  	p0 =	seq.s32 s10, $0x1;
	s10 =	sld [smem:$0x3FB2];
	_ =	sdelay $0x3  }
0x34: {  	[smem:$0x3FB2] =	sst s10  }
0x35: {  	s10 =	sld [smem:$0x3FB1];
	_ =	sdelay $0x3  }
0x36: {  	p1 =	seq.s32 s10, $0x1;
	s10 =	sld [smem:$0x3FB2];
	_ =	sdelay $0x3  }
0x37: {  	[smem:$0x3FB2] =	sst s10  }
0x38: {  	s10 =	sld [smem:$0x3FB3]  }
0x39: {  	_ = 	snop;
	(pc) =	sbr.ind lr, $3  }
0x3a: {  	_ = 	snop  }
0x3b: {  	_ = 	snop  }
0x3c: {  	p2 =	seq.s32 s10, $0x1;
	s10 =	sld [smem:$0x3FB2]  }
0x3d: {  	_ =	shalt  }
0x3e: {  	_ =	shalt  }
0x3f: {  	_ =	shalt  }
0x40: {  	_ =	shalt  }
0x41: {  	_ =	shalt  }
0x42: {  	_ =	shalt  }
0x43: {  	_ =	shalt  }
0x44: {  	_ =	shalt  }
0x45: {  	_ =	shalt  }
0x46: {  	_ =	shalt  }
0x47: {  	_ =	shalt  }
0x48: {  	_ =	shalt  }
0x49: {  	_ =	shalt  }
0x4a: {  	_ =	shalt  }
0x4b: {  	_ =	shalt  }
0x4c: {  	_ =	shalt  }
0x4d: {  	_ =	shalt  }
0x4e: {  	_ =	shalt  }
0x4f: {  	_ =	shalt  }
0x50: {  	_ =	shalt  }
0x51: {  	_ =	shalt  }
0x52: {  	_ =	shalt  }
0x53: {  	_ =	shalt  }
0x54: {  	_ =	shalt  }
0x55: {  	_ =	shalt  }
0x56: {  	_ =	shalt  }
0x57: {  	_ =	shalt  }
0x58: {  	_ =	shalt  }
0x59: {  	_ =	shalt  }
0x5a: {  	_ =	shalt  }
0x5b: {  	_ =	shalt  }
0x5c: {  	_ =	shalt  }
0x5d: {  	_ =	shalt  }
0x5e: {  	_ =	shalt  }
0x5f: {  	_ =	shalt  }
0x60: {  	_ =	shalt  }
0x61: {  	_ =	shalt  }
0x62: {  	_ =	shalt  }
0x63: {  	_ =	shalt  }
0x64: {  	_ =	shalt  }
0x65: {  	_ =	shalt  }
0x66: {  	_ =	shalt  }
0x67: {  	_ =	shalt  }
0x68: {  	_ =	shalt  }
0x69: {  	_ =	shalt  }
0x6a: {  	_ =	shalt  }
0x6b: {  	_ =	shalt  }
0x6c: {  	_ =	shalt  }
0x6d: {  	_ =	shalt  }
0x6e: {  	_ =	shalt  }
0x6f: {  	_ =	shalt  }
0x70: {  	_ =	shalt  }
0x71: {  	_ =	shalt  }
0x72: {  	_ =	shalt  }
0x73: {  	_ =	shalt  }
0x74: {  	_ =	shalt  }
0x75: {  	_ =	shalt  }
0x76: {  	_ =	shalt  }
0x77: {  	_ =	shalt  }
0x78: {  	_ =	shalt  }
0x79: {  	_ =	shalt  }
0x7a: {  	_ =	shalt  }
0x7b: {  	_ =	shalt  }
0x7c: {  	_ =	shalt  }
0x7d: {  	_ =	shalt  }
0x7e: {  	_ =	shalt  }
0x7f: {  	_ =	shalt  }
0x80: {  	_ =	shalt  }
0x81: {  	_ =	shalt  }
0x82: {  	_ =	shalt  }
0x83: {  	_ =	shalt  }
0x84: {  	_ =	shalt  }
0x85: {  	_ =	shalt  }
0x86: {  	_ =	shalt  }
0x87: {  	_ =	shalt  }
.Lfunc_end0:
.L_simem_size_0:
called_computation.3_lowered:
.L_overlay_start_0:
0x88: {  	s2 =	sld [smem:$0x3FD9]  }
0x89: {  	s3 =	sld [smem:$0x3FFE];
	_ =	sdelay $0x1  }
0x8a: {  	s1 =	srdreg.scid  }
0x8b: {  	s0 =	sand.u32 $0x1, s1  }
0x8c: {  	s16 =	sshll.u32 s0, $0xA;
	s2 =	sadd.s32 s3, s2  }
0x8d: {  	s2 =	sadd.s32 s2, s16  }
0x8e: {  	[smem:$0x3FBE] =	sst s2  }
0x8f: {  	_ = 	snop  }
0x90: {  	(tm) =	ssettm $0x1  }
0x91: {  	s17 =	sld [smem:$0x3FFB];
	_ =	sdelay $0x3  }
0x92: {  	_ =	strace s17  }
0x93: {  	s2 =	sld [smem:$0x3FFC];
	_ =	sdelay $0x3  }
0x94: {  	_ =	strace s2  }
0x95: {  	s2 =	sld [smem:$0x3FFD];
	_ =	sdelay $0x3  }
0x96: {  	_ =	strace s2  }
0x97: {  	_ =	strace $0x8FFFFFFF  }
0x98: {  	s18 =	sld [smem:$0x3FDB];
	_ =	sdelay $0x1  }
0x99: {  	s19 =	simm.s32 $_scs_section_size  }
0x9a: {  	s4 =	simm.s32 $_size__tile_overlayer_lowered;
	s5 =	simm.s32 $_tile_overlayer_lowered  }
0x9b: {  	s22 =	simm.s32 $0x1BFF;
	s21 =	sshll.u32 s5, $0x1;
	s2 =	sadd.s32 s19, s18  }
0x9c: {  	s6 =	simm.s32 $0x0;
	s20 =	sshll.u32 s4, $0x1;
	s4 =	sadd.s32 s21, s2  }
0x9d: {  	[timem:s6], [sflag:s22] =	dma.local [hbm:s4], s20  }
0x9e: {  	_ =	swait.ge [sflag:s22], s20  }
0x9f: {  	s3 =	ssub.s32 $0x0, s20;
	[sflag:s22] =	ssyncset.done $0x0  }
0xa0: {  	[sflag:s22] =	ssyncadd.s32 s3;
	_ =	sdelay $0x1  }
0xa1: {  	s23 =	simm.s32 $0x1B8B  }
0xa2: {  	_ =	swait.ge [sflag:s23], $0x1  }
0xa3: {  	[sflag:s23] =	ssyncset.done $0x0  }
0xa4: {  	s25 =	simm.s32 $0x1B8E;
	s24 =	sld [smem:$0x3FFE];
	[sflag:s23] =	ssyncadd.s32 $0xFFFFFFFF  }
0xa5: {  	s26 =	simm.s32 $execute0_lowered;
	[smem:$0x3FD2] =	sst s25  }
0xa6: {  	s4 =	sshll.u32 s26, $0x1;
	_ =	strace $0x8000004F;
	[dreg:$0x1] =	wrdreg $0xFFFFFFFF  }
0xa7: {  	s28 =	simm.s32 $_size_execute0_lowered;
	s2 =	sadd.s32 s2, s4;
	[dreg:$0x0] =	wrdreg $0x0  }
0xa8: {  	s4 =	sshll.u32 s28, $0x1;
	[dreg:$0x2] =	wrdreg s2  }
0xa9: {  	[dreg:$0x3] =	wrdreg s4  }
0xaa: {  	[dreg:$0x4] =	wrdreg $0xC0  }
0xab: {  	_ =	task [dreg:s6], $0x5FFFF  }
0xac: {  	[dreg:$0x1] =	wrdreg $0xFFFFFFFF  }
0xad: {  	[dreg:$0x0] =	wrdreg $0x60  }
0xae: {  	[dreg:$0x2] =	wrdreg s24  }
0xaf: {  	[dreg:$0x3] =	wrdreg $0xB7800  }
0xb0: {  	[dreg:$0x4] =	wrdreg $0x9  }
0xb1: {  	_ =	task.clear_ibuf [dreg:s6], $0x5FFFF;
	_ =	strace $0x9000004F  }
0xb2: {  	s29 =	simm.s32 $0x9;
	_ =	strace $0x80000051  }
0xb3: {  	_ =	swait.ge [sflag:s29], $0x1  }
0xb4: {  	[sflag:s29] =	ssyncadd.s32 $0xFFFFFFFF  }
0xb5: {  	_ =	strace $0x90000051  }
0xb6: {  	_ =	sfence  }
0xb7: {  	s30 =	sld [smem:$0x0];
	_ =	sdelay $0x2  }
0xb8: {  	s31 =	sshll.u32 s1, $0xD;
	s1 =	sshrl.u32 s1, $0x2  }
0xb9: {  	s3 =	sand.u32 $0x4000, s31;
	s1 =	sadd.s32 s1, s30  }
0xba: {  	s0 =	sor.u32 s3, s0;
	s1 =	sshll.u32 s1, $0x11  }
0xbb: {  	s0 =	sor.u32 s1, s0  }
0xbc: {  	s0 =	sadd.s32 $0x8F2B, s0  }
0xbd: {  	[sflag:s0] =	ssyncadd.remote.s32 $0x1  }
0xbe: {  	_ =	sfence.sel $0xFFFF  }
0xbf: {  	[dreg:$0x0] =	wrdreg $0xFFFFFFFF;
	(pc) =	sbr.abs _section_cstart, $3  }
0xc0: {  	[dreg:$0x1] =	wrdreg $0xFFFFFFFF  }
0xc1: {  	_ =	task.clear_ibuf [dreg:s6], $0x2FFFF;
	_ =	strace $0x9FFFFFFF  }
0xc2: {  	(tm) =	ssettm $0x7FFFFFFF  }
0xc3: {  	_ =	shalt  }
tec
execute0_lowered:
.L_overlay_start_1:
0x0: {  	(tag) =	ssettag $0x1  }
0x1: {  	s0 =	srdreg.scid;
	s1 =	rddreg [dreg:$0x0]  }
0x2: {  	s13 =	stileid.u32;
	s2 =	rddreg [dreg:$0x1]  }
0x3: {  	s17 =	simm.s32 $0x7;
	s18 =	simm.s32 $0x1;
	s6 =	smul.u32 $0x13C00, s13  }
0x4: {  	s28 =	simm.s32 $0x2;
	s29 =	simm.s32 $0x6;
	s11 =	smul.u32 $0x4F000, s13  }
0x5: {  	s31 =	simm.s32 $0x6580;
	s0 =	sand.u32 $0x1, s0;
	s12 =	smul.u32 $0x4E20, s13  }
0x6: {  	s3 =	sshll.u32 s13, $0x1;
	s5 =	sadd.s32 $0x16A00, s1;
	s7 =	smul.u32 $0x13C000, s0  }
0x7: {  	s4 =	sor.u32 s0, s3;
	s19 =	ssub.s32 $0x2, s0;
	s0 =	smul.u32 $0x2710, s0  }
0x8: {  	s23 =	sshll.u32 s13, $0x6;
	s3 =	simm.s32 $0x0;
	s4 =	smul.u32 $0x2710, s4  }
0x9: {  	[smem:$0x7FF] =	sst s3;
	s10 =	sshrl.u32 s6, $0x3;
	s20 =	sshrl.u32 s19, $0x1  }
0xa: {  	s21 =	sshrl.u32 s11, $0x2;
	_ =	strace $0x80000050;
	s10 =	sadd.s32 s10, s1  }
0xb: {  	s6 =	sadd.s32 s6, s7;
	s16 =	sadd.s32 s21, s2;
	s0 =	sadd.s32 s0, s12  }
0xc: {  	s21 =	simm.s32 $0x6780;
	s8 =	sshrl.u32 s4, $0x3;
	s4 =	sadd.s32 $0x2E00, s1  }
0xd: {  	s6 =	sshrl.u32 s6, $0x3;
	s22 =	sadd.s32 $0x3DC00, s10;
	s25 =	sadd.s32 $0xF0, s0  }
0xe: {  	s14 =	sadd.s32 $0xA0, s0;
	s16 =	sshrl.u32 s16, $0x3;
	s9 =	sadd.s32 s8, s1  }
0xf: {  	s1 =	sadd.s32 s6, s1;
	s6 =	ssub.s32 s19, s20;
	[dreg:$0x4] =	wrdreg s22  }
0x10: {  	s8 =	sadd.s32 s4, s8;
	s30 =	sshrl.u32 s25, $0x3;
	s20 =	simm.s32 $0x50  }
0x11: {  	s25 =	simm.s32 $0x5;
	s19 =	simm.s32 $0x0;
	s9 =	sadd.s32 $0xCC00, s9  }
0x12: {  	s24 =	sadd.s32 $0xA, s8;
	s26 =	sadd.s32 $0x4D8, s8;
	[dreg:$0x3] =	wrdreg s9  }
0x13: {  	s12 =	sadd.s32 $0x65400, s1;
	s13 =	smax.u32 s6, $0x1;
	[dreg:$0x5] =	wrdreg s24  }
0x14: {  	s15 =	sadd.s32 s30, s4;
	s9 =	sor.u32 $0x1C07, s23;
	[dreg:$0x6] =	wrdreg s26  }
0x15: {  	s23 =	simm.s32 $0x8F80;
	s24 =	simm.s32 $0x3;
	s26 =	simm.s32 $0x4  }
.LBB2_1:
0x16: {  	s0 =	rddreg [dreg:$0x3]  }
0x17: {  	s10 =	rddreg [dreg:$0x4]  }
0x18: {  	[tilespmem:s3], [sflag:$0x1] =	stream.linear.gather [hbm4b:s0+s3], $0x2710, $0x38;
	[tilespmem:$0x1F380] =	vst v63  }
0x19: {  	[spmem:s16], [sflag:s9] =	dma.local [hbm:s10], $0x2780  }
0x1a: {  	_ =	swait.ge [sflag:s17], $0x2780  }
0x1b: {  	[sflag:s17] =	ssyncset.done $0x0  }
0x1c: {  	[sflag:s17] =	ssyncadd.s32 $0xFFFFD880  }
0x1d: {  	[bflag:$0x0] =	sbarrier.arrive $0xFFFF  }
0x1e: {  	_ =	swait.ge [sflag:s18], $0x2710  }
0x1f: {  	[sflag:s18] =	ssyncset.done $0x0  }
0x20: {  	s11 =	simm.s32 $0x2780;
	[sflag:s18] =	ssyncadd.s32 $0xFFFFD8F0  }
0x21: {  	[tilespmem:s11], [sflag:$0x1] =	stream.linear.gather [hbm4b:s8+s3], $0x50, $0x38;
	[tilespmem:$0x1F380] =	vst v63  }
0x22: {  	_ = 	snop  }
0x23: {  	[tilespmem:s21], [sflag:$0x3] =	stream.indirect.gather [hbm4b:s5+s20], $0x80, s3, s20, $0xb8;
	[tilespmem:$0x1F380] =	vst v63  }
0x24: {  	s1 =	simm.s32 $0x2800;
	s22 =	rddreg [dreg:$0x5]  }
0x25: {  	[tilespmem:s1], [sflag:$0x2] =	stream.linear.gather [hbm4b:s22+s3], $0x50, $0x38;
	[tilespmem:$0x1F380] =	vst v63  }
0x26: {  	_ = 	snop  }
0x27: {  	[tilespmem:s23], [sflag:$0x4] =	stream.indirect.gather [hbm4b:s5+s20], $0x80, s20, s20, $0xb8;
	[tilespmem:$0x1F380] =	vst v63  }
0x28: {  	_ =	swait.ge [sflag:s24], $0x2800  }
0x29: {  	[sflag:s24] =	ssyncset.done $0x0  }
0x2a: {  	[sflag:s24] =	ssyncadd.s32 $0xFFFFD800  }
0x2b: {  	_ =	swait.ge [sflag:s18], $0x50  }
0x2c: {  	[sflag:s18] =	ssyncset.done $0x0  }
0x2d: {  	s1 =	simm.s32 $0x2780;
	[sflag:s18] =	ssyncadd.s32 $0xFFFFFFB0  }
0x2e: {  	[spmem:s2] =	stream.indirect.scatter.add.f32 [tilespmem:s21], [sflag:$0x5], $0x80, s1, s20, $0xb8;
	[tilespmem:$0x1F380] =	vst v63  }
0x2f: {  	_ =	swait.ge [sflag:s25], $0x2800  }
0x30: {  	s6 =	sshrl.u32 s14, $0x3;
	[sflag:s25] =	ssyncset.done $0x0  }
0x31: {  	s7 =	simm.s32 $0x2880;
	s0 =	sadd.s32 s4, s6;
	[sflag:s25] =	ssyncadd.s32 $0xFFFFD800  }
0x32: {  	[tilespmem:s7], [sflag:$0x1] =	stream.linear.gather [hbm4b:s0+s3], $0x50, $0x38;
	[tilespmem:$0x1F380] =	vst v63  }
0x33: {  	s10 =	simm.s32 $0xA0  }
0x34: {  	[tilespmem:s21], [sflag:$0x3] =	stream.indirect.gather [hbm4b:s5+s20], $0x80, s10, s20, $0xb8;
	[tilespmem:$0x1F380] =	vst v63  }
0x35: {  	_ =	swait.ge [sflag:s26], $0x2800  }
0x36: {  	[sflag:s26] =	ssyncset.done $0x0  }
0x37: {  	[sflag:s26] =	ssyncadd.s32 $0xFFFFD800  }
0x38: {  	_ =	swait.ge [sflag:s28], $0x50  }
0x39: {  	[sflag:s28] =	ssyncset.done $0x0  }
0x3a: {  	s11 =	simm.s32 $0x2800;
	[sflag:s28] =	ssyncadd.s32 $0xFFFFFFB0  }
0x3b: {  	[spmem:s2] =	stream.indirect.scatter.add.f32 [tilespmem:s23], [sflag:$0x6], $0x80, s11, s20, $0xb8;
	[tilespmem:$0x1F380] =	vst v63  }
0x3c: {  	_ =	swait.ge [sflag:s29], $0x2800  }
0x3d: {  	s30 =	sadd.s32 $0x14, s15;
	[sflag:s29] =	ssyncset.done $0x0  }
0x3e: {  	s6 =	simm.s32 $0xF0;
	s22 =	simm.s32 $0x2900;
	[sflag:s29] =	ssyncadd.s32 $0xFFFFD800  }
0x3f: {  	[tilespmem:s22], [sflag:$0x2] =	stream.linear.gather [hbm4b:s15+s3], $0x50, $0x38;
	[tilespmem:$0x1F380] =	vst v63  }
0x40: {  	s1 =	simm.s32 $0x140;
	s0 =	sadd.s32 $0xA0, s14;
	s22 =	simm.s32 $0x400  }
.LBB2_2:
0x41: {  	[tilespmem:s23], [sflag:$0x4] =	stream.indirect.gather [hbm4b:s5+s20], $0x80, s6, s20, $0xb8;
	[tilespmem:$0x1F380] =	vst v63  }
0x42: {  	s6 =	smov.u32 s22;
	s7 =	smov.u32 s30  }
0x43: {  	p0 =	sne.s32 s22, $0xF000;
	s22 =	sadd.s32 $0x400, s22;
	_ =	swait.ge [sflag:s24], $0x2800  }
0x44: {  	[sflag:s24] =	ssyncset.done $0x0  }
0x45: {  	[sflag:s24] =	ssyncadd.s32 $0xFFFFD800  }
0x46: {  	_ =	swait.ge [sflag:s18], $0x50  }
0x47: {  	s6 =	sshra.s32 s6, $0x2;
	[sflag:s18] =	ssyncset.done $0x0  }
0x48: {  	s10 =	sadd.s32 $0x2780, s6;
	[sflag:s18] =	ssyncadd.s32 $0xFFFFFFB0  }
0x49: {  	[spmem:s2] =	stream.indirect.scatter.add.f32 [tilespmem:s21], [sflag:$0x5], $0x80, s10, s20, $0xb8;
	[tilespmem:$0x1F380] =	vst v63  }
0x4a: {  	_ =	swait.ge [sflag:s25], $0x2800  }
0x4b: {  	s10 =	sshrl.u32 s0, $0x3;
	[sflag:s25] =	ssyncset.done $0x0  }
0x4c: {  	s11 =	sadd.s32 $0x2880, s6;
	s10 =	sadd.s32 s4, s10;
	[sflag:s25] =	ssyncadd.s32 $0xFFFFD800  }
0x4d: {  	[tilespmem:s11], [sflag:$0x1] =	stream.linear.gather [hbm4b:s10+s3], $0x50, $0x38;
	[tilespmem:$0x1F380] =	vst v63  }
0x4e: {  	_ = 	snop  }
0x4f: {  	[tilespmem:s21], [sflag:$0x3] =	stream.indirect.gather [hbm4b:s5+s20], $0x80, s1, s20, $0xb8;
	[tilespmem:$0x1F380] =	vst v63  }
0x50: {  	_ =	swait.ge [sflag:s26], $0x2800  }
0x51: {  	[sflag:s26] =	ssyncset.done $0x0  }
0x52: {  	[sflag:s26] =	ssyncadd.s32 $0xFFFFD800  }
0x53: {  	_ =	swait.ge [sflag:s28], $0x50  }
0x54: {  	[sflag:s28] =	ssyncset.done $0x0  }
0x55: {  	s10 =	sadd.s32 $0x2800, s6;
	[sflag:s28] =	ssyncadd.s32 $0xFFFFFFB0  }
0x56: {  	[spmem:s2] =	stream.indirect.scatter.add.f32 [tilespmem:s23], [sflag:$0x6], $0x80, s10, s20, $0xb8;
	[tilespmem:$0x1F380] =	vst v63  }
.Ltmp0:
0x57: {  	_ =	swait.ge [sflag:s29], $0x2800;
	(pc) =	sbr.rel @p0 .LBB2_2-.Ltmp0, $4  }
0x58: {  	[sflag:s29] =	ssyncset.done $0x0  }
0x59: {  	s30 =	sadd.s32 $0x14, s30;
	s6 =	sadd.s32 $0x2900, s6;
	[sflag:s29] =	ssyncadd.s32 $0xFFFFD800  }
0x5a: {  	[tilespmem:s6], [sflag:$0x2] =	stream.linear.gather [hbm4b:s7+s3], $0x50, $0x38;
	[tilespmem:$0x1F380] =	vst v63  }
0x5b: {  	s0 =	sadd.s32 $0xA0, s0;
	s6 =	sadd.s32 $0x50, s1;
	s1 =	sadd.s32 $0xA0, s1  }
0x5c: {  	[tilespmem:s23], [sflag:$0x4] =	stream.indirect.gather [hbm4b:s5+s20], $0x80, s6, s20, $0xb8;
	[tilespmem:$0x1F380] =	vst v63  }
0x5d: {  	_ =	swait.ge [sflag:s24], $0x2800  }
0x5e: {  	[sflag:s24] =	ssyncset.done $0x0  }
0x5f: {  	[sflag:s24] =	ssyncadd.s32 $0xFFFFD800  }
0x60: {  	_ =	swait.ge [sflag:s18], $0x50  }
0x61: {  	[sflag:s18] =	ssyncset.done $0x0  }
0x62: {  	s0 =	simm.s32 $0x6480;
	[sflag:s18] =	ssyncadd.s32 $0xFFFFFFB0  }
0x63: {  	[spmem:s2] =	stream.indirect.scatter.add.f32 [tilespmem:s21], [sflag:$0x5], $0x80, s0, s20, $0xb8;
	[tilespmem:$0x1F380] =	vst v63  }
0x64: {  	_ =	swait.ge [sflag:s25], $0x2800  }
0x65: {  	[sflag:s25] =	ssyncset.done $0x0  }
0x66: {  	s11 =	rddreg [dreg:$0x6];
	[sflag:s25] =	ssyncadd.s32 $0xFFFFD800  }
0x67: {  	[tilespmem:s31], [sflag:$0x1] =	stream.linear.gather [hbm4b:s11+s3], $0x50, $0x38;
	[tilespmem:$0x1F380] =	vst v63  }
0x68: {  	s22 =	simm.s32 $0x26C0  }
0x69: {  	[tilespmem:s21], [sflag:$0x3] =	stream.indirect.gather [hbm4b:s5+s20], $0x80, s22, s20, $0xb8;
	[tilespmem:$0x1F380] =	vst v63  }
0x6a: {  	_ =	swait.ge [sflag:s26], $0x2800  }
0x6b: {  	[sflag:s26] =	ssyncset.done $0x0  }
0x6c: {  	[sflag:s26] =	ssyncadd.s32 $0xFFFFD800  }
0x6d: {  	_ =	swait.ge [sflag:s28], $0x50  }
0x6e: {  	[sflag:s28] =	ssyncset.done $0x0  }
0x6f: {  	s30 =	simm.s32 $0x6500;
	[sflag:s28] =	ssyncadd.s32 $0xFFFFFFB0  }
0x70: {  	[spmem:s2] =	stream.indirect.scatter.add.f32 [tilespmem:s23], [sflag:$0x6], $0x80, s30, s20, $0xb8;
	[tilespmem:$0x1F380] =	vst v63  }
0x71: {  	_ =	swait.ge [sflag:s24], $0x2800  }
0x72: {  	[sflag:s24] =	ssyncset.done $0x0  }
0x73: {  	[sflag:s24] =	ssyncadd.s32 $0xFFFFD800  }
0x74: {  	_ =	swait.ge [sflag:s18], $0x50  }
0x75: {  	[sflag:s18] =	ssyncset.done $0x0  }
0x76: {  	[sflag:s18] =	ssyncadd.s32 $0xFFFFFFB0  }
0x77: {  	[spmem:s2] =	stream.indirect.scatter.add.f32 [tilespmem:s21], [sflag:$0x5], $0x80, s31, s20, $0xb8;
	[tilespmem:$0x1F380] =	vst v63  }
0x78: {  	_ =	swait.ge [sflag:s29], $0x2800  }
0x79: {  	[sflag:s29] =	ssyncset.done $0x0  }
0x7a: {  	[sflag:s29] =	ssyncadd.s32 $0xFFFFD800  }
0x7b: {  	_ =	swait.ge [sflag:s25], $0x2800  }
0x7c: {  	s19 =	sadd.s32 $0x1, s19;
	[sflag:s25] =	ssyncset.done $0x0  }
0x7d: {  	p0 =	sne.s32 s19, s13;
	[sflag:s25] =	ssyncadd.s32 $0xFFFFD800  }
.Ltmp1:
0x7e: {  	[bflag:$0x0] =	sbarrier.arrive $0xFFFF;
	(pc) =	sbr.rel @p0 .LBB2_1-.Ltmp1, $4  }
0x7f: {  	[hbm:s12], [sflag:s9] =	dma.local [spmem:s16], $0x2780  }
0x80: {  	_ =	swait.ge [sflag:s17], $0x2780  }
0x81: {  	[sflag:s17] =	ssyncset.done $0x0  }
0x82: {  	[sflag:s17] =	ssyncadd.s32 $0xFFFFD880  }
0x83: {  	_ =	sfence.sel $0x180000  }
0x84: {  	[bflag:$0x0] =	sbarrier.arrive $0xFFFF  }
0x85: {  	_ =	strace $0x90000050  }
0x86: {  	s0 =	stileid.u32;
	[bflag:$0x2] =	sbarrier.arrive $0xFFFF  }
0x87: {  	p0 =	sne.s32 s0, $0x0;
	s0 =	rddreg [dreg:$0x2]  }
0x88: {  	s0 =	sadd.s32 @!p0 $0x100000, s0  }
0x89: {  	[sflag:s0] =	ssyncadd.tile.s32 @!p0 $0x1;
	_ =	shalt  }
.Lfunc_end2:
_tile_overlayer_lowered:
.L_overlay_start_2:
0x8a: {  	(tag) =	ssettag $0x2  }
0x8b: {  	s0 =	rddreg [dreg:$0x0];
	s2 =	stileid.u32  }
0x8c: {  	s1 =	rddreg [dreg:$0x1];
	p0 =	sne.s32 s2, $0x0  }
0x8d: {  	s3 =	rddreg [dreg:$0x2];
	[bflag:$0x3] =	sbarrier.arrive $0xFFFF;
	s2 =	simm.s32 @!p0 $0x1C07  }
0x8e: {  	[timem:s3], [sflag:s2] =	dma.local @!p0 [hbm:s0], s1  }
0x8f: {  	s0 =	simm.s32 @!p0 $0x7  }
0x90: {  	_ =	swait.ge @!p0 [sflag:s0], s1  }
0x91: {  	s1 =	ssub.s32 @!p0 $0x0, s1;
	[sflag:s0] =	ssyncset.done @!p0 $0x0  }
0x92: {  	[sflag:s0] =	ssyncadd.s32 @!p0 s1  }
0x93: {  	[bflag:$0x3] =	sbarrier.arrive $0xFFFF  }
0x94: {  	_ =	shalt  }

</sc_bundles>
